<compile_context>
chip_gen: v7x
topology: tpu7x:2x2x1
jax: 0.10.2.dev20260603
libtpu: 0.0.44.dev20260713+nightly
codegen_flags: <defaults>
</compile_context>

<pallas_src>
import functools

import jax
import jax.numpy as jnp
from jax import lax
from jax.experimental import pallas as pl
from jax.experimental.pallas import tpu as pltpu
from jax.experimental.pallas import tpu_sc as plsc

F32 = jnp.float32
NC, NS = 2, 16
NW = NC * NS
SUB = 128
TW = 128
PW = 32
FW = 16


def _tables_body(hn_ref, pf_ref, w1s_ref, b1s_ref, w2s_ref, b2s_ref,
                 te_ref, tb_ref):
    x = hn_ref[...]
    feats = []
    for k in range(4):
        h = jnp.maximum(
            jnp.dot(x, w1s_ref[k], preferred_element_type=F32) + b1s_ref[k], 0.0)
        feats.append(jnp.dot(h, w2s_ref[k], preferred_element_type=F32) + b2s_ref[k])
    pos3 = pf_ref[:, 0:3]
    frag = pf_ref[:, 3:4]
    z = jnp.zeros((x.shape[0], TW - 36), F32)
    te_ref[...] = jnp.concatenate([feats[0], feats[1], pos3, frag, z], axis=1)
    tb_ref[...] = jnp.concatenate([feats[2], feats[3], pos3, frag, z], axis=1)


def _make_tables(n_nodes, node_dim, feat_dim, tn):
    grid = (n_nodes // tn,)
    out = jax.ShapeDtypeStruct((n_nodes, TW), F32)
    return pl.pallas_call(
        _tables_body,
        grid=grid,
        in_specs=[
            pl.BlockSpec((tn, node_dim), lambda i: (i, 0)),
            pl.BlockSpec((tn, 4), lambda i: (i, 0)),
            pl.BlockSpec((4, node_dim, feat_dim), lambda i: (0, 0, 0)),
            pl.BlockSpec((4, 1, feat_dim), lambda i: (0, 0, 0)),
            pl.BlockSpec((4, feat_dim, feat_dim), lambda i: (0, 0, 0)),
            pl.BlockSpec((4, 1, feat_dim), lambda i: (0, 0, 0)),
        ],
        out_specs=[pl.BlockSpec((tn, TW), lambda i: (i, 0))] * 2,
        out_shape=[out, out],
    )


def _make_gather(n_chunks, n_nodes):
    mesh = plsc.VectorSubcoreMesh(core_axis_name="c", subcore_axis_name="s")
    total = n_chunks * SUB * NW

    gsub = 64
    n_gch = n_chunks * (SUB // gsub)

    @functools.partial(
        pl.kernel, mesh=mesh,
        out_type=jax.ShapeDtypeStruct((total, PW), F32),
        scratch_types=[
            pltpu.VMEM((1, 1, gsub), jnp.int32),
            pltpu.VMEM((1, 1, gsub), jnp.int32),
            pltpu.VMEM((gsub, TW), F32),
            pltpu.VMEM((gsub, TW), F32),
            pltpu.VMEM((gsub, PW), F32),
            pltpu.VMEM_SHARED((n_nodes, TW), F32),
            pltpu.SemaphoreType.DMA,
            pltpu.SemaphoreType.DMA,
        ],
    )
    def gather_k(t_hbm, il_hbm, ir_hbm, p_hbm,
                 il_v, ir_v, g1_v, g2_v, p_v, t_sh, s1, s2):
        sid = lax.axis_index("s")
        wid = sid * NC + lax.axis_index("c")
        base = wid * n_gch

        @pl.when(sid == 0)
        def _():
            pltpu.sync_copy(t_hbm, t_sh)

        plsc.subcore_barrier()
        is3 = lax.iota(jnp.int32, 16) == 3

        def body(j, carry):
            pltpu.sync_copy(il_hbm.at[pl.ds(base + j, 1)], il_v)
            pltpu.sync_copy(ir_hbm.at[pl.ds(base + j, 1)], ir_v)
            c1 = pltpu.async_copy(t_sh.at[il_v.at[0, 0]], g1_v, s1)
            c2 = pltpu.async_copy(t_sh.at[ir_v.at[0, 0]], g2_v, s2)
            c1.wait()
            c2.wait()

            def inner(i2, carry2):
                for u in range(4):
                    i = i2 * 4 + u
                    a = g1_v[i, pl.ds(0, 16)]
                    b = g2_v[i, pl.ds(16, 16)]
                    s1v = g1_v[i, pl.ds(32, 16)]
                    s2v = g2_v[i, pl.ds(32, 16)]
                    p_v[i, pl.ds(0, 16)] = a * b
                    p_v[i, pl.ds(16, 16)] = jnp.where(is3, s1v, s1v - s2v)
                return carry2

            lax.fori_loop(0, gsub // 4, inner, 0)
            pltpu.sync_copy(p_v, p_hbm.at[pl.ds((base + j) * gsub, gsub)])
            return carry

        lax.fori_loop(0, n_gch, body, 0)

    return gather_k


def _dense_body(p_ref, hx_ref, wb_ref, wn_ref, w1_ref, b1_ref,
                w2p_ref, b2p_ref, f_ref):
    p = p_ref[...]
    lre = p[:, 0:16]
    x = (jnp.dot(hx_ref[...], wb_ref[...], preferred_element_type=F32)
         * jnp.dot(lre, wn_ref[...], preferred_element_type=F32))
    h = jnp.maximum(jnp.dot(x, w1_ref[...], preferred_element_type=F32)
                    + b1_ref[...], 0.0)
    wgt = jnp.dot(h, w2p_ref[...], preferred_element_type=F32) + b2p_ref[...]
    w0 = wgt[:, 0:1]
    pd = p[:, 16:19]
    msk = p[:, 19:20]
    f3 = (w0 * msk) * pd
    rows = p.shape[0]
    f_ref[...] = jnp.concatenate([f3, jnp.zeros((rows, FW - 3), F32)], axis=1)


def _make_dense(total, xdim, te):
    grid = (total // te,)
    return pl.pallas_call(
        _dense_body,
        grid=grid,
        in_specs=[
            pl.BlockSpec((te, PW), lambda i: (i, 0)),
            pl.BlockSpec((te, xdim), lambda i: (i, 0)),
            pl.BlockSpec((xdim, 128), lambda i: (0, 0)),
            pl.BlockSpec((16, 128), lambda i: (0, 0)),
            pl.BlockSpec((128, 128), lambda i: (0, 0)),
            pl.BlockSpec((1, 128), lambda i: (0, 0)),
            pl.BlockSpec((128, 8), lambda i: (0, 0)),
            pl.BlockSpec((1, 8), lambda i: (0, 0)),
        ],
        out_specs=pl.BlockSpec((te, FW), lambda i: (i, 0)),
        out_shape=jax.ShapeDtypeStruct((total, FW), F32),
    )


def _make_scatter(nch_e, nch_b, n_nodes):
    mesh = plsc.VectorSubcoreMesh(core_axis_name="c", subcore_axis_name="s")
    nch_max = max(nch_e, nch_b)

    @functools.partial(
        pl.kernel, mesh=mesh,
        compiler_params=pltpu.CompilerParams(needs_layout_passes=False),
        out_type=jax.ShapeDtypeStruct((NW, 4 * n_nodes), F32),
        scratch_types=[
            pltpu.VMEM((nch_max, 1, SUB), jnp.int32),
            pltpu.VMEM((SUB, FW), F32),
            pltpu.VMEM((SUB, FW), F32),
            pltpu.VMEM((4 * n_nodes,), F32),
            pltpu.SemaphoreType.DMA,
            pltpu.SemaphoreType.DMA,
        ],
    )
    def scatter_k(fe_hbm, ile_hbm, fb_hbm, ilb_hbm, zeros_hbm, out_hbm,
                  idx_v, fa_v, fb_v, acc_v, sa, sb):
        wid = lax.axis_index("s") * NC + lax.axis_index("c")
        pltpu.sync_copy(zeros_hbm, acc_v)
        lane = lax.iota(jnp.int32, 16)

        def phase(f_hbm, i_hbm, nch):
            base = wid * nch
            pltpu.sync_copy(i_hbm.at[pl.ds(base, nch)],
                            idx_v.at[pl.ds(0, nch)])

            def chew(j, f_v):
                for kk in range(SUB // 16):
                    idxreg4 = idx_v[j, 0, pl.ds(kk * 16, 16)] * 4
                    rowidx = lane + kk * 16
                    for c in range(3):
                        vals = plsc.load_gather(f_v, [rowidx, lane * 0 + c])
                        plsc.addupdate_scatter(acc_v, [idxreg4 + c], vals)

            def wait_f(f_v, s):
                pltpu.make_async_copy(
                    f_hbm.at[pl.ds(0, SUB)], f_v, s).wait()

            pltpu.async_copy(f_hbm.at[pl.ds(base * SUB, SUB)], fa_v, sa)

            def body(j2, carry):
                c0 = j2 * 2
                pltpu.async_copy(
                    f_hbm.at[pl.ds((base + c0 + 1) * SUB, SUB)], fb_v, sb)
                wait_f(fa_v, sa)
                chew(c0, fa_v)

                @pl.when(j2 + 1 < nch // 2)
                def _():
                    pltpu.async_copy(
                        f_hbm.at[pl.ds((base + c0 + 2) * SUB, SUB)], fa_v, sa)

                wait_f(fb_v, sb)
                chew(c0 + 1, fb_v)
                return carry

            lax.fori_loop(0, nch // 2, body, 0)

        phase(fe_hbm, ile_hbm, nch_e)
        phase(fb_hbm, ilb_hbm, nch_b)
        pltpu.sync_copy(acc_v, out_hbm.at[wid])

    return scatter_k


def _final_body(pos_ref, p_ref, out_ref):
    d = jnp.sum(p_ref[...], axis=0)[:, 0:3] * 0.1
    out_ref[...] = pos_ref[...] + d


def _make_final(n_nodes, tn):
    grid = (n_nodes // tn,)
    return pl.pallas_call(
        _final_body,
        grid=grid,
        in_specs=[
            pl.BlockSpec((tn, 3), lambda i: (i, 0)),
            pl.BlockSpec((NW, tn, 4), lambda i: (0, i, 0)),
        ],
        out_specs=pl.BlockSpec((tn, 3), lambda i: (i, 0)),
        out_shape=jax.ShapeDtypeStruct((n_nodes, 3), F32),
    )


def _prep_idx(idx, n_chunks):
    total = NW * n_chunks * SUB
    idxp = jnp.pad(idx, (0, total - idx.shape[0]))
    return idxp.reshape(NW * n_chunks, 1, SUB)


def kernel(h_node, pos_node, h_bond, bond_index, h_edge, edge_index, is_frag,
           params):
    n_nodes, node_dim = h_node.shape
    n_e = edge_index.shape[1]
    n_b = bond_index.shape[1]
    feat_dim = params["left_lin_edge"]["W2"].shape[1]

    names = ("left_lin_edge", "right_lin_edge", "left_lin_bond", "right_lin_bond")
    w1s = jnp.stack([params[k]["W1"] for k in names])
    b1s = jnp.stack([params[k]["b1"][None, :] for k in names])
    w2s = jnp.stack([params[k]["W2"] for k in names])
    b2s = jnp.stack([params[k]["b2"][None, :] for k in names])
    pf = jnp.concatenate([pos_node, is_frag.astype(F32)[:, None]], axis=1)
    te, tb = _make_tables(n_nodes, node_dim, feat_dim, 1000)(
        h_node, pf, w1s, b1s, w2s, b2s)

    per_w = NW * SUB
    nch_e = -(-n_e // per_w)
    nch_b = -(-n_b // per_w)
    nch_e += nch_e % 2
    nch_b += nch_b % 2
    e_pad = nch_e * per_w
    b_pad = nch_b * per_w
    ile = _prep_idx(edge_index[0], nch_e)
    ire = _prep_idx(edge_index[1], nch_e)
    ilb = _prep_idx(bond_index[0], nch_b)
    irb = _prep_idx(bond_index[1], nch_b)
    pe = _make_gather(nch_e, n_nodes)(
        te, ile.reshape(-1, 1, 64), ire.reshape(-1, 1, 64))
    pb = _make_gather(nch_b, n_nodes)(
        tb, ilb.reshape(-1, 1, 64), irb.reshape(-1, 1, 64))

    def ffn_w(p):
        inter = p["inter"]
        return (p["Wb"], p["Wn"], inter["W1"], inter["b1"][None, :],
                jnp.pad(inter["W2"], ((0, 0), (0, 7))),
                jnp.pad(inter["b2"], (0, 7))[None, :])

    he = jnp.pad(h_edge, ((0, e_pad - n_e), (0, 0)))
    hb = jnp.pad(h_bond, ((0, b_pad - n_b), (0, 0)))
    fe = _make_dense(e_pad, h_edge.shape[1], 1024)(
        pe, he, *ffn_w(params["edge_lin"]))
    fb = _make_dense(b_pad, h_bond.shape[1], 1024)(
        pb, hb, *ffn_w(params["bond_lin"]))

    partials = _make_scatter(nch_e, nch_b, n_nodes)(
        fe, ile, fb, ilb, jnp.zeros((4 * n_nodes,), F32))
    partials = partials.reshape(NW, n_nodes, 4)

    return _make_final(n_nodes, 1000)(pos_node, partials)

# --- scband reference (transcript-rebuilt; emitter-appended) ---
"""Pipeline reference for scband-pos-predictor-12017318494549 (READ-ONLY COPY).

The authoritative reference and input builder live on the scoring server;
editing this copy changes nothing except your own understanding.
"""

import jax, jax.numpy as jnp
import numpy as np

N = 10000
E = 320000
B = 160000
NODE_DIM = 128
EDGE_DIM = 16
BOND_DIM = 16


def _mlp_params(key, din, dout, hidden):
    k1, k2 = jax.random.split(key)
    s1 = 1.0 / np.sqrt(din)
    s2 = 1.0 / np.sqrt(hidden)
    return {
        "W1": jax.random.uniform(k1, (din, hidden), minval=-s1, maxval=s1, dtype=jnp.float32),
        "b1": jnp.zeros((hidden,), jnp.float32),
        "W2": jax.random.uniform(k2, (hidden, dout), minval=-s2, maxval=s2, dtype=jnp.float32),
        "b2": jnp.zeros((dout,), jnp.float32),
    }


def _bondffn_params(key, bond_dim, node_dim, inter_dim, out_dim):
    k1, k2, k3 = jax.random.split(key, 3)
    sb = 1.0 / np.sqrt(bond_dim)
    sn = 1.0 / np.sqrt(node_dim)
    return {
        "Wb": jax.random.uniform(k1, (bond_dim, inter_dim), minval=-sb, maxval=sb, dtype=jnp.float32),
        "Wn": jax.random.uniform(k2, (node_dim, inter_dim), minval=-sn, maxval=sn, dtype=jnp.float32),
        "inter": _mlp_params(k3, inter_dim, out_dim, inter_dim),
    }


def _mlp(p, x):
    h = jax.nn.relu(x @ p["W1"] + p["b1"])
    return h @ p["W2"] + p["b2"]


def _bondffn(p, bond_in, node_in):
    # use_gate=False path: bond_linear * node_linear -> inter MLP (time arg unused)
    return _mlp(p["inter"], (bond_in @ p["Wb"]) * (node_in @ p["Wn"]))


def setup_inputs(seed: int = 0):
    key = jax.random.key(seed)
    ks = jax.random.split(key, 16)
    h_node = jax.random.normal(ks[0], (N, NODE_DIM), jnp.float32)
    pos_node = jax.random.normal(ks[1], (N, 3), jnp.float32)
    h_edge = jax.random.normal(ks[2], (E, EDGE_DIM), jnp.float32)
    h_bond = jax.random.normal(ks[3], (B, BOND_DIM), jnp.float32)
    edge_index = jax.random.randint(ks[4], (2, E), 0, N).astype(jnp.int32)
    bond_index = jax.random.randint(ks[5], (2, B), 0, N).astype(jnp.int32)
    is_frag = jax.random.randint(ks[6], (N,), 0, 2).astype(bool)
    params = {
        "left_lin_edge": _mlp_params(ks[7], NODE_DIM, EDGE_DIM, EDGE_DIM),
        "right_lin_edge": _mlp_params(ks[8], NODE_DIM, EDGE_DIM, EDGE_DIM),
        "edge_lin": _bondffn_params(ks[9], EDGE_DIM, EDGE_DIM, NODE_DIM, 1),
        "left_lin_bond": _mlp_params(ks[10], NODE_DIM, BOND_DIM, BOND_DIM),
        "right_lin_bond": _mlp_params(ks[11], NODE_DIM, BOND_DIM, BOND_DIM),
        "bond_lin": _bondffn_params(ks[12], BOND_DIM, BOND_DIM, NODE_DIM, 1),
    }
    return {"h_node": h_node, "pos_node": pos_node, "h_bond": h_bond,
            "bond_index": bond_index, "h_edge": h_edge, "edge_index": edge_index,
            "is_frag": is_frag, "params": params}


def reference(h_node, pos_node, h_bond, bond_index, h_edge, edge_index, is_frag, params):
    # edge branch
    mask_e = is_frag[edge_index[0]]
    ei_l = edge_index[0]
    ei_r = edge_index[1]
    left_feat = _mlp(params["left_lin_edge"], h_node[ei_l])
    right_feat = _mlp(params["right_lin_edge"], h_node[ei_r])
    weight_edge = _bondffn(params["edge_lin"], h_edge, left_feat * right_feat)
    force_edge = weight_edge * (pos_node[ei_l] - pos_node[ei_r])
    force_edge = jnp.where(mask_e[:, None], force_edge, jnp.zeros_like(force_edge))
    delta_pos = jnp.zeros((h_node.shape[0], 3), h_node.dtype).at[ei_l].add(force_edge)
    # bond branch (bond_dim > 0)
    mask_b = is_frag[bond_index[0]]
    bi_l = bond_index[0]
    bi_r = bond_index[1]
    lf = _mlp(params["left_lin_bond"], h_node[bi_l])
    rf = _mlp(params["right_lin_bond"], h_node[bi_r])
    weight_bond = _bondffn(params["bond_lin"], h_bond, lf * rf)
    force_bond = weight_bond * (pos_node[bi_l] - pos_node[bi_r])
    force_bond = jnp.where(mask_b[:, None], force_bond, jnp.zeros_like(force_bond))
    delta_pos = delta_pos.at[bi_l].add(force_bond)
    pos_update = pos_node + delta_pos / 10.0
    return pos_update

if __name__ == "__main__":
    import jax
    _d = setup_inputs()
    print(jax.jit(kernel)(*tuple(_d.values())))

</pallas_src>

<mosaic_0001>
#map = affine_map<(d0, d1) -> (0, 0)>
#map1 = affine_map<(d0, d1) -> (0, 0, 0)>
module attributes {stable_mosaic.version = 14 : i64} {
  func.func @gather_k(%arg0: i32, %arg1: i32, %arg2: memref<10000x128xf32, #tpu.memory_space<hbm>>, %arg3: memref<5120x1x64xi32, #tpu.memory_space<hbm>>, %arg4: memref<5120x1x64xi32, #tpu.memory_space<hbm>>, %arg5: memref<327680x32xf32, #tpu.memory_space<hbm>>, %arg6: memref<1x1x64xi32, #tpu.memory_space<vmem>>, %arg7: memref<1x1x64xi32, #tpu.memory_space<vmem>>, %arg8: memref<64x128xf32, #tpu.memory_space<vmem>>, %arg9: memref<64x128xf32, #tpu.memory_space<vmem>>, %arg10: memref<64x32xf32, #tpu.memory_space<vmem>>, %arg11: memref<10000x128xf32, #tpu.memory_space<vmem_shared>>, %arg12: memref<!tpu.dma_semaphore, #tpu.memory_space<semaphore_mem>>, %arg13: memref<!tpu.dma_semaphore, #tpu.memory_space<semaphore_mem>>) attributes {dimension_semantics = [#tpu.dimension_semantics<core_parallel>, #tpu.dimension_semantics<subcore_parallel>], iteration_bounds = array<i64: 2, 16>, scalar_prefetch = 0 : i64, scratch_operands = 8 : i64, tpu.core_type = #tpu.core_type<sc_vector_subcore>, window_params = [{transform_indices = #map}, {transform_indices = #map1}, {transform_indices = #map1}, {transform_indices = #map}]} {
    %mul3A = arith.constant 2 : i32
    %mul3A_0 = arith.muli %arg1, %mul3A : i32
    %add3A = arith.addi %mul3A_0, %arg0 : i32
    %mul3A_1 = arith.constant 160 : i32
    %mul3A_2 = arith.muli %add3A, %mul3A_1 : i32
    %eq3A = arith.constant 0 : i32
    %eq3A_3 = arith.cmpi eq, %arg1, %eq3A : i32
    %convert_element_type3A = arith.extui %eq3A_3 : i1 to i32
    %cond3A = arith.constant 0 : i32
    %cond3A_4 = arith.cmpi ne, %convert_element_type3A, %cond3A : i32
    scf.if %cond3A_4 {
      "tpu.region"() ({
        %run_scoped3A = tpu.sem_alloc : memref<!tpu.dma_semaphore, #tpu.memory_space<semaphore_mem>>
        tpu.enqueue_dma source(%arg2 : memref<10000x128xf32, #tpu.memory_space<hbm>>) target(%arg11 : memref<10000x128xf32, #tpu.memory_space<vmem_shared>>) target_semaphore(%run_scoped3A : memref<!tpu.dma_semaphore, #tpu.memory_space<semaphore_mem>>)
        tpu.wait_dma2 semaphore(%run_scoped3A : memref<!tpu.dma_semaphore, #tpu.memory_space<semaphore_mem>>) src(%arg2 : memref<10000x128xf32, #tpu.memory_space<hbm>>) dst(%arg11 : memref<10000x128xf32, #tpu.memory_space<vmem_shared>>)
        tpu.yield
      }) : () -> ()
    } else {
    }
    %barrier3A = arith.constant 0 : index
    tpu.barrier barrier_id(%barrier3A)
    %iota3A = tpu.iota {dimensions = array<i32: 0>} : vector<16xi32>
    %eq3A_5 = arith.constant 3 : i32
    %eq3A_6 = vector.broadcast %eq3A_5 : i32 to vector<16xi32>
    %eq3A_7 = arith.cmpi eq, %iota3A, %eq3A_6 : vector<16xi32>
    %scan3A = arith.constant 0 : i32
    %scan3A_8 = arith.constant 0 : i32
    %scan3A_9 = arith.constant 160 : i32
    %scan3A_10 = arith.addi %scan3A_8, %scan3A_9 : i32
    %scan3A_11 = arith.constant 1 : i32
    scf.for %scan3A_13 = %scan3A_8 to %scan3A_10 step %scan3A_11  : i32 {
      %add3A_14 = arith.addi %mul3A_2, %scan3A_13 : i32
      "tpu.region"() ({
        %run_scoped3A = tpu.sem_alloc : memref<!tpu.dma_semaphore, #tpu.memory_space<semaphore_mem>>
        %dma_start3A_55 = arith.constant 0 : i32
        %dma_start3A_56 = arith.constant 0 : i32
        %dma_start3A_57 = tpu.memref_slice %arg3[%add3A_14, %dma_start3A_55, %dma_start3A_56] : memref<5120x1x64xi32, #tpu.memory_space<hbm>> -> memref<1x1x64xi32, #tpu.memory_space<hbm>>
        %dma_start3A_58 = arith.constant 0 : i32
        %dma_start3A_59 = arith.constant 0 : i32
        %dma_start3A_60 = tpu.memref_slice %arg3[%add3A_14, %dma_start3A_58, %dma_start3A_59] : memref<5120x1x64xi32, #tpu.memory_space<hbm>> -> memref<1x1x64xi32, #tpu.memory_space<hbm>>
        tpu.enqueue_dma source(%dma_start3A_60 : memref<1x1x64xi32, #tpu.memory_space<hbm>>) target(%arg6 : memref<1x1x64xi32, #tpu.memory_space<vmem>>) target_semaphore(%run_scoped3A : memref<!tpu.dma_semaphore, #tpu.memory_space<semaphore_mem>>)
        %dma_wait3A_61 = arith.constant 0 : i32
        %dma_wait3A_62 = arith.constant 0 : i32
        %dma_wait3A_63 = tpu.memref_slice %arg3[%add3A_14, %dma_wait3A_61, %dma_wait3A_62] : memref<5120x1x64xi32, #tpu.memory_space<hbm>> -> memref<1x1x64xi32, #tpu.memory_space<hbm>>
        %dma_wait3A_64 = arith.constant 0 : i32
        %dma_wait3A_65 = arith.constant 0 : i32
        %dma_wait3A_66 = tpu.memref_slice %arg3[%add3A_14, %dma_wait3A_64, %dma_wait3A_65] : memref<5120x1x64xi32, #tpu.memory_space<hbm>> -> memref<1x1x64xi32, #tpu.memory_space<hbm>>
        tpu.wait_dma2 semaphore(%run_scoped3A : memref<!tpu.dma_semaphore, #tpu.memory_space<semaphore_mem>>) src(%dma_wait3A_66 : memref<1x1x64xi32, #tpu.memory_space<hbm>>) dst(%arg6 : memref<1x1x64xi32, #tpu.memory_space<vmem>>)
        tpu.yield
      }) : () -> ()
      %add3A_15 = arith.addi %mul3A_2, %scan3A_13 : i32
      "tpu.region"() ({
        %run_scoped3A = tpu.sem_alloc : memref<!tpu.dma_semaphore, #tpu.memory_space<semaphore_mem>>
        %dma_start3A_55 = arith.constant 0 : i32
        %dma_start3A_56 = arith.constant 0 : i32
        %dma_start3A_57 = tpu.memref_slice %arg4[%add3A_15, %dma_start3A_55, %dma_start3A_56] : memref<5120x1x64xi32, #tpu.memory_space<hbm>> -> memref<1x1x64xi32, #tpu.memory_space<hbm>>
        %dma_start3A_58 = arith.constant 0 : i32
        %dma_start3A_59 = arith.constant 0 : i32
        %dma_start3A_60 = tpu.memref_slice %arg4[%add3A_15, %dma_start3A_58, %dma_start3A_59] : memref<5120x1x64xi32, #tpu.memory_space<hbm>> -> memref<1x1x64xi32, #tpu.memory_space<hbm>>
        tpu.enqueue_dma source(%dma_start3A_60 : memref<1x1x64xi32, #tpu.memory_space<hbm>>) target(%arg7 : memref<1x1x64xi32, #tpu.memory_space<vmem>>) target_semaphore(%run_scoped3A : memref<!tpu.dma_semaphore, #tpu.memory_space<semaphore_mem>>)
        %dma_wait3A_61 = arith.constant 0 : i32
        %dma_wait3A_62 = arith.constant 0 : i32
        %dma_wait3A_63 = tpu.memref_slice %arg4[%add3A_15, %dma_wait3A_61, %dma_wait3A_62] : memref<5120x1x64xi32, #tpu.memory_space<hbm>> -> memref<1x1x64xi32, #tpu.memory_space<hbm>>
        %dma_wait3A_64 = arith.constant 0 : i32
        %dma_wait3A_65 = arith.constant 0 : i32
        %dma_wait3A_66 = tpu.memref_slice %arg4[%add3A_15, %dma_wait3A_64, %dma_wait3A_65] : memref<5120x1x64xi32, #tpu.memory_space<hbm>> -> memref<1x1x64xi32, #tpu.memory_space<hbm>>
        tpu.wait_dma2 semaphore(%run_scoped3A : memref<!tpu.dma_semaphore, #tpu.memory_space<semaphore_mem>>) src(%dma_wait3A_66 : memref<1x1x64xi32, #tpu.memory_space<hbm>>) dst(%arg7 : memref<1x1x64xi32, #tpu.memory_space<vmem>>)
        tpu.yield
      }) : () -> ()
      %dma_start3A = arith.constant 0 : i32
      %dma_start3A_16 = arith.constant 0 : i32
      %dma_start3A_17 = arith.constant 0 : i32
      %dma_start3A_18 = tpu.memref_slice %arg6[%dma_start3A, %dma_start3A_16, %dma_start3A_17] : memref<1x1x64xi32, #tpu.memory_space<vmem>> -> memref<1x1x64xi32, #tpu.memory_space<vmem>>
      %dma_start3A_19 = tpu.memref_squeeze %dma_start3A_18 : memref<1x1x64xi32, #tpu.memory_space<vmem>> -> memref<64xi32, #tpu.memory_space<vmem>>
      %dma_start3A_20 = arith.constant 0 : i32
      %dma_start3A_21 = arith.constant 0 : i32
      %dma_start3A_22 = tpu.memref_slice %arg11[%dma_start3A_20, %dma_start3A_21] : memref<10000x128xf32, #tpu.memory_space<vmem_shared>> -> memref<10000x128xf32, #tpu.memory_space<vmem_shared>>
      tpu.enqueue_indirect_dma source(%dma_start3A_22 : memref<10000x128xf32, #tpu.memory_space<vmem_shared>>) target(%arg8 : memref<64x128xf32, #tpu.memory_space<vmem>>) offsets(%dma_start3A_19 : memref<64xi32, #tpu.memory_space<vmem>>) semaphore(%arg12 : memref<!tpu.dma_semaphore, #tpu.memory_space<semaphore_mem>>)
      %dma_start3A_23 = arith.constant 0 : i32
      %dma_start3A_24 = arith.constant 0 : i32
      %dma_start3A_25 = arith.constant 0 : i32
      %dma_start3A_26 = tpu.memref_slice %arg7[%dma_start3A_23, %dma_start3A_24, %dma_start3A_25] : memref<1x1x64xi32, #tpu.memory_space<vmem>> -> memref<1x1x64xi32, #tpu.memory_space<vmem>>
      %dma_start3A_27 = tpu.memref_squeeze %dma_start3A_26 : memref<1x1x64xi32, #tpu.memory_space<vmem>> -> memref<64xi32, #tpu.memory_space<vmem>>
      %dma_start3A_28 = arith.constant 0 : i32
      %dma_start3A_29 = arith.constant 0 : i32
      %dma_start3A_30 = tpu.memref_slice %arg11[%dma_start3A_28, %dma_start3A_29] : memref<10000x128xf32, #tpu.memory_space<vmem_shared>> -> memref<10000x128xf32, #tpu.memory_space<vmem_shared>>
      tpu.enqueue_indirect_dma source(%dma_start3A_30 : memref<10000x128xf32, #tpu.memory_space<vmem_shared>>) target(%arg9 : memref<64x128xf32, #tpu.memory_space<vmem>>) offsets(%dma_start3A_27 : memref<64xi32, #tpu.memory_space<vmem>>) semaphore(%arg13 : memref<!tpu.dma_semaphore, #tpu.memory_space<semaphore_mem>>)
      %dma_wait3A = arith.constant 0 : i32
      %dma_wait3A_31 = arith.constant 0 : i32
      %dma_wait3A_32 = arith.constant 0 : i32
      %dma_wait3A_33 = tpu.memref_slice %arg6[%dma_wait3A, %dma_wait3A_31, %dma_wait3A_32] : memref<1x1x64xi32, #tpu.memory_space<vmem>> -> memref<1x1x64xi32, #tpu.memory_space<vmem>>
      %dma_wait3A_34 = tpu.memref_squeeze %dma_wait3A_33 : memref<1x1x64xi32, #tpu.memory_space<vmem>> -> memref<64xi32, #tpu.memory_space<vmem>>
      %dma_wait3A_35 = arith.constant 0 : i32
      %dma_wait3A_36 = arith.constant 0 : i32
      %dma_wait3A_37 = tpu.memref_slice %arg11[%dma_wait3A_35, %dma_wait3A_36] : memref<10000x128xf32, #tpu.memory_space<vmem_shared>> -> memref<10000x128xf32, #tpu.memory_space<vmem_shared>>
      tpu.wait_indirect_dma semaphore(%arg12 : memref<!tpu.dma_semaphore, #tpu.memory_space<semaphore_mem>>) src(%dma_wait3A_37 : memref<10000x128xf32, #tpu.memory_space<vmem_shared>>) dst(%arg8 : memref<64x128xf32, #tpu.memory_space<vmem>>)
      %dma_wait3A_38 = arith.constant 0 : i32
      %dma_wait3A_39 = arith.constant 0 : i32
      %dma_wait3A_40 = arith.constant 0 : i32
      %dma_wait3A_41 = tpu.memref_slice %arg7[%dma_wait3A_38, %dma_wait3A_39, %dma_wait3A_40] : memref<1x1x64xi32, #tpu.memory_space<vmem>> -> memref<1x1x64xi32, #tpu.memory_space<vmem>>
      %dma_wait3A_42 = tpu.memref_squeeze %dma_wait3A_41 : memref<1x1x64xi32, #tpu.memory_space<vmem>> -> memref<64xi32, #tpu.memory_space<vmem>>
      %dma_wait3A_43 = arith.constant 0 : i32
      %dma_wait3A_44 = arith.constant 0 : i32
      %dma_wait3A_45 = tpu.memref_slice %arg11[%dma_wait3A_43, %dma_wait3A_44] : memref<10000x128xf32, #tpu.memory_space<vmem_shared>> -> memref<10000x128xf32, #tpu.memory_space<vmem_shared>>
      tpu.wait_indirect_dma semaphore(%arg13 : memref<!tpu.dma_semaphore, #tpu.memory_space<semaphore_mem>>) src(%dma_wait3A_45 : memref<10000x128xf32, #tpu.memory_space<vmem_shared>>) dst(%arg9 : memref<64x128xf32, #tpu.memory_space<vmem>>)
      %scan3A_46 = arith.constant 0 : i32
      %scan3A_47 = arith.constant 0 : i32
      %scan3A_48 = arith.constant 16 : i32
      %scan3A_49 = arith.addi %scan3A_47, %scan3A_48 : i32
      %scan3A_50 = arith.constant 1 : i32
      scf.for %scan3A_55 = %scan3A_47 to %scan3A_49 step %scan3A_50  : i32 {
        %mul3A_56 = arith.constant 4 : i32
        %mul3A_57 = arith.muli %scan3A_55, %mul3A_56 : i32
        %add3A_58 = arith.constant 0 : i32
        %add3A_59 = arith.addi %mul3A_57, %add3A_58 : i32
        %get3A = arith.index_cast %add3A_59 : i32 to index
        %get3A_60 = arith.constant 0 : index
        %get3A_61 = tpu.vector_load %arg8[%get3A, %get3A_60] {strides = array<i32>} : memref<64x128xf32, #tpu.memory_space<vmem>>, vector<1x16xf32>,
        %get3A_62 = vector.shape_cast %get3A_61 : vector<1x16xf32> to vector<16xf32>
        %get3A_63 = arith.index_cast %add3A_59 : i32 to index
        %get3A_64 = arith.constant 16 : index
        %get3A_65 = tpu.vector_load %arg9[%get3A_63, %get3A_64] {strides = array<i32>} : memref<64x128xf32, #tpu.memory_space<vmem>>, vector<1x16xf32>,
        %get3A_66 = vector.shape_cast %get3A_65 : vector<1x16xf32> to vector<16xf32>
        %get3A_67 = arith.index_cast %add3A_59 : i32 to index
        %get3A_68 = arith.constant 32 : index
        %get3A_69 = tpu.vector_load %arg8[%get3A_67, %get3A_68] {strides = array<i32>} : memref<64x128xf32, #tpu.memory_space<vmem>>, vector<1x16xf32>,
        %get3A_70 = vector.shape_cast %get3A_69 : vector<1x16xf32> to vector<16xf32>
        %get3A_71 = arith.index_cast %add3A_59 : i32 to index
        %get3A_72 = arith.constant 32 : index
        %get3A_73 = tpu.vector_load %arg9[%get3A_71, %get3A_72] {strides = array<i32>} : memref<64x128xf32, #tpu.memory_space<vmem>>, vector<1x16xf32>,
        %get3A_74 = vector.shape_cast %get3A_73 : vector<1x16xf32> to vector<16xf32>
        %mul3A_75 = arith.mulf %get3A_62, %get3A_66 : vector<16xf32>
        %swap3A = arith.index_cast %add3A_59 : i32 to index
        %swap3A_76 = arith.constant 0 : index
        %swap3A_77 = tpu.vector_load %arg10[%swap3A, %swap3A_76] {strides = array<i32>} : memref<64x32xf32, #tpu.memory_space<vmem>>, vector<1x16xf32>,
        %swap3A_78 = vector.shape_cast %swap3A_77 : vector<1x16xf32> to vector<16xf32>
        %swap3A_79 = vector.shape_cast %mul3A_75 : vector<16xf32> to vector<1x16xf32>
        tpu.vector_store %arg10[%swap3A, %swap3A_76], %swap3A_79 {strides = array<i32>} : memref<64x32xf32, #tpu.memory_space<vmem>>, vector<1x16xf32>,
        %sub3A = arith.subf %get3A_70, %get3A_74 : vector<16xf32>
        %select_n3A = arith.select %eq3A_7, %get3A_70, %sub3A : vector<16xi1>, vector<16xf32>
        %swap3A_80 = arith.index_cast %add3A_59 : i32 to index
        %swap3A_81 = arith.constant 16 : index
        %swap3A_82 = tpu.vector_load %arg10[%swap3A_80, %swap3A_81] {strides = array<i32>} : memref<64x32xf32, #tpu.memory_space<vmem>>, vector<1x16xf32>,
        %swap3A_83 = vector.shape_cast %swap3A_82 : vector<1x16xf32> to vector<16xf32>
        %swap3A_84 = vector.shape_cast %select_n3A : vector<16xf32> to vector<1x16xf32>
        tpu.vector_store %arg10[%swap3A_80, %swap3A_81], %swap3A_84 {strides = array<i32>} : memref<64x32xf32, #tpu.memory_space<vmem>>, vector<1x16xf32>,
        %mul3A_85 = arith.constant 4 : i32
        %mul3A_86 = arith.muli %scan3A_55, %mul3A_85 : i32
        %add3A_87 = arith.constant 1 : i32
        %add3A_88 = arith.addi %mul3A_86, %add3A_87 : i32
        %get3A_89 = arith.index_cast %add3A_88 : i32 to index
        %get3A_90 = arith.constant 0 : index
        %get3A_91 = tpu.vector_load %arg8[%get3A_89, %get3A_90] {strides = array<i32>} : memref<64x128xf32, #tpu.memory_space<vmem>>, vector<1x16xf32>,
        %get3A_92 = vector.shape_cast %get3A_91 : vector<1x16xf32> to vector<16xf32>
        %get3A_93 = arith.index_cast %add3A_88 : i32 to index
        %get3A_94 = arith.constant 16 : index
        %get3A_95 = tpu.vector_load %arg9[%get3A_93, %get3A_94] {strides = array<i32>} : memref<64x128xf32, #tpu.memory_space<vmem>>, vector<1x16xf32>,
        %get3A_96 = vector.shape_cast %get3A_95 : vector<1x16xf32> to vector<16xf32>
        %get3A_97 = arith.index_cast %add3A_88 : i32 to index
        %get3A_98 = arith.constant 32 : index
        %get3A_99 = tpu.vector_load %arg8[%get3A_97, %get3A_98] {strides = array<i32>} : memref<64x128xf32, #tpu.memory_space<vmem>>, vector<1x16xf32>,
        %get3A_100 = vector.shape_cast %get3A_99 : vector<1x16xf32> to vector<16xf32>
        %get3A_101 = arith.index_cast %add3A_88 : i32 to index
        %get3A_102 = arith.constant 32 : index
        %get3A_103 = tpu.vector_load %arg9[%get3A_101, %get3A_102] {strides = array<i32>} : memref<64x128xf32, #tpu.memory_space<vmem>>, vector<1x16xf32>,
        %get3A_104 = vector.shape_cast %get3A_103 : vector<1x16xf32> to vector<16xf32>
        %mul3A_105 = arith.mulf %get3A_92, %get3A_96 : vector<16xf32>
        %swap3A_106 = arith.index_cast %add3A_88 : i32 to index
        %swap3A_107 = arith.constant 0 : index
        %swap3A_108 = tpu.vector_load %arg10[%swap3A_106, %swap3A_107] {strides = array<i32>} : memref<64x32xf32, #tpu.memory_space<vmem>>, vector<1x16xf32>,
        %swap3A_109 = vector.shape_cast %swap3A_108 : vector<1x16xf32> to vector<16xf32>
        %swap3A_110 = vector.shape_cast %mul3A_105 : vector<16xf32> to vector<1x16xf32>
        tpu.vector_store %arg10[%swap3A_106, %swap3A_107], %swap3A_110 {strides = array<i32>} : memref<64x32xf32, #tpu.memory_space<vmem>>, vector<1x16xf32>,
        %sub3A_111 = arith.subf %get3A_100, %get3A_104 : vector<16xf32>
        %select_n3A_112 = arith.select %eq3A_7, %get3A_100, %sub3A_111 : vector<16xi1>, vector<16xf32>
        %swap3A_113 = arith.index_cast %add3A_88 : i32 to index
        %swap3A_114 = arith.constant 16 : index
        %swap3A_115 = tpu.vector_load %arg10[%swap3A_113, %swap3A_114] {strides = array<i32>} : memref<64x32xf32, #tpu.memory_space<vmem>>, vector<1x16xf32>,
        %swap3A_116 = vector.shape_cast %swap3A_115 : vector<1x16xf32> to vector<16xf32>
        %swap3A_117 = vector.shape_cast %select_n3A_112 : vector<16xf32> to vector<1x16xf32>
        tpu.vector_store %arg10[%swap3A_113, %swap3A_114], %swap3A_117 {strides = array<i32>} : memref<64x32xf32, #tpu.memory_space<vmem>>, vector<1x16xf32>,
        %mul3A_118 = arith.constant 4 : i32
        %mul3A_119 = arith.muli %scan3A_55, %mul3A_118 : i32
        %add3A_120 = arith.constant 2 : i32
        %add3A_121 = arith.addi %mul3A_119, %add3A_120 : i32
        %get3A_122 = arith.index_cast %add3A_121 : i32 to index
        %get3A_123 = arith.constant 0 : index
        %get3A_124 = tpu.vector_load %arg8[%get3A_122, %get3A_123] {strides = array<i32>} : memref<64x128xf32, #tpu.memory_space<vmem>>, vector<1x16xf32>,
        %get3A_125 = vector.shape_cast %get3A_124 : vector<1x16xf32> to vector<16xf32>
        %get3A_126 = arith.index_cast %add3A_121 : i32 to index
        %get3A_127 = arith.constant 16 : index
        %get3A_128 = tpu.vector_load %arg9[%get3A_126, %get3A_127] {strides = array<i32>} : memref<64x128xf32, #tpu.memory_space<vmem>>, vector<1x16xf32>,
        %get3A_129 = vector.shape_cast %get3A_128 : vector<1x16xf32> to vector<16xf32>
        %get3A_130 = arith.index_cast %add3A_121 : i32 to index
        %get3A_131 = arith.constant 32 : index
        %get3A_132 = tpu.vector_load %arg8[%get3A_130, %get3A_131] {strides = array<i32>} : memref<64x128xf32, #tpu.memory_space<vmem>>, vector<1x16xf32>,
        %get3A_133 = vector.shape_cast %get3A_132 : vector<1x16xf32> to vector<16xf32>
        %get3A_134 = arith.index_cast %add3A_121 : i32 to index
        %get3A_135 = arith.constant 32 : index
        %get3A_136 = tpu.vector_load %arg9[%get3A_134, %get3A_135] {strides = array<i32>} : memref<64x128xf32, #tpu.memory_space<vmem>>, vector<1x16xf32>,
        %get3A_137 = vector.shape_cast %get3A_136 : vector<1x16xf32> to vector<16xf32>
        %mul3A_138 = arith.mulf %get3A_125, %get3A_129 : vector<16xf32>
        %swap3A_139 = arith.index_cast %add3A_121 : i32 to index
        %swap3A_140 = arith.constant 0 : index
        %swap3A_141 = tpu.vector_load %arg10[%swap3A_139, %swap3A_140] {strides = array<i32>} : memref<64x32xf32, #tpu.memory_space<vmem>>, vector<1x16xf32>,
        %swap3A_142 = vector.shape_cast %swap3A_141 : vector<1x16xf32> to vector<16xf32>
        %swap3A_143 = vector.shape_cast %mul3A_138 : vector<16xf32> to vector<1x16xf32>
        tpu.vector_store %arg10[%swap3A_139, %swap3A_140], %swap3A_143 {strides = array<i32>} : memref<64x32xf32, #tpu.memory_space<vmem>>, vector<1x16xf32>,
        %sub3A_144 = arith.subf %get3A_133, %get3A_137 : vector<16xf32>
        %select_n3A_145 = arith.select %eq3A_7, %get3A_133, %sub3A_144 : vector<16xi1>, vector<16xf32>
        %swap3A_146 = arith.index_cast %add3A_121 : i32 to index
        %swap3A_147 = arith.constant 16 : index
        %swap3A_148 = tpu.vector_load %arg10[%swap3A_146, %swap3A_147] {strides = array<i32>} : memref<64x32xf32, #tpu.memory_space<vmem>>, vector<1x16xf32>,
        %swap3A_149 = vector.shape_cast %swap3A_148 : vector<1x16xf32> to vector<16xf32>
        %swap3A_150 = vector.shape_cast %select_n3A_145 : vector<16xf32> to vector<1x16xf32>
        tpu.vector_store %arg10[%swap3A_146, %swap3A_147], %swap3A_150 {strides = array<i32>} : memref<64x32xf32, #tpu.memory_space<vmem>>, vector<1x16xf32>,
        %mul3A_151 = arith.constant 4 : i32
        %mul3A_152 = arith.muli %scan3A_55, %mul3A_151 : i32
        %add3A_153 = arith.constant 3 : i32
        %add3A_154 = arith.addi %mul3A_152, %add3A_153 : i32
        %get3A_155 = arith.index_cast %add3A_154 : i32 to index
        %get3A_156 = arith.constant 0 : index
        %get3A_157 = tpu.vector_load %arg8[%get3A_155, %get3A_156] {strides = array<i32>} : memref<64x128xf32, #tpu.memory_space<vmem>>, vector<1x16xf32>,
        %get3A_158 = vector.shape_cast %get3A_157 : vector<1x16xf32> to vector<16xf32>
        %get3A_159 = arith.index_cast %add3A_154 : i32 to index
        %get3A_160 = arith.constant 16 : index
        %get3A_161 = tpu.vector_load %arg9[%get3A_159, %get3A_160] {strides = array<i32>} : memref<64x128xf32, #tpu.memory_space<vmem>>, vector<1x16xf32>,
        %get3A_162 = vector.shape_cast %get3A_161 : vector<1x16xf32> to vector<16xf32>
        %get3A_163 = arith.index_cast %add3A_154 : i32 to index
        %get3A_164 = arith.constant 32 : index
        %get3A_165 = tpu.vector_load %arg8[%get3A_163, %get3A_164] {strides = array<i32>} : memref<64x128xf32, #tpu.memory_space<vmem>>, vector<1x16xf32>,
        %get3A_166 = vector.shape_cast %get3A_165 : vector<1x16xf32> to vector<16xf32>
        %get3A_167 = arith.index_cast %add3A_154 : i32 to index
        %get3A_168 = arith.constant 32 : index
        %get3A_169 = tpu.vector_load %arg9[%get3A_167, %get3A_168] {strides = array<i32>} : memref<64x128xf32, #tpu.memory_space<vmem>>, vector<1x16xf32>,
        %get3A_170 = vector.shape_cast %get3A_169 : vector<1x16xf32> to vector<16xf32>
        %mul3A_171 = arith.mulf %get3A_158, %get3A_162 : vector<16xf32>
        %swap3A_172 = arith.index_cast %add3A_154 : i32 to index
        %swap3A_173 = arith.constant 0 : index
        %swap3A_174 = tpu.vector_load %arg10[%swap3A_172, %swap3A_173] {strides = array<i32>} : memref<64x32xf32, #tpu.memory_space<vmem>>, vector<1x16xf32>,
        %swap3A_175 = vector.shape_cast %swap3A_174 : vector<1x16xf32> to vector<16xf32>
        %swap3A_176 = vector.shape_cast %mul3A_171 : vector<16xf32> to vector<1x16xf32>
        tpu.vector_store %arg10[%swap3A_172, %swap3A_173], %swap3A_176 {strides = array<i32>} : memref<64x32xf32, #tpu.memory_space<vmem>>, vector<1x16xf32>,
        %sub3A_177 = arith.subf %get3A_166, %get3A_170 : vector<16xf32>
        %select_n3A_178 = arith.select %eq3A_7, %get3A_166, %sub3A_177 : vector<16xi1>, vector<16xf32>
        %swap3A_179 = arith.index_cast %add3A_154 : i32 to index
        %swap3A_180 = arith.constant 16 : index
        %swap3A_181 = tpu.vector_load %arg10[%swap3A_179, %swap3A_180] {strides = array<i32>} : memref<64x32xf32, #tpu.memory_space<vmem>>, vector<1x16xf32>,
        %swap3A_182 = vector.shape_cast %swap3A_181 : vector<1x16xf32> to vector<16xf32>
        %swap3A_183 = vector.shape_cast %select_n3A_178 : vector<16xf32> to vector<1x16xf32>
        tpu.vector_store %arg10[%swap3A_179, %swap3A_180], %swap3A_183 {strides = array<i32>} : memref<64x32xf32, #tpu.memory_space<vmem>>, vector<1x16xf32>,
      }
      %scan3A_51 = arith.constant 16 : i32
      %add3A_52 = arith.addi %mul3A_2, %scan3A_13 : i32
      %mul3A_53 = arith.constant 64 : i32
      %mul3A_54 = arith.muli %add3A_52, %mul3A_53 : i32
      "tpu.region"() ({
        %run_scoped3A = tpu.sem_alloc : memref<!tpu.dma_semaphore, #tpu.memory_space<semaphore_mem>>
        %dma_start3A_55 = arith.constant 0 : i32
        %dma_start3A_56 = tpu.memref_slice %arg5[%mul3A_54, %dma_start3A_55] : memref<327680x32xf32, #tpu.memory_space<hbm>> -> memref<64x32xf32, #tpu.memory_space<hbm>>
        %dma_start3A_57 = arith.constant 0 : i32
        %dma_start3A_58 = tpu.memref_slice %arg5[%mul3A_54, %dma_start3A_57] : memref<327680x32xf32, #tpu.memory_space<hbm>> -> memref<64x32xf32, #tpu.memory_space<hbm>>
        tpu.enqueue_dma source(%arg10 : memref<64x32xf32, #tpu.memory_space<vmem>>) target(%dma_start3A_58 : memref<64x32xf32, #tpu.memory_space<hbm>>) target_semaphore(%run_scoped3A : memref<!tpu.dma_semaphore, #tpu.memory_space<semaphore_mem>>)
        %dma_wait3A_59 = arith.constant 0 : i32
        %dma_wait3A_60 = tpu.memref_slice %arg5[%mul3A_54, %dma_wait3A_59] : memref<327680x32xf32, #tpu.memory_space<hbm>> -> memref<64x32xf32, #tpu.memory_space<hbm>>
        %dma_wait3A_61 = arith.constant 0 : i32
        %dma_wait3A_62 = tpu.memref_slice %arg5[%mul3A_54, %dma_wait3A_61] : memref<327680x32xf32, #tpu.memory_space<hbm>> -> memref<64x32xf32, #tpu.memory_space<hbm>>
        tpu.wait_dma2 semaphore(%run_scoped3A : memref<!tpu.dma_semaphore, #tpu.memory_space<semaphore_mem>>) src(%arg10 : memref<64x32xf32, #tpu.memory_space<vmem>>) dst(%dma_wait3A_62 : memref<64x32xf32, #tpu.memory_space<hbm>>)
        tpu.yield
      }) : () -> ()
    }
    %scan3A_12 = arith.constant 160 : i32
    return
  }
}

#map = affine_map<(d0, d1) -> (0, 0)>
#map1 = affine_map<(d0, d1) -> (0, 0, 0)>
module attributes {stable_mosaic.version = 14 : i64} {
  func.func @gather_k(%arg0: i32, %arg1: i32, %arg2: memref<10000x128xf32, #tpu.memory_space<hbm>>, %arg3: memref<2560x1x64xi32, #tpu.memory_space<hbm>>, %arg4: memref<2560x1x64xi32, #tpu.memory_space<hbm>>, %arg5: memref<163840x32xf32, #tpu.memory_space<hbm>>, %arg6: memref<1x1x64xi32, #tpu.memory_space<vmem>>, %arg7: memref<1x1x64xi32, #tpu.memory_space<vmem>>, %arg8: memref<64x128xf32, #tpu.memory_space<vmem>>, %arg9: memref<64x128xf32, #tpu.memory_space<vmem>>, %arg10: memref<64x32xf32, #tpu.memory_space<vmem>>, %arg11: memref<10000x128xf32, #tpu.memory_space<vmem_shared>>, %arg12: memref<!tpu.dma_semaphore, #tpu.memory_space<semaphore_mem>>, %arg13: memref<!tpu.dma_semaphore, #tpu.memory_space<semaphore_mem>>) attributes {dimension_semantics = [#tpu.dimension_semantics<core_parallel>, #tpu.dimension_semantics<subcore_parallel>], iteration_bounds = array<i64: 2, 16>, scalar_prefetch = 0 : i64, scratch_operands = 8 : i64, tpu.core_type = #tpu.core_type<sc_vector_subcore>, window_params = [{transform_indices = #map}, {transform_indices = #map1}, {transform_indices = #map1}, {transform_indices = #map}]} {
    %mul3A = arith.constant 2 : i32
    %mul3A_0 = arith.muli %arg1, %mul3A : i32
    %add3A = arith.addi %mul3A_0, %arg0 : i32
    %mul3A_1 = arith.constant 80 : i32
    %mul3A_2 = arith.muli %add3A, %mul3A_1 : i32
    %eq3A = arith.constant 0 : i32
    %eq3A_3 = arith.cmpi eq, %arg1, %eq3A : i32
    %convert_element_type3A = arith.extui %eq3A_3 : i1 to i32
    %cond3A = arith.constant 0 : i32
    %cond3A_4 = arith.cmpi ne, %convert_element_type3A, %cond3A : i32
    scf.if %cond3A_4 {
      "tpu.region"() ({
        %run_scoped3A = tpu.sem_alloc : memref<!tpu.dma_semaphore, #tpu.memory_space<semaphore_mem>>
        tpu.enqueue_dma source(%arg2 : memref<10000x128xf32, #tpu.memory_space<hbm>>) target(%arg11 : memref<10000x128xf32, #tpu.memory_space<vmem_shared>>) target_semaphore(%run_scoped3A : memref<!tpu.dma_semaphore, #tpu.memory_space<semaphore_mem>>)
        tpu.wait_dma2 semaphore(%run_scoped3A : memref<!tpu.dma_semaphore, #tpu.memory_space<semaphore_mem>>) src(%arg2 : memref<10000x128xf32, #tpu.memory_space<hbm>>) dst(%arg11 : memref<10000x128xf32, #tpu.memory_space<vmem_shared>>)
        tpu.yield
      }) : () -> ()
    } else {
    }
    %barrier3A = arith.constant 0 : index
    tpu.barrier barrier_id(%barrier3A)
    %iota3A = tpu.iota {dimensions = array<i32: 0>} : vector<16xi32>
    %eq3A_5 = arith.constant 3 : i32
    %eq3A_6 = vector.broadcast %eq3A_5 : i32 to vector<16xi32>
    %eq3A_7 = arith.cmpi eq, %iota3A, %eq3A_6 : vector<16xi32>
    %scan3A = arith.constant 0 : i32
    %scan3A_8 = arith.constant 0 : i32
    %scan3A_9 = arith.constant 80 : i32
    %scan3A_10 = arith.addi %scan3A_8, %scan3A_9 : i32
    %scan3A_11 = arith.constant 1 : i32
    scf.for %scan3A_13 = %scan3A_8 to %scan3A_10 step %scan3A_11  : i32 {
      %add3A_14 = arith.addi %mul3A_2, %scan3A_13 : i32
      "tpu.region"() ({
        %run_scoped3A = tpu.sem_alloc : memref<!tpu.dma_semaphore, #tpu.memory_space<semaphore_mem>>
        %dma_start3A_55 = arith.constant 0 : i32
        %dma_start3A_56 = arith.constant 0 : i32
        %dma_start3A_57 = tpu.memref_slice %arg3[%add3A_14, %dma_start3A_55, %dma_start3A_56] : memref<2560x1x64xi32, #tpu.memory_space<hbm>> -> memref<1x1x64xi32, #tpu.memory_space<hbm>>
        %dma_start3A_58 = arith.constant 0 : i32
        %dma_start3A_59 = arith.constant 0 : i32
        %dma_start3A_60 = tpu.memref_slice %arg3[%add3A_14, %dma_start3A_58, %dma_start3A_59] : memref<2560x1x64xi32, #tpu.memory_space<hbm>> -> memref<1x1x64xi32, #tpu.memory_space<hbm>>
        tpu.enqueue_dma source(%dma_start3A_60 : memref<1x1x64xi32, #tpu.memory_space<hbm>>) target(%arg6 : memref<1x1x64xi32, #tpu.memory_space<vmem>>) target_semaphore(%run_scoped3A : memref<!tpu.dma_semaphore, #tpu.memory_space<semaphore_mem>>)
        %dma_wait3A_61 = arith.constant 0 : i32
        %dma_wait3A_62 = arith.constant 0 : i32
        %dma_wait3A_63 = tpu.memref_slice %arg3[%add3A_14, %dma_wait3A_61, %dma_wait3A_62] : memref<2560x1x64xi32, #tpu.memory_space<hbm>> -> memref<1x1x64xi32, #tpu.memory_space<hbm>>
        %dma_wait3A_64 = arith.constant 0 : i32
        %dma_wait3A_65 = arith.constant 0 : i32
        %dma_wait3A_66 = tpu.memref_slice %arg3[%add3A_14, %dma_wait3A_64, %dma_wait3A_65] : memref<2560x1x64xi32, #tpu.memory_space<hbm>> -> memref<1x1x64xi32, #tpu.memory_space<hbm>>
        tpu.wait_dma2 semaphore(%run_scoped3A : memref<!tpu.dma_semaphore, #tpu.memory_space<semaphore_mem>>) src(%dma_wait3A_66 : memref<1x1x64xi32, #tpu.memory_space<hbm>>) dst(%arg6 : memref<1x1x64xi32, #tpu.memory_space<vmem>>)
        tpu.yield
      }) : () -> ()
      %add3A_15 = arith.addi %mul3A_2, %scan3A_13 : i32
      "tpu.region"() ({
        %run_scoped3A = tpu.sem_alloc : memref<!tpu.dma_semaphore, #tpu.memory_space<semaphore_mem>>
        %dma_start3A_55 = arith.constant 0 : i32
        %dma_start3A_56 = arith.constant 0 : i32
        %dma_start3A_57 = tpu.memref_slice %arg4[%add3A_15, %dma_start3A_55, %dma_start3A_56] : memref<2560x1x64xi32, #tpu.memory_space<hbm>> -> memref<1x1x64xi32, #tpu.memory_space<hbm>>
        %dma_start3A_58 = arith.constant 0 : i32
        %dma_start3A_59 = arith.constant 0 : i32
        %dma_start3A_60 = tpu.memref_slice %arg4[%add3A_15, %dma_start3A_58, %dma_start3A_59] : memref<2560x1x64xi32, #tpu.memory_space<hbm>> -> memref<1x1x64xi32, #tpu.memory_space<hbm>>
        tpu.enqueue_dma source(%dma_start3A_60 : memref<1x1x64xi32, #tpu.memory_space<hbm>>) target(%arg7 : memref<1x1x64xi32, #tpu.memory_space<vmem>>) target_semaphore(%run_scoped3A : memref<!tpu.dma_semaphore, #tpu.memory_space<semaphore_mem>>)
        %dma_wait3A_61 = arith.constant 0 : i32
        %dma_wait3A_62 = arith.constant 0 : i32
        %dma_wait3A_63 = tpu.memref_slice %arg4[%add3A_15, %dma_wait3A_61, %dma_wait3A_62] : memref<2560x1x64xi32, #tpu.memory_space<hbm>> -> memref<1x1x64xi32, #tpu.memory_space<hbm>>
        %dma_wait3A_64 = arith.constant 0 : i32
        %dma_wait3A_65 = arith.constant 0 : i32
        %dma_wait3A_66 = tpu.memref_slice %arg4[%add3A_15, %dma_wait3A_64, %dma_wait3A_65] : memref<2560x1x64xi32, #tpu.memory_space<hbm>> -> memref<1x1x64xi32, #tpu.memory_space<hbm>>
        tpu.wait_dma2 semaphore(%run_scoped3A : memref<!tpu.dma_semaphore, #tpu.memory_space<semaphore_mem>>) src(%dma_wait3A_66 : memref<1x1x64xi32, #tpu.memory_space<hbm>>) dst(%arg7 : memref<1x1x64xi32, #tpu.memory_space<vmem>>)
        tpu.yield
      }) : () -> ()
      %dma_start3A = arith.constant 0 : i32
      %dma_start3A_16 = arith.constant 0 : i32
      %dma_start3A_17 = arith.constant 0 : i32
      %dma_start3A_18 = tpu.memref_slice %arg6[%dma_start3A, %dma_start3A_16, %dma_start3A_17] : memref<1x1x64xi32, #tpu.memory_space<vmem>> -> memref<1x1x64xi32, #tpu.memory_space<vmem>>
      %dma_start3A_19 = tpu.memref_squeeze %dma_start3A_18 : memref<1x1x64xi32, #tpu.memory_space<vmem>> -> memref<64xi32, #tpu.memory_space<vmem>>
      %dma_start3A_20 = arith.constant 0 : i32
      %dma_start3A_21 = arith.constant 0 : i32
      %dma_start3A_22 = tpu.memref_slice %arg11[%dma_start3A_20, %dma_start3A_21] : memref<10000x128xf32, #tpu.memory_space<vmem_shared>> -> memref<10000x128xf32, #tpu.memory_space<vmem_shared>>
      tpu.enqueue_indirect_dma source(%dma_start3A_22 : memref<10000x128xf32, #tpu.memory_space<vmem_shared>>) target(%arg8 : memref<64x128xf32, #tpu.memory_space<vmem>>) offsets(%dma_start3A_19 : memref<64xi32, #tpu.memory_space<vmem>>) semaphore(%arg12 : memref<!tpu.dma_semaphore, #tpu.memory_space<semaphore_mem>>)
      %dma_start3A_23 = arith.constant 0 : i32
      %dma_start3A_24 = arith.constant 0 : i32
      %dma_start3A_25 = arith.constant 0 : i32
      %dma_start3A_26 = tpu.memref_slice %arg7[%dma_start3A_23, %dma_start3A_24, %dma_start3A_25] : memref<1x1x64xi32, #tpu.memory_space<vmem>> -> memref<1x1x64xi32, #tpu.memory_space<vmem>>
      %dma_start3A_27 = tpu.memref_squeeze %dma_start3A_26 : memref<1x1x64xi32, #tpu.memory_space<vmem>> -> memref<64xi32, #tpu.memory_space<vmem>>
      %dma_start3A_28 = arith.constant 0 : i32
      %dma_start3A_29 = arith.constant 0 : i32
      %dma_start3A_30 = tpu.memref_slice %arg11[%dma_start3A_28, %dma_start3A_29] : memref<10000x128xf32, #tpu.memory_space<vmem_shared>> -> memref<10000x128xf32, #tpu.memory_space<vmem_shared>>
      tpu.enqueue_indirect_dma source(%dma_start3A_30 : memref<10000x128xf32, #tpu.memory_space<vmem_shared>>) target(%arg9 : memref<64x128xf32, #tpu.memory_space<vmem>>) offsets(%dma_start3A_27 : memref<64xi32, #tpu.memory_space<vmem>>) semaphore(%arg13 : memref<!tpu.dma_semaphore, #tpu.memory_space<semaphore_mem>>)
      %dma_wait3A = arith.constant 0 : i32
      %dma_wait3A_31 = arith.constant 0 : i32
      %dma_wait3A_32 = arith.constant 0 : i32
      %dma_wait3A_33 = tpu.memref_slice %arg6[%dma_wait3A, %dma_wait3A_31, %dma_wait3A_32] : memref<1x1x64xi32, #tpu.memory_space<vmem>> -> memref<1x1x64xi32, #tpu.memory_space<vmem>>
      %dma_wait3A_34 = tpu.memref_squeeze %dma_wait3A_33 : memref<1x1x64xi32, #tpu.memory_space<vmem>> -> memref<64xi32, #tpu.memory_space<vmem>>
      %dma_wait3A_35 = arith.constant 0 : i32
      %dma_wait3A_36 = arith.constant 0 : i32
      %dma_wait3A_37 = tpu.memref_slice %arg11[%dma_wait3A_35, %dma_wait3A_36] : memref<10000x128xf32, #tpu.memory_space<vmem_shared>> -> memref<10000x128xf32, #tpu.memory_space<vmem_shared>>
      tpu.wait_indirect_dma semaphore(%arg12 : memref<!tpu.dma_semaphore, #tpu.memory_space<semaphore_mem>>) src(%dma_wait3A_37 : memref<10000x128xf32, #tpu.memory_space<vmem_shared>>) dst(%arg8 : memref<64x128xf32, #tpu.memory_space<vmem>>)
      %dma_wait3A_38 = arith.constant 0 : i32
      %dma_wait3A_39 = arith.constant 0 : i32
      %dma_wait3A_40 = arith.constant 0 : i32
      %dma_wait3A_41 = tpu.memref_slice %arg7[%dma_wait3A_38, %dma_wait3A_39, %dma_wait3A_40] : memref<1x1x64xi32, #tpu.memory_space<vmem>> -> memref<1x1x64xi32, #tpu.memory_space<vmem>>
      %dma_wait3A_42 = tpu.memref_squeeze %dma_wait3A_41 : memref<1x1x64xi32, #tpu.memory_space<vmem>> -> memref<64xi32, #tpu.memory_space<vmem>>
      %dma_wait3A_43 = arith.constant 0 : i32
      %dma_wait3A_44 = arith.constant 0 : i32
      %dma_wait3A_45 = tpu.memref_slice %arg11[%dma_wait3A_43, %dma_wait3A_44] : memref<10000x128xf32, #tpu.memory_space<vmem_shared>> -> memref<10000x128xf32, #tpu.memory_space<vmem_shared>>
      tpu.wait_indirect_dma semaphore(%arg13 : memref<!tpu.dma_semaphore, #tpu.memory_space<semaphore_mem>>) src(%dma_wait3A_45 : memref<10000x128xf32, #tpu.memory_space<vmem_shared>>) dst(%arg9 : memref<64x128xf32, #tpu.memory_space<vmem>>)
      %scan3A_46 = arith.constant 0 : i32
      %scan3A_47 = arith.constant 0 : i32
      %scan3A_48 = arith.constant 16 : i32
      %scan3A_49 = arith.addi %scan3A_47, %scan3A_48 : i32
      %scan3A_50 = arith.constant 1 : i32
      scf.for %scan3A_55 = %scan3A_47 to %scan3A_49 step %scan3A_50  : i32 {
        %mul3A_56 = arith.constant 4 : i32
        %mul3A_57 = arith.muli %scan3A_55, %mul3A_56 : i32
        %add3A_58 = arith.constant 0 : i32
        %add3A_59 = arith.addi %mul3A_57, %add3A_58 : i32
        %get3A = arith.index_cast %add3A_59 : i32 to index
        %get3A_60 = arith.constant 0 : index
        %get3A_61 = tpu.vector_load %arg8[%get3A, %get3A_60] {strides = array<i32>} : memref<64x128xf32, #tpu.memory_space<vmem>>, vector<1x16xf32>,
        %get3A_62 = vector.shape_cast %get3A_61 : vector<1x16xf32> to vector<16xf32>
        %get3A_63 = arith.index_cast %add3A_59 : i32 to index
        %get3A_64 = arith.constant 16 : index
        %get3A_65 = tpu.vector_load %arg9[%get3A_63, %get3A_64] {strides = array<i32>} : memref<64x128xf32, #tpu.memory_space<vmem>>, vector<1x16xf32>,
        %get3A_66 = vector.shape_cast %get3A_65 : vector<1x16xf32> to vector<16xf32>
        %get3A_67 = arith.index_cast %add3A_59 : i32 to index
        %get3A_68 = arith.constant 32 : index
        %get3A_69 = tpu.vector_load %arg8[%get3A_67, %get3A_68] {strides = array<i32>} : memref<64x128xf32, #tpu.memory_space<vmem>>, vector<1x16xf32>,
        %get3A_70 = vector.shape_cast %get3A_69 : vector<1x16xf32> to vector<16xf32>
        %get3A_71 = arith.index_cast %add3A_59 : i32 to index
        %get3A_72 = arith.constant 32 : index
        %get3A_73 = tpu.vector_load %arg9[%get3A_71, %get3A_72] {strides = array<i32>} : memref<64x128xf32, #tpu.memory_space<vmem>>, vector<1x16xf32>,
        %get3A_74 = vector.shape_cast %get3A_73 : vector<1x16xf32> to vector<16xf32>
        %mul3A_75 = arith.mulf %get3A_62, %get3A_66 : vector<16xf32>
        %swap3A = arith.index_cast %add3A_59 : i32 to index
        %swap3A_76 = arith.constant 0 : index
        %swap3A_77 = tpu.vector_load %arg10[%swap3A, %swap3A_76] {strides = array<i32>} : memref<64x32xf32, #tpu.memory_space<vmem>>, vector<1x16xf32>,
        %swap3A_78 = vector.shape_cast %swap3A_77 : vector<1x16xf32> to vector<16xf32>
        %swap3A_79 = vector.shape_cast %mul3A_75 : vector<16xf32> to vector<1x16xf32>
        tpu.vector_store %arg10[%swap3A, %swap3A_76], %swap3A_79 {strides = array<i32>} : memref<64x32xf32, #tpu.memory_space<vmem>>, vector<1x16xf32>,
        %sub3A = arith.subf %get3A_70, %get3A_74 : vector<16xf32>
        %select_n3A = arith.select %eq3A_7, %get3A_70, %sub3A : vector<16xi1>, vector<16xf32>
        %swap3A_80 = arith.index_cast %add3A_59 : i32 to index
        %swap3A_81 = arith.constant 16 : index
        %swap3A_82 = tpu.vector_load %arg10[%swap3A_80, %swap3A_81] {strides = array<i32>} : memref<64x32xf32, #tpu.memory_space<vmem>>, vector<1x16xf32>,
        %swap3A_83 = vector.shape_cast %swap3A_82 : vector<1x16xf32> to vector<16xf32>
        %swap3A_84 = vector.shape_cast %select_n3A : vector<16xf32> to vector<1x16xf32>
        tpu.vector_store %arg10[%swap3A_80, %swap3A_81], %swap3A_84 {strides = array<i32>} : memref<64x32xf32, #tpu.memory_space<vmem>>, vector<1x16xf32>,
        %mul3A_85 = arith.constant 4 : i32
        %mul3A_86 = arith.muli %scan3A_55, %mul3A_85 : i32
        %add3A_87 = arith.constant 1 : i32
        %add3A_88 = arith.addi %mul3A_86, %add3A_87 : i32
        %get3A_89 = arith.index_cast %add3A_88 : i32 to index
        %get3A_90 = arith.constant 0 : index
        %get3A_91 = tpu.vector_load %arg8[%get3A_89, %get3A_90] {strides = array<i32>} : memref<64x128xf32, #tpu.memory_space<vmem>>, vector<1x16xf32>,
        %get3A_92 = vector.shape_cast %get3A_91 : vector<1x16xf32> to vector<16xf32>
        %get3A_93 = arith.index_cast %add3A_88 : i32 to index
        %get3A_94 = arith.constant 16 : index
        %get3A_95 = tpu.vector_load %arg9[%get3A_93, %get3A_94] {strides = array<i32>} : memref<64x128xf32, #tpu.memory_space<vmem>>, vector<1x16xf32>,
        %get3A_96 = vector.shape_cast %get3A_95 : vector<1x16xf32> to vector<16xf32>
        %get3A_97 = arith.index_cast %add3A_88 : i32 to index
        %get3A_98 = arith.constant 32 : index
        %get3A_99 = tpu.vector_load %arg8[%get3A_97, %get3A_98] {strides = array<i32>} : memref<64x128xf32, #tpu.memory_space<vmem>>, vector<1x16xf32>,
        %get3A_100 = vector.shape_cast %get3A_99 : vector<1x16xf32> to vector<16xf32>
        %get3A_101 = arith.index_cast %add3A_88 : i32 to index
        %get3A_102 = arith.constant 32 : index
        %get3A_103 = tpu.vector_load %arg9[%get3A_101, %get3A_102] {strides = array<i32>} : memref<64x128xf32, #tpu.memory_space<vmem>>, vector<1x16xf32>,
        %get3A_104 = vector.shape_cast %get3A_103 : vector<1x16xf32> to vector<16xf32>
        %mul3A_105 = arith.mulf %get3A_92, %get3A_96 : vector<16xf32>
        %swap3A_106 = arith.index_cast %add3A_88 : i32 to index
        %swap3A_107 = arith.constant 0 : index
        %swap3A_108 = tpu.vector_load %arg10[%swap3A_106, %swap3A_107] {strides = array<i32>} : memref<64x32xf32, #tpu.memory_space<vmem>>, vector<1x16xf32>,
        %swap3A_109 = vector.shape_cast %swap3A_108 : vector<1x16xf32> to vector<16xf32>
        %swap3A_110 = vector.shape_cast %mul3A_105 : vector<16xf32> to vector<1x16xf32>
        tpu.vector_store %arg10[%swap3A_106, %swap3A_107], %swap3A_110 {strides = array<i32>} : memref<64x32xf32, #tpu.memory_space<vmem>>, vector<1x16xf32>,
        %sub3A_111 = arith.subf %get3A_100, %get3A_104 : vector<16xf32>
        %select_n3A_112 = arith.select %eq3A_7, %get3A_100, %sub3A_111 : vector<16xi1>, vector<16xf32>
        %swap3A_113 = arith.index_cast %add3A_88 : i32 to index
        %swap3A_114 = arith.constant 16 : index
        %swap3A_115 = tpu.vector_load %arg10[%swap3A_113, %swap3A_114] {strides = array<i32>} : memref<64x32xf32, #tpu.memory_space<vmem>>, vector<1x16xf32>,
        %swap3A_116 = vector.shape_cast %swap3A_115 : vector<1x16xf32> to vector<16xf32>
        %swap3A_117 = vector.shape_cast %select_n3A_112 : vector<16xf32> to vector<1x16xf32>
        tpu.vector_store %arg10[%swap3A_113, %swap3A_114], %swap3A_117 {strides = array<i32>} : memref<64x32xf32, #tpu.memory_space<vmem>>, vector<1x16xf32>,
        %mul3A_118 = arith.constant 4 : i32
        %mul3A_119 = arith.muli %scan3A_55, %mul3A_118 : i32
        %add3A_120 = arith.constant 2 : i32
        %add3A_121 = arith.addi %mul3A_119, %add3A_120 : i32
        %get3A_122 = arith.index_cast %add3A_121 : i32 to index
        %get3A_123 = arith.constant 0 : index
        %get3A_124 = tpu.vector_load %arg8[%get3A_122, %get3A_123] {strides = array<i32>} : memref<64x128xf32, #tpu.memory_space<vmem>>, vector<1x16xf32>,
        %get3A_125 = vector.shape_cast %get3A_124 : vector<1x16xf32> to vector<16xf32>
        %get3A_126 = arith.index_cast %add3A_121 : i32 to index
        %get3A_127 = arith.constant 16 : index
        %get3A_128 = tpu.vector_load %arg9[%get3A_126, %get3A_127] {strides = array<i32>} : memref<64x128xf32, #tpu.memory_space<vmem>>, vector<1x16xf32>,
        %get3A_129 = vector.shape_cast %get3A_128 : vector<1x16xf32> to vector<16xf32>
        %get3A_130 = arith.index_cast %add3A_121 : i32 to index
        %get3A_131 = arith.constant 32 : index
        %get3A_132 = tpu.vector_load %arg8[%get3A_130, %get3A_131] {strides = array<i32>} : memref<64x128xf32, #tpu.memory_space<vmem>>, vector<1x16xf32>,
        %get3A_133 = vector.shape_cast %get3A_132 : vector<1x16xf32> to vector<16xf32>
        %get3A_134 = arith.index_cast %add3A_121 : i32 to index
        %get3A_135 = arith.constant 32 : index
        %get3A_136 = tpu.vector_load %arg9[%get3A_134, %get3A_135] {strides = array<i32>} : memref<64x128xf32, #tpu.memory_space<vmem>>, vector<1x16xf32>,
        %get3A_137 = vector.shape_cast %get3A_136 : vector<1x16xf32> to vector<16xf32>
        %mul3A_138 = arith.mulf %get3A_125, %get3A_129 : vector<16xf32>
        %swap3A_139 = arith.index_cast %add3A_121 : i32 to index
        %swap3A_140 = arith.constant 0 : index
        %swap3A_141 = tpu.vector_load %arg10[%swap3A_139, %swap3A_140] {strides = array<i32>} : memref<64x32xf32, #tpu.memory_space<vmem>>, vector<1x16xf32>,
        %swap3A_142 = vector.shape_cast %swap3A_141 : vector<1x16xf32> to vector<16xf32>
        %swap3A_143 = vector.shape_cast %mul3A_138 : vector<16xf32> to vector<1x16xf32>
        tpu.vector_store %arg10[%swap3A_139, %swap3A_140], %swap3A_143 {strides = array<i32>} : memref<64x32xf32, #tpu.memory_space<vmem>>, vector<1x16xf32>,
        %sub3A_144 = arith.subf %get3A_133, %get3A_137 : vector<16xf32>
        %select_n3A_145 = arith.select %eq3A_7, %get3A_133, %sub3A_144 : vector<16xi1>, vector<16xf32>
        %swap3A_146 = arith.index_cast %add3A_121 : i32 to index
        %swap3A_147 = arith.constant 16 : index
        %swap3A_148 = tpu.vector_load %arg10[%swap3A_146, %swap3A_147] {strides = array<i32>} : memref<64x32xf32, #tpu.memory_space<vmem>>, vector<1x16xf32>,
        %swap3A_149 = vector.shape_cast %swap3A_148 : vector<1x16xf32> to vector<16xf32>
        %swap3A_150 = vector.shape_cast %select_n3A_145 : vector<16xf32> to vector<1x16xf32>
        tpu.vector_store %arg10[%swap3A_146, %swap3A_147], %swap3A_150 {strides = array<i32>} : memref<64x32xf32, #tpu.memory_space<vmem>>, vector<1x16xf32>,
        %mul3A_151 = arith.constant 4 : i32
        %mul3A_152 = arith.muli %scan3A_55, %mul3A_151 : i32
        %add3A_153 = arith.constant 3 : i32
        %add3A_154 = arith.addi %mul3A_152, %add3A_153 : i32
        %get3A_155 = arith.index_cast %add3A_154 : i32 to index
        %get3A_156 = arith.constant 0 : index
        %get3A_157 = tpu.vector_load %arg8[%get3A_155, %get3A_156] {strides = array<i32>} : memref<64x128xf32, #tpu.memory_space<vmem>>, vector<1x16xf32>,
        %get3A_158 = vector.shape_cast %get3A_157 : vector<1x16xf32> to vector<16xf32>
        %get3A_159 = arith.index_cast %add3A_154 : i32 to index
        %get3A_160 = arith.constant 16 : index
        %get3A_161 = tpu.vector_load %arg9[%get3A_159, %get3A_160] {strides = array<i32>} : memref<64x128xf32, #tpu.memory_space<vmem>>, vector<1x16xf32>,
        %get3A_162 = vector.shape_cast %get3A_161 : vector<1x16xf32> to vector<16xf32>
        %get3A_163 = arith.index_cast %add3A_154 : i32 to index
        %get3A_164 = arith.constant 32 : index
        %get3A_165 = tpu.vector_load %arg8[%get3A_163, %get3A_164] {strides = array<i32>} : memref<64x128xf32, #tpu.memory_space<vmem>>, vector<1x16xf32>,
        %get3A_166 = vector.shape_cast %get3A_165 : vector<1x16xf32> to vector<16xf32>
        %get3A_167 = arith.index_cast %add3A_154 : i32 to index
        %get3A_168 = arith.constant 32 : index
        %get3A_169 = tpu.vector_load %arg9[%get3A_167, %get3A_168] {strides = array<i32>} : memref<64x128xf32, #tpu.memory_space<vmem>>, vector<1x16xf32>,
        %get3A_170 = vector.shape_cast %get3A_169 : vector<1x16xf32> to vector<16xf32>
        %mul3A_171 = arith.mulf %get3A_158, %get3A_162 : vector<16xf32>
        %swap3A_172 = arith.index_cast %add3A_154 : i32 to index
        %swap3A_173 = arith.constant 0 : index
        %swap3A_174 = tpu.vector_load %arg10[%swap3A_172, %swap3A_173] {strides = array<i32>} : memref<64x32xf32, #tpu.memory_space<vmem>>, vector<1x16xf32>,
        %swap3A_175 = vector.shape_cast %swap3A_174 : vector<1x16xf32> to vector<16xf32>
        %swap3A_176 = vector.shape_cast %mul3A_171 : vector<16xf32> to vector<1x16xf32>
        tpu.vector_store %arg10[%swap3A_172, %swap3A_173], %swap3A_176 {strides = array<i32>} : memref<64x32xf32, #tpu.memory_space<vmem>>, vector<1x16xf32>,
        %sub3A_177 = arith.subf %get3A_166, %get3A_170 : vector<16xf32>
        %select_n3A_178 = arith.select %eq3A_7, %get3A_166, %sub3A_177 : vector<16xi1>, vector<16xf32>
        %swap3A_179 = arith.index_cast %add3A_154 : i32 to index
        %swap3A_180 = arith.constant 16 : index
        %swap3A_181 = tpu.vector_load %arg10[%swap3A_179, %swap3A_180] {strides = array<i32>} : memref<64x32xf32, #tpu.memory_space<vmem>>, vector<1x16xf32>,
        %swap3A_182 = vector.shape_cast %swap3A_181 : vector<1x16xf32> to vector<16xf32>
        %swap3A_183 = vector.shape_cast %select_n3A_178 : vector<16xf32> to vector<1x16xf32>
        tpu.vector_store %arg10[%swap3A_179, %swap3A_180], %swap3A_183 {strides = array<i32>} : memref<64x32xf32, #tpu.memory_space<vmem>>, vector<1x16xf32>,
      }
      %scan3A_51 = arith.constant 16 : i32
      %add3A_52 = arith.addi %mul3A_2, %scan3A_13 : i32
      %mul3A_53 = arith.constant 64 : i32
      %mul3A_54 = arith.muli %add3A_52, %mul3A_53 : i32
      "tpu.region"() ({
        %run_scoped3A = tpu.sem_alloc : memref<!tpu.dma_semaphore, #tpu.memory_space<semaphore_mem>>
        %dma_start3A_55 = arith.constant 0 : i32
        %dma_start3A_56 = tpu.memref_slice %arg5[%mul3A_54, %dma_start3A_55] : memref<163840x32xf32, #tpu.memory_space<hbm>> -> memref<64x32xf32, #tpu.memory_space<hbm>>
        %dma_start3A_57 = arith.constant 0 : i32
        %dma_start3A_58 = tpu.memref_slice %arg5[%mul3A_54, %dma_start3A_57] : memref<163840x32xf32, #tpu.memory_space<hbm>> -> memref<64x32xf32, #tpu.memory_space<hbm>>
        tpu.enqueue_dma source(%arg10 : memref<64x32xf32, #tpu.memory_space<vmem>>) target(%dma_start3A_58 : memref<64x32xf32, #tpu.memory_space<hbm>>) target_semaphore(%run_scoped3A : memref<!tpu.dma_semaphore, #tpu.memory_space<semaphore_mem>>)
        %dma_wait3A_59 = arith.constant 0 : i32
        %dma_wait3A_60 = tpu.memref_slice %arg5[%mul3A_54, %dma_wait3A_59] : memref<163840x32xf32, #tpu.memory_space<hbm>> -> memref<64x32xf32, #tpu.memory_space<hbm>>
        %dma_wait3A_61 = arith.constant 0 : i32
        %dma_wait3A_62 = tpu.memref_slice %arg5[%mul3A_54, %dma_wait3A_61] : memref<163840x32xf32, #tpu.memory_space<hbm>> -> memref<64x32xf32, #tpu.memory_space<hbm>>
        tpu.wait_dma2 semaphore(%run_scoped3A : memref<!tpu.dma_semaphore, #tpu.memory_space<semaphore_mem>>) src(%arg10 : memref<64x32xf32, #tpu.memory_space<vmem>>) dst(%dma_wait3A_62 : memref<64x32xf32, #tpu.memory_space<hbm>>)
        tpu.yield
      }) : () -> ()
    }
    %scan3A_12 = arith.constant 80 : i32
    return
  }
}

#map = affine_map<(d0, d1) -> (0, 0)>
#map1 = affine_map<(d0, d1) -> (0, 0, 0)>
#map2 = affine_map<(d0, d1) -> (0)>
module attributes {stable_mosaic.version = 14 : i64} {
  func.func @scatter_k(%arg0: i32, %arg1: i32, %arg2: memref<327680x16xf32, #tpu.memory_space<hbm>>, %arg3: memref<2560x1x128xi32, #tpu.memory_space<hbm>>, %arg4: memref<163840x16xf32, #tpu.memory_space<hbm>>, %arg5: memref<1280x1x128xi32, #tpu.memory_space<hbm>>, %arg6: memref<40000xf32, #tpu.memory_space<hbm>>, %arg7: memref<32x40000xf32, #tpu.memory_space<hbm>>, %arg8: memref<80x1x128xi32, #tpu.memory_space<vmem>>, %arg9: memref<128x16xf32, #tpu.memory_space<vmem>>, %arg10: memref<128x16xf32, #tpu.memory_space<vmem>>, %arg11: memref<40000xf32, #tpu.memory_space<vmem>>, %arg12: memref<!tpu.dma_semaphore, #tpu.memory_space<semaphore_mem>>, %arg13: memref<!tpu.dma_semaphore, #tpu.memory_space<semaphore_mem>>) attributes {dimension_semantics = [#tpu.dimension_semantics<core_parallel>, #tpu.dimension_semantics<subcore_parallel>], iteration_bounds = array<i64: 2, 16>, scalar_prefetch = 0 : i64, scratch_operands = 6 : i64, tpu.core_type = #tpu.core_type<sc_vector_subcore>, window_params = [{transform_indices = #map}, {transform_indices = #map1}, {transform_indices = #map}, {transform_indices = #map1}, {transform_indices = #map2}, {transform_indices = #map}]} {
    %mul3A = arith.constant 2 : i32
    %mul3A_0 = arith.muli %arg1, %mul3A : i32
    %add3A = arith.addi %mul3A_0, %arg0 : i32
    "tpu.region"() ({
      %run_scoped3A = tpu.sem_alloc : memref<!tpu.dma_semaphore, #tpu.memory_space<semaphore_mem>>
      tpu.enqueue_dma source(%arg6 : memref<40000xf32, #tpu.memory_space<hbm>>) target(%arg11 : memref<40000xf32, #tpu.memory_space<vmem>>) target_semaphore(%run_scoped3A : memref<!tpu.dma_semaphore, #tpu.memory_space<semaphore_mem>>)
      tpu.wait_dma2 semaphore(%run_scoped3A : memref<!tpu.dma_semaphore, #tpu.memory_space<semaphore_mem>>) src(%arg6 : memref<40000xf32, #tpu.memory_space<hbm>>) dst(%arg11 : memref<40000xf32, #tpu.memory_space<vmem>>)
      tpu.yield
    }) : () -> ()
    %iota3A = tpu.iota {dimensions = array<i32: 0>} : vector<16xi32>
    %mul3A_1 = arith.constant 80 : i32
    %mul3A_2 = arith.muli %add3A, %mul3A_1 : i32
    "tpu.region"() ({
      %run_scoped3A = tpu.sem_alloc : memref<!tpu.dma_semaphore, #tpu.memory_space<semaphore_mem>>
      %dma_start3A_27 = arith.constant 0 : i32
      %dma_start3A_28 = arith.constant 0 : i32
      %dma_start3A_29 = arith.constant 0 : i32
      %dma_start3A_30 = tpu.memref_slice %arg8[%dma_start3A_27, %dma_start3A_28, %dma_start3A_29] : memref<80x1x128xi32, #tpu.memory_space<vmem>> -> memref<80x1x128xi32, #tpu.memory_space<vmem>>
      %dma_start3A_31 = arith.constant 0 : i32
      %dma_start3A_32 = arith.constant 0 : i32
      %dma_start3A_33 = tpu.memref_slice %arg3[%mul3A_2, %dma_start3A_31, %dma_start3A_32] : memref<2560x1x128xi32, #tpu.memory_space<hbm>> -> memref<80x1x128xi32, #tpu.memory_space<hbm>>
      %dma_start3A_34 = arith.constant 0 : i32
      %dma_start3A_35 = arith.constant 0 : i32
      %dma_start3A_36 = arith.constant 0 : i32
      %dma_start3A_37 = tpu.memref_slice %arg8[%dma_start3A_34, %dma_start3A_35, %dma_start3A_36] : memref<80x1x128xi32, #tpu.memory_space<vmem>> -> memref<80x1x128xi32, #tpu.memory_space<vmem>>
      %dma_start3A_38 = arith.constant 0 : i32
      %dma_start3A_39 = arith.constant 0 : i32
      %dma_start3A_40 = tpu.memref_slice %arg3[%mul3A_2, %dma_start3A_38, %dma_start3A_39] : memref<2560x1x128xi32, #tpu.memory_space<hbm>> -> memref<80x1x128xi32, #tpu.memory_space<hbm>>
      tpu.enqueue_dma source(%dma_start3A_40 : memref<80x1x128xi32, #tpu.memory_space<hbm>>) target(%dma_start3A_37 : memref<80x1x128xi32, #tpu.memory_space<vmem>>) target_semaphore(%run_scoped3A : memref<!tpu.dma_semaphore, #tpu.memory_space<semaphore_mem>>)
      %dma_wait3A = arith.constant 0 : i32
      %dma_wait3A_41 = arith.constant 0 : i32
      %dma_wait3A_42 = arith.constant 0 : i32
      %dma_wait3A_43 = tpu.memref_slice %arg8[%dma_wait3A, %dma_wait3A_41, %dma_wait3A_42] : memref<80x1x128xi32, #tpu.memory_space<vmem>> -> memref<80x1x128xi32, #tpu.memory_space<vmem>>
      %dma_wait3A_44 = arith.constant 0 : i32
      %dma_wait3A_45 = arith.constant 0 : i32
      %dma_wait3A_46 = tpu.memref_slice %arg3[%mul3A_2, %dma_wait3A_44, %dma_wait3A_45] : memref<2560x1x128xi32, #tpu.memory_space<hbm>> -> memref<80x1x128xi32, #tpu.memory_space<hbm>>
      %dma_wait3A_47 = arith.constant 0 : i32
      %dma_wait3A_48 = arith.constant 0 : i32
      %dma_wait3A_49 = arith.constant 0 : i32
      %dma_wait3A_50 = tpu.memref_slice %arg8[%dma_wait3A_47, %dma_wait3A_48, %dma_wait3A_49] : memref<80x1x128xi32, #tpu.memory_space<vmem>> -> memref<80x1x128xi32, #tpu.memory_space<vmem>>
      %dma_wait3A_51 = arith.constant 0 : i32
      %dma_wait3A_52 = arith.constant 0 : i32
      %dma_wait3A_53 = tpu.memref_slice %arg3[%mul3A_2, %dma_wait3A_51, %dma_wait3A_52] : memref<2560x1x128xi32, #tpu.memory_space<hbm>> -> memref<80x1x128xi32, #tpu.memory_space<hbm>>
      tpu.wait_dma2 semaphore(%run_scoped3A : memref<!tpu.dma_semaphore, #tpu.memory_space<semaphore_mem>>) src(%dma_wait3A_53 : memref<80x1x128xi32, #tpu.memory_space<hbm>>) dst(%dma_wait3A_50 : memref<80x1x128xi32, #tpu.memory_space<vmem>>)
      tpu.yield
    }) : () -> ()
    %mul3A_3 = arith.constant 128 : i32
    %mul3A_4 = arith.muli %mul3A_2, %mul3A_3 : i32
    %dma_start3A = arith.constant 0 : i32
    %dma_start3A_5 = tpu.memref_slice %arg2[%mul3A_4, %dma_start3A] : memref<327680x16xf32, #tpu.memory_space<hbm>> -> memref<128x16xf32, #tpu.memory_space<hbm>>
    %dma_start3A_6 = arith.constant 0 : i32
    %dma_start3A_7 = tpu.memref_slice %arg2[%mul3A_4, %dma_start3A_6] : memref<327680x16xf32, #tpu.memory_space<hbm>> -> memref<128x16xf32, #tpu.memory_space<hbm>>
    tpu.enqueue_dma source(%dma_start3A_7 : memref<128x16xf32, #tpu.memory_space<hbm>>) target(%arg9 : memref<128x16xf32, #tpu.memory_space<vmem>>) target_semaphore(%arg12 : memref<!tpu.dma_semaphore, #tpu.memory_space<semaphore_mem>>)
    %scan3A = arith.constant 0 : i32
    %scan3A_8 = arith.constant 0 : i32
    %scan3A_9 = arith.constant 40 : i32
    %scan3A_10 = arith.addi %scan3A_8, %scan3A_9 : i32
    %scan3A_11 = arith.constant 1 : i32
    scf.for %scan3A_27 = %scan3A_8 to %scan3A_10 step %scan3A_11  : i32 {
      %mul3A_28 = arith.constant 2 : i32
      %mul3A_29 = arith.muli %scan3A_27, %mul3A_28 : i32
      %add3A_30 = arith.addi %mul3A_2, %mul3A_29 : i32
      %add3A_31 = arith.constant 1 : i32
      %add3A_32 = arith.addi %add3A_30, %add3A_31 : i32
      %mul3A_33 = arith.constant 128 : i32
      %mul3A_34 = arith.muli %add3A_32, %mul3A_33 : i32
      %dma_start3A_35 = arith.constant 0 : i32
      %dma_start3A_36 = tpu.memref_slice %arg2[%mul3A_34, %dma_start3A_35] : memref<327680x16xf32, #tpu.memory_space<hbm>> -> memref<128x16xf32, #tpu.memory_space<hbm>>
      %dma_start3A_37 = arith.constant 0 : i32
      %dma_start3A_38 = tpu.memref_slice %arg2[%mul3A_34, %dma_start3A_37] : memref<327680x16xf32, #tpu.memory_space<hbm>> -> memref<128x16xf32, #tpu.memory_space<hbm>>
      tpu.enqueue_dma source(%dma_start3A_38 : memref<128x16xf32, #tpu.memory_space<hbm>>) target(%arg10 : memref<128x16xf32, #tpu.memory_space<vmem>>) target_semaphore(%arg13 : memref<!tpu.dma_semaphore, #tpu.memory_space<semaphore_mem>>)
      %dma_wait3A = arith.constant 0 : i32
      %dma_wait3A_39 = arith.constant 0 : i32
      %dma_wait3A_40 = tpu.memref_slice %arg2[%dma_wait3A, %dma_wait3A_39] : memref<327680x16xf32, #tpu.memory_space<hbm>> -> memref<128x16xf32, #tpu.memory_space<hbm>>
      %dma_wait3A_41 = arith.constant 0 : i32
      %dma_wait3A_42 = arith.constant 0 : i32
      %dma_wait3A_43 = tpu.memref_slice %arg2[%dma_wait3A_41, %dma_wait3A_42] : memref<327680x16xf32, #tpu.memory_space<hbm>> -> memref<128x16xf32, #tpu.memory_space<hbm>>
      tpu.wait_dma2 semaphore(%arg12 : memref<!tpu.dma_semaphore, #tpu.memory_space<semaphore_mem>>) src(%dma_wait3A_43 : memref<128x16xf32, #tpu.memory_space<hbm>>) dst(%arg9 : memref<128x16xf32, #tpu.memory_space<vmem>>)
      %get3A = arith.constant 0 : i32
      %get3A_44 = arith.index_cast %mul3A_29 : i32 to index
      %get3A_45 = arith.index_cast %get3A : i32 to index
      %get3A_46 = arith.constant 0 : index
      %get3A_47 = tpu.vector_load %arg8[%get3A_44, %get3A_45, %get3A_46] {strides = array<i32>} : memref<80x1x128xi32, #tpu.memory_space<vmem>>, vector<16xi32>,
      %mul3A_48 = arith.constant 4 : i32
      %mul3A_49 = vector.broadcast %mul3A_48 : i32 to vector<16xi32>
      %mul3A_50 = arith.muli %get3A_47, %mul3A_49 : vector<16xi32>
      %add3A_51 = arith.constant 0 : i32
      %add3A_52 = vector.broadcast %add3A_51 : i32 to vector<16xi32>
      %add3A_53 = arith.addi %iota3A, %add3A_52 : vector<16xi32>
      %mul3A_54 = arith.constant 0 : i32
      %mul3A_55 = vector.broadcast %mul3A_54 : i32 to vector<16xi32>
      %mul3A_56 = arith.muli %iota3A, %mul3A_55 : vector<16xi32>
      %add3A_57 = arith.constant 0 : i32
      %add3A_58 = vector.broadcast %add3A_57 : i32 to vector<16xi32>
      %add3A_59 = arith.addi %mul3A_56, %add3A_58 : vector<16xi32>
      %gather3A = tpu.vector_load_idx %arg9[%add3A_53, %add3A_59] : memref<128x16xf32, #tpu.memory_space<vmem>>[vector<16xi32>, vector<16xi32>], vector<16xf32>,
      %add3A_60 = arith.constant 0 : i32
      %add3A_61 = vector.broadcast %add3A_60 : i32 to vector<16xi32>
      %add3A_62 = arith.addi %mul3A_50, %add3A_61 : vector<16xi32>
      tpu.vector_store_idx %arg11[%add3A_62], %gather3A {add = true} : memref<40000xf32, #tpu.memory_space<vmem>>[vector<16xi32>], vector<16xf32>,
      %mul3A_63 = arith.constant 0 : i32
      %mul3A_64 = vector.broadcast %mul3A_63 : i32 to vector<16xi32>
      %mul3A_65 = arith.muli %iota3A, %mul3A_64 : vector<16xi32>
      %add3A_66 = arith.constant 1 : i32
      %add3A_67 = vector.broadcast %add3A_66 : i32 to vector<16xi32>
      %add3A_68 = arith.addi %mul3A_65, %add3A_67 : vector<16xi32>
      %gather3A_69 = tpu.vector_load_idx %arg9[%add3A_53, %add3A_68] : memref<128x16xf32, #tpu.memory_space<vmem>>[vector<16xi32>, vector<16xi32>], vector<16xf32>,
      %add3A_70 = arith.constant 1 : i32
      %add3A_71 = vector.broadcast %add3A_70 : i32 to vector<16xi32>
      %add3A_72 = arith.addi %mul3A_50, %add3A_71 : vector<16xi32>
      tpu.vector_store_idx %arg11[%add3A_72], %gather3A_69 {add = true} : memref<40000xf32, #tpu.memory_space<vmem>>[vector<16xi32>], vector<16xf32>,
      %mul3A_73 = arith.constant 0 : i32
      %mul3A_74 = vector.broadcast %mul3A_73 : i32 to vector<16xi32>
      %mul3A_75 = arith.muli %iota3A, %mul3A_74 : vector<16xi32>
      %add3A_76 = arith.constant 2 : i32
      %add3A_77 = vector.broadcast %add3A_76 : i32 to vector<16xi32>
      %add3A_78 = arith.addi %mul3A_75, %add3A_77 : vector<16xi32>
      %gather3A_79 = tpu.vector_load_idx %arg9[%add3A_53, %add3A_78] : memref<128x16xf32, #tpu.memory_space<vmem>>[vector<16xi32>, vector<16xi32>], vector<16xf32>,
      %add3A_80 = arith.constant 2 : i32
      %add3A_81 = vector.broadcast %add3A_80 : i32 to vector<16xi32>
      %add3A_82 = arith.addi %mul3A_50, %add3A_81 : vector<16xi32>
      tpu.vector_store_idx %arg11[%add3A_82], %gather3A_79 {add = true} : memref<40000xf32, #tpu.memory_space<vmem>>[vector<16xi32>], vector<16xf32>,
      %get3A_83 = arith.constant 0 : i32
      %get3A_84 = arith.index_cast %mul3A_29 : i32 to index
      %get3A_85 = arith.index_cast %get3A_83 : i32 to index
      %get3A_86 = arith.constant 16 : index
      %get3A_87 = tpu.vector_load %arg8[%get3A_84, %get3A_85, %get3A_86] {strides = array<i32>} : memref<80x1x128xi32, #tpu.memory_space<vmem>>, vector<16xi32>,
      %mul3A_88 = arith.constant 4 : i32
      %mul3A_89 = vector.broadcast %mul3A_88 : i32 to vector<16xi32>
      %mul3A_90 = arith.muli %get3A_87, %mul3A_89 : vector<16xi32>
      %add3A_91 = arith.constant 16 : i32
      %add3A_92 = vector.broadcast %add3A_91 : i32 to vector<16xi32>
      %add3A_93 = arith.addi %iota3A, %add3A_92 : vector<16xi32>
      %mul3A_94 = arith.constant 0 : i32
      %mul3A_95 = vector.broadcast %mul3A_94 : i32 to vector<16xi32>
      %mul3A_96 = arith.muli %iota3A, %mul3A_95 : vector<16xi32>
      %add3A_97 = arith.constant 0 : i32
      %add3A_98 = vector.broadcast %add3A_97 : i32 to vector<16xi32>
      %add3A_99 = arith.addi %mul3A_96, %add3A_98 : vector<16xi32>
      %gather3A_100 = tpu.vector_load_idx %arg9[%add3A_93, %add3A_99] : memref<128x16xf32, #tpu.memory_space<vmem>>[vector<16xi32>, vector<16xi32>], vector<16xf32>,
      %add3A_101 = arith.constant 0 : i32
      %add3A_102 = vector.broadcast %add3A_101 : i32 to vector<16xi32>
      %add3A_103 = arith.addi %mul3A_90, %add3A_102 : vector<16xi32>
      tpu.vector_store_idx %arg11[%add3A_103], %gather3A_100 {add = true} : memref<40000xf32, #tpu.memory_space<vmem>>[vector<16xi32>], vector<16xf32>,
      %mul3A_104 = arith.constant 0 : i32
      %mul3A_105 = vector.broadcast %mul3A_104 : i32 to vector<16xi32>
      %mul3A_106 = arith.muli %iota3A, %mul3A_105 : vector<16xi32>
      %add3A_107 = arith.constant 1 : i32
      %add3A_108 = vector.broadcast %add3A_107 : i32 to vector<16xi32>
      %add3A_109 = arith.addi %mul3A_106, %add3A_108 : vector<16xi32>
      %gather3A_110 = tpu.vector_load_idx %arg9[%add3A_93, %add3A_109] : memref<128x16xf32, #tpu.memory_space<vmem>>[vector<16xi32>, vector<16xi32>], vector<16xf32>,
      %add3A_111 = arith.constant 1 : i32
      %add3A_112 = vector.broadcast %add3A_111 : i32 to vector<16xi32>
      %add3A_113 = arith.addi %mul3A_90, %add3A_112 : vector<16xi32>
      tpu.vector_store_idx %arg11[%add3A_113], %gather3A_110 {add = true} : memref<40000xf32, #tpu.memory_space<vmem>>[vector<16xi32>], vector<16xf32>,
      %mul3A_114 = arith.constant 0 : i32
      %mul3A_115 = vector.broadcast %mul3A_114 : i32 to vector<16xi32>
      %mul3A_116 = arith.muli %iota3A, %mul3A_115 : vector<16xi32>
      %add3A_117 = arith.constant 2 : i32
      %add3A_118 = vector.broadcast %add3A_117 : i32 to vector<16xi32>
      %add3A_119 = arith.addi %mul3A_116, %add3A_118 : vector<16xi32>
      %gather3A_120 = tpu.vector_load_idx %arg9[%add3A_93, %add3A_119] : memref<128x16xf32, #tpu.memory_space<vmem>>[vector<16xi32>, vector<16xi32>], vector<16xf32>,
      %add3A_121 = arith.constant 2 : i32
      %add3A_122 = vector.broadcast %add3A_121 : i32 to vector<16xi32>
      %add3A_123 = arith.addi %mul3A_90, %add3A_122 : vector<16xi32>
      tpu.vector_store_idx %arg11[%add3A_123], %gather3A_120 {add = true} : memref<40000xf32, #tpu.memory_space<vmem>>[vector<16xi32>], vector<16xf32>,
      %get3A_124 = arith.constant 0 : i32
      %get3A_125 = arith.index_cast %mul3A_29 : i32 to index
      %get3A_126 = arith.index_cast %get3A_124 : i32 to index
      %get3A_127 = arith.constant 32 : index
      %get3A_128 = tpu.vector_load %arg8[%get3A_125, %get3A_126, %get3A_127] {strides = array<i32>} : memref<80x1x128xi32, #tpu.memory_space<vmem>>, vector<16xi32>,
      %mul3A_129 = arith.constant 4 : i32
      %mul3A_130 = vector.broadcast %mul3A_129 : i32 to vector<16xi32>
      %mul3A_131 = arith.muli %get3A_128, %mul3A_130 : vector<16xi32>
      %add3A_132 = arith.constant 32 : i32
      %add3A_133 = vector.broadcast %add3A_132 : i32 to vector<16xi32>
      %add3A_134 = arith.addi %iota3A, %add3A_133 : vector<16xi32>
      %mul3A_135 = arith.constant 0 : i32
      %mul3A_136 = vector.broadcast %mul3A_135 : i32 to vector<16xi32>
      %mul3A_137 = arith.muli %iota3A, %mul3A_136 : vector<16xi32>
      %add3A_138 = arith.constant 0 : i32
      %add3A_139 = vector.broadcast %add3A_138 : i32 to vector<16xi32>
      %add3A_140 = arith.addi %mul3A_137, %add3A_139 : vector<16xi32>
      %gather3A_141 = tpu.vector_load_idx %arg9[%add3A_134, %add3A_140] : memref<128x16xf32, #tpu.memory_space<vmem>>[vector<16xi32>, vector<16xi32>], vector<16xf32>,
      %add3A_142 = arith.constant 0 : i32
      %add3A_143 = vector.broadcast %add3A_142 : i32 to vector<16xi32>
      %add3A_144 = arith.addi %mul3A_131, %add3A_143 : vector<16xi32>
      tpu.vector_store_idx %arg11[%add3A_144], %gather3A_141 {add = true} : memref<40000xf32, #tpu.memory_space<vmem>>[vector<16xi32>], vector<16xf32>,
      %mul3A_145 = arith.constant 0 : i32
      %mul3A_146 = vector.broadcast %mul3A_145 : i32 to vector<16xi32>
      %mul3A_147 = arith.muli %iota3A, %mul3A_146 : vector<16xi32>
      %add3A_148 = arith.constant 1 : i32
      %add3A_149 = vector.broadcast %add3A_148 : i32 to vector<16xi32>
      %add3A_150 = arith.addi %mul3A_147, %add3A_149 : vector<16xi32>
      %gather3A_151 = tpu.vector_load_idx %arg9[%add3A_134, %add3A_150] : memref<128x16xf32, #tpu.memory_space<vmem>>[vector<16xi32>, vector<16xi32>], vector<16xf32>,
      %add3A_152 = arith.constant 1 : i32
      %add3A_153 = vector.broadcast %add3A_152 : i32 to vector<16xi32>
      %add3A_154 = arith.addi %mul3A_131, %add3A_153 : vector<16xi32>
      tpu.vector_store_idx %arg11[%add3A_154], %gather3A_151 {add = true} : memref<40000xf32, #tpu.memory_space<vmem>>[vector<16xi32>], vector<16xf32>,
      %mul3A_155 = arith.constant 0 : i32
      %mul3A_156 = vector.broadcast %mul3A_155 : i32 to vector<16xi32>
      %mul3A_157 = arith.muli %iota3A, %mul3A_156 : vector<16xi32>
      %add3A_158 = arith.constant 2 : i32
      %add3A_159 = vector.broadcast %add3A_158 : i32 to vector<16xi32>
      %add3A_160 = arith.addi %mul3A_157, %add3A_159 : vector<16xi32>
      %gather3A_161 = tpu.vector_load_idx %arg9[%add3A_134, %add3A_160] : memref<128x16xf32, #tpu.memory_space<vmem>>[vector<16xi32>, vector<16xi32>], vector<16xf32>,
      %add3A_162 = arith.constant 2 : i32
      %add3A_163 = vector.broadcast %add3A_162 : i32 to vector<16xi32>
      %add3A_164 = arith.addi %mul3A_131, %add3A_163 : vector<16xi32>
      tpu.vector_store_idx %arg11[%add3A_164], %gather3A_161 {add = true} : memref<40000xf32, #tpu.memory_space<vmem>>[vector<16xi32>], vector<16xf32>,
      %get3A_165 = arith.constant 0 : i32
      %get3A_166 = arith.index_cast %mul3A_29 : i32 to index
      %get3A_167 = arith.index_cast %get3A_165 : i32 to index
      %get3A_168 = arith.constant 48 : index
      %get3A_169 = tpu.vector_load %arg8[%get3A_166, %get3A_167, %get3A_168] {strides = array<i32>} : memref<80x1x128xi32, #tpu.memory_space<vmem>>, vector<16xi32>,
      %mul3A_170 = arith.constant 4 : i32
      %mul3A_171 = vector.broadcast %mul3A_170 : i32 to vector<16xi32>
      %mul3A_172 = arith.muli %get3A_169, %mul3A_171 : vector<16xi32>
      %add3A_173 = arith.constant 48 : i32
      %add3A_174 = vector.broadcast %add3A_173 : i32 to vector<16xi32>
      %add3A_175 = arith.addi %iota3A, %add3A_174 : vector<16xi32>
      %mul3A_176 = arith.constant 0 : i32
      %mul3A_177 = vector.broadcast %mul3A_176 : i32 to vector<16xi32>
      %mul3A_178 = arith.muli %iota3A, %mul3A_177 : vector<16xi32>
      %add3A_179 = arith.constant 0 : i32
      %add3A_180 = vector.broadcast %add3A_179 : i32 to vector<16xi32>
      %add3A_181 = arith.addi %mul3A_178, %add3A_180 : vector<16xi32>
      %gather3A_182 = tpu.vector_load_idx %arg9[%add3A_175, %add3A_181] : memref<128x16xf32, #tpu.memory_space<vmem>>[vector<16xi32>, vector<16xi32>], vector<16xf32>,
      %add3A_183 = arith.constant 0 : i32
      %add3A_184 = vector.broadcast %add3A_183 : i32 to vector<16xi32>
      %add3A_185 = arith.addi %mul3A_172, %add3A_184 : vector<16xi32>
      tpu.vector_store_idx %arg11[%add3A_185], %gather3A_182 {add = true} : memref<40000xf32, #tpu.memory_space<vmem>>[vector<16xi32>], vector<16xf32>,
      %mul3A_186 = arith.constant 0 : i32
      %mul3A_187 = vector.broadcast %mul3A_186 : i32 to vector<16xi32>
      %mul3A_188 = arith.muli %iota3A, %mul3A_187 : vector<16xi32>
      %add3A_189 = arith.constant 1 : i32
      %add3A_190 = vector.broadcast %add3A_189 : i32 to vector<16xi32>
      %add3A_191 = arith.addi %mul3A_188, %add3A_190 : vector<16xi32>
      %gather3A_192 = tpu.vector_load_idx %arg9[%add3A_175, %add3A_191] : memref<128x16xf32, #tpu.memory_space<vmem>>[vector<16xi32>, vector<16xi32>], vector<16xf32>,
      %add3A_193 = arith.constant 1 : i32
      %add3A_194 = vector.broadcast %add3A_193 : i32 to vector<16xi32>
      %add3A_195 = arith.addi %mul3A_172, %add3A_194 : vector<16xi32>
      tpu.vector_store_idx %arg11[%add3A_195], %gather3A_192 {add = true} : memref<40000xf32, #tpu.memory_space<vmem>>[vector<16xi32>], vector<16xf32>,
      %mul3A_196 = arith.constant 0 : i32
      %mul3A_197 = vector.broadcast %mul3A_196 : i32 to vector<16xi32>
      %mul3A_198 = arith.muli %iota3A, %mul3A_197 : vector<16xi32>
      %add3A_199 = arith.constant 2 : i32
      %add3A_200 = vector.broadcast %add3A_199 : i32 to vector<16xi32>
      %add3A_201 = arith.addi %mul3A_198, %add3A_200 : vector<16xi32>
      %gather3A_202 = tpu.vector_load_idx %arg9[%add3A_175, %add3A_201] : memref<128x16xf32, #tpu.memory_space<vmem>>[vector<16xi32>, vector<16xi32>], vector<16xf32>,
      %add3A_203 = arith.constant 2 : i32
      %add3A_204 = vector.broadcast %add3A_203 : i32 to vector<16xi32>
      %add3A_205 = arith.addi %mul3A_172, %add3A_204 : vector<16xi32>
      tpu.vector_store_idx %arg11[%add3A_205], %gather3A_202 {add = true} : memref<40000xf32, #tpu.memory_space<vmem>>[vector<16xi32>], vector<16xf32>,
      %get3A_206 = arith.constant 0 : i32
      %get3A_207 = arith.index_cast %mul3A_29 : i32 to index
      %get3A_208 = arith.index_cast %get3A_206 : i32 to index
      %get3A_209 = arith.constant 64 : index
      %get3A_210 = tpu.vector_load %arg8[%get3A_207, %get3A_208, %get3A_209] {strides = array<i32>} : memref<80x1x128xi32, #tpu.memory_space<vmem>>, vector<16xi32>,
      %mul3A_211 = arith.constant 4 : i32
      %mul3A_212 = vector.broadcast %mul3A_211 : i32 to vector<16xi32>
      %mul3A_213 = arith.muli %get3A_210, %mul3A_212 : vector<16xi32>
      %add3A_214 = arith.constant 64 : i32
      %add3A_215 = vector.broadcast %add3A_214 : i32 to vector<16xi32>
      %add3A_216 = arith.addi %iota3A, %add3A_215 : vector<16xi32>
      %mul3A_217 = arith.constant 0 : i32
      %mul3A_218 = vector.broadcast %mul3A_217 : i32 to vector<16xi32>
      %mul3A_219 = arith.muli %iota3A, %mul3A_218 : vector<16xi32>
      %add3A_220 = arith.constant 0 : i32
      %add3A_221 = vector.broadcast %add3A_220 : i32 to vector<16xi32>
      %add3A_222 = arith.addi %mul3A_219, %add3A_221 : vector<16xi32>
      %gather3A_223 = tpu.vector_load_idx %arg9[%add3A_216, %add3A_222] : memref<128x16xf32, #tpu.memory_space<vmem>>[vector<16xi32>, vector<16xi32>], vector<16xf32>,
      %add3A_224 = arith.constant 0 : i32
      %add3A_225 = vector.broadcast %add3A_224 : i32 to vector<16xi32>
      %add3A_226 = arith.addi %mul3A_213, %add3A_225 : vector<16xi32>
      tpu.vector_store_idx %arg11[%add3A_226], %gather3A_223 {add = true} : memref<40000xf32, #tpu.memory_space<vmem>>[vector<16xi32>], vector<16xf32>,
      %mul3A_227 = arith.constant 0 : i32
      %mul3A_228 = vector.broadcast %mul3A_227 : i32 to vector<16xi32>
      %mul3A_229 = arith.muli %iota3A, %mul3A_228 : vector<16xi32>
      %add3A_230 = arith.constant 1 : i32
      %add3A_231 = vector.broadcast %add3A_230 : i32 to vector<16xi32>
      %add3A_232 = arith.addi %mul3A_229, %add3A_231 : vector<16xi32>
      %gather3A_233 = tpu.vector_load_idx %arg9[%add3A_216, %add3A_232] : memref<128x16xf32, #tpu.memory_space<vmem>>[vector<16xi32>, vector<16xi32>], vector<16xf32>,
      %add3A_234 = arith.constant 1 : i32
      %add3A_235 = vector.broadcast %add3A_234 : i32 to vector<16xi32>
      %add3A_236 = arith.addi %mul3A_213, %add3A_235 : vector<16xi32>
      tpu.vector_store_idx %arg11[%add3A_236], %gather3A_233 {add = true} : memref<40000xf32, #tpu.memory_space<vmem>>[vector<16xi32>], vector<16xf32>,
      %mul3A_237 = arith.constant 0 : i32
      %mul3A_238 = vector.broadcast %mul3A_237 : i32 to vector<16xi32>
      %mul3A_239 = arith.muli %iota3A, %mul3A_238 : vector<16xi32>
      %add3A_240 = arith.constant 2 : i32
      %add3A_241 = vector.broadcast %add3A_240 : i32 to vector<16xi32>
      %add3A_242 = arith.addi %mul3A_239, %add3A_241 : vector<16xi32>
      %gather3A_243 = tpu.vector_load_idx %arg9[%add3A_216, %add3A_242] : memref<128x16xf32, #tpu.memory_space<vmem>>[vector<16xi32>, vector<16xi32>], vector<16xf32>,
      %add3A_244 = arith.constant 2 : i32
      %add3A_245 = vector.broadcast %add3A_244 : i32 to vector<16xi32>
      %add3A_246 = arith.addi %mul3A_213, %add3A_245 : vector<16xi32>
      tpu.vector_store_idx %arg11[%add3A_246], %gather3A_243 {add = true} : memref<40000xf32, #tpu.memory_space<vmem>>[vector<16xi32>], vector<16xf32>,
      %get3A_247 = arith.constant 0 : i32
      %get3A_248 = arith.index_cast %mul3A_29 : i32 to index
      %get3A_249 = arith.index_cast %get3A_247 : i32 to index
      %get3A_250 = arith.constant 80 : index
      %get3A_251 = tpu.vector_load %arg8[%get3A_248, %get3A_249, %get3A_250] {strides = array<i32>} : memref<80x1x128xi32, #tpu.memory_space<vmem>>, vector<16xi32>,
      %mul3A_252 = arith.constant 4 : i32
      %mul3A_253 = vector.broadcast %mul3A_252 : i32 to vector<16xi32>
      %mul3A_254 = arith.muli %get3A_251, %mul3A_253 : vector<16xi32>
      %add3A_255 = arith.constant 80 : i32
      %add3A_256 = vector.broadcast %add3A_255 : i32 to vector<16xi32>
      %add3A_257 = arith.addi %iota3A, %add3A_256 : vector<16xi32>
      %mul3A_258 = arith.constant 0 : i32
      %mul3A_259 = vector.broadcast %mul3A_258 : i32 to vector<16xi32>
      %mul3A_260 = arith.muli %iota3A, %mul3A_259 : vector<16xi32>
      %add3A_261 = arith.constant 0 : i32
      %add3A_262 = vector.broadcast %add3A_261 : i32 to vector<16xi32>
      %add3A_263 = arith.addi %mul3A_260, %add3A_262 : vector<16xi32>
      %gather3A_264 = tpu.vector_load_idx %arg9[%add3A_257, %add3A_263] : memref<128x16xf32, #tpu.memory_space<vmem>>[vector<16xi32>, vector<16xi32>], vector<16xf32>,
      %add3A_265 = arith.constant 0 : i32
      %add3A_266 = vector.broadcast %add3A_265 : i32 to vector<16xi32>
      %add3A_267 = arith.addi %mul3A_254, %add3A_266 : vector<16xi32>
      tpu.vector_store_idx %arg11[%add3A_267], %gather3A_264 {add = true} : memref<40000xf32, #tpu.memory_space<vmem>>[vector<16xi32>], vector<16xf32>,
      %mul3A_268 = arith.constant 0 : i32
      %mul3A_269 = vector.broadcast %mul3A_268 : i32 to vector<16xi32>
      %mul3A_270 = arith.muli %iota3A, %mul3A_269 : vector<16xi32>
      %add3A_271 = arith.constant 1 : i32
      %add3A_272 = vector.broadcast %add3A_271 : i32 to vector<16xi32>
      %add3A_273 = arith.addi %mul3A_270, %add3A_272 : vector<16xi32>
      %gather3A_274 = tpu.vector_load_idx %arg9[%add3A_257, %add3A_273] : memref<128x16xf32, #tpu.memory_space<vmem>>[vector<16xi32>, vector<16xi32>], vector<16xf32>,
      %add3A_275 = arith.constant 1 : i32
      %add3A_276 = vector.broadcast %add3A_275 : i32 to vector<16xi32>
      %add3A_277 = arith.addi %mul3A_254, %add3A_276 : vector<16xi32>
      tpu.vector_store_idx %arg11[%add3A_277], %gather3A_274 {add = true} : memref<40000xf32, #tpu.memory_space<vmem>>[vector<16xi32>], vector<16xf32>,
      %mul3A_278 = arith.constant 0 : i32
      %mul3A_279 = vector.broadcast %mul3A_278 : i32 to vector<16xi32>
      %mul3A_280 = arith.muli %iota3A, %mul3A_279 : vector<16xi32>
      %add3A_281 = arith.constant 2 : i32
      %add3A_282 = vector.broadcast %add3A_281 : i32 to vector<16xi32>
      %add3A_283 = arith.addi %mul3A_280, %add3A_282 : vector<16xi32>
      %gather3A_284 = tpu.vector_load_idx %arg9[%add3A_257, %add3A_283] : memref<128x16xf32, #tpu.memory_space<vmem>>[vector<16xi32>, vector<16xi32>], vector<16xf32>,
      %add3A_285 = arith.constant 2 : i32
      %add3A_286 = vector.broadcast %add3A_285 : i32 to vector<16xi32>
      %add3A_287 = arith.addi %mul3A_254, %add3A_286 : vector<16xi32>
      tpu.vector_store_idx %arg11[%add3A_287], %gather3A_284 {add = true} : memref<40000xf32, #tpu.memory_space<vmem>>[vector<16xi32>], vector<16xf32>,
      %get3A_288 = arith.constant 0 : i32
      %get3A_289 = arith.index_cast %mul3A_29 : i32 to index
      %get3A_290 = arith.index_cast %get3A_288 : i32 to index
      %get3A_291 = arith.constant 96 : index
      %get3A_292 = tpu.vector_load %arg8[%get3A_289, %get3A_290, %get3A_291] {strides = array<i32>} : memref<80x1x128xi32, #tpu.memory_space<vmem>>, vector<16xi32>,
      %mul3A_293 = arith.constant 4 : i32
      %mul3A_294 = vector.broadcast %mul3A_293 : i32 to vector<16xi32>
      %mul3A_295 = arith.muli %get3A_292, %mul3A_294 : vector<16xi32>
      %add3A_296 = arith.constant 96 : i32
      %add3A_297 = vector.broadcast %add3A_296 : i32 to vector<16xi32>
      %add3A_298 = arith.addi %iota3A, %add3A_297 : vector<16xi32>
      %mul3A_299 = arith.constant 0 : i32
      %mul3A_300 = vector.broadcast %mul3A_299 : i32 to vector<16xi32>
      %mul3A_301 = arith.muli %iota3A, %mul3A_300 : vector<16xi32>
      %add3A_302 = arith.constant 0 : i32
      %add3A_303 = vector.broadcast %add3A_302 : i32 to vector<16xi32>
      %add3A_304 = arith.addi %mul3A_301, %add3A_303 : vector<16xi32>
      %gather3A_305 = tpu.vector_load_idx %arg9[%add3A_298, %add3A_304] : memref<128x16xf32, #tpu.memory_space<vmem>>[vector<16xi32>, vector<16xi32>], vector<16xf32>,
      %add3A_306 = arith.constant 0 : i32
      %add3A_307 = vector.broadcast %add3A_306 : i32 to vector<16xi32>
      %add3A_308 = arith.addi %mul3A_295, %add3A_307 : vector<16xi32>
      tpu.vector_store_idx %arg11[%add3A_308], %gather3A_305 {add = true} : memref<40000xf32, #tpu.memory_space<vmem>>[vector<16xi32>], vector<16xf32>,
      %mul3A_309 = arith.constant 0 : i32
      %mul3A_310 = vector.broadcast %mul3A_309 : i32 to vector<16xi32>
      %mul3A_311 = arith.muli %iota3A, %mul3A_310 : vector<16xi32>
      %add3A_312 = arith.constant 1 : i32
      %add3A_313 = vector.broadcast %add3A_312 : i32 to vector<16xi32>
      %add3A_314 = arith.addi %mul3A_311, %add3A_313 : vector<16xi32>
      %gather3A_315 = tpu.vector_load_idx %arg9[%add3A_298, %add3A_314] : memref<128x16xf32, #tpu.memory_space<vmem>>[vector<16xi32>, vector<16xi32>], vector<16xf32>,
      %add3A_316 = arith.constant 1 : i32
      %add3A_317 = vector.broadcast %add3A_316 : i32 to vector<16xi32>
      %add3A_318 = arith.addi %mul3A_295, %add3A_317 : vector<16xi32>
      tpu.vector_store_idx %arg11[%add3A_318], %gather3A_315 {add = true} : memref<40000xf32, #tpu.memory_space<vmem>>[vector<16xi32>], vector<16xf32>,
      %mul3A_319 = arith.constant 0 : i32
      %mul3A_320 = vector.broadcast %mul3A_319 : i32 to vector<16xi32>
      %mul3A_321 = arith.muli %iota3A, %mul3A_320 : vector<16xi32>
      %add3A_322 = arith.constant 2 : i32
      %add3A_323 = vector.broadcast %add3A_322 : i32 to vector<16xi32>
      %add3A_324 = arith.addi %mul3A_321, %add3A_323 : vector<16xi32>
      %gather3A_325 = tpu.vector_load_idx %arg9[%add3A_298, %add3A_324] : memref<128x16xf32, #tpu.memory_space<vmem>>[vector<16xi32>, vector<16xi32>], vector<16xf32>,
      %add3A_326 = arith.constant 2 : i32
      %add3A_327 = vector.broadcast %add3A_326 : i32 to vector<16xi32>
      %add3A_328 = arith.addi %mul3A_295, %add3A_327 : vector<16xi32>
      tpu.vector_store_idx %arg11[%add3A_328], %gather3A_325 {add = true} : memref<40000xf32, #tpu.memory_space<vmem>>[vector<16xi32>], vector<16xf32>,
      %get3A_329 = arith.constant 0 : i32
      %get3A_330 = arith.index_cast %mul3A_29 : i32 to index
      %get3A_331 = arith.index_cast %get3A_329 : i32 to index
      %get3A_332 = arith.constant 112 : index
      %get3A_333 = tpu.vector_load %arg8[%get3A_330, %get3A_331, %get3A_332] {strides = array<i32>} : memref<80x1x128xi32, #tpu.memory_space<vmem>>, vector<16xi32>,
      %mul3A_334 = arith.constant 4 : i32
      %mul3A_335 = vector.broadcast %mul3A_334 : i32 to vector<16xi32>
      %mul3A_336 = arith.muli %get3A_333, %mul3A_335 : vector<16xi32>
      %add3A_337 = arith.constant 112 : i32
      %add3A_338 = vector.broadcast %add3A_337 : i32 to vector<16xi32>
      %add3A_339 = arith.addi %iota3A, %add3A_338 : vector<16xi32>
      %mul3A_340 = arith.constant 0 : i32
      %mul3A_341 = vector.broadcast %mul3A_340 : i32 to vector<16xi32>
      %mul3A_342 = arith.muli %iota3A, %mul3A_341 : vector<16xi32>
      %add3A_343 = arith.constant 0 : i32
      %add3A_344 = vector.broadcast %add3A_343 : i32 to vector<16xi32>
      %add3A_345 = arith.addi %mul3A_342, %add3A_344 : vector<16xi32>
      %gather3A_346 = tpu.vector_load_idx %arg9[%add3A_339, %add3A_345] : memref<128x16xf32, #tpu.memory_space<vmem>>[vector<16xi32>, vector<16xi32>], vector<16xf32>,
      %add3A_347 = arith.constant 0 : i32
      %add3A_348 = vector.broadcast %add3A_347 : i32 to vector<16xi32>
      %add3A_349 = arith.addi %mul3A_336, %add3A_348 : vector<16xi32>
      tpu.vector_store_idx %arg11[%add3A_349], %gather3A_346 {add = true} : memref<40000xf32, #tpu.memory_space<vmem>>[vector<16xi32>], vector<16xf32>,
      %mul3A_350 = arith.constant 0 : i32
      %mul3A_351 = vector.broadcast %mul3A_350 : i32 to vector<16xi32>
      %mul3A_352 = arith.muli %iota3A, %mul3A_351 : vector<16xi32>
      %add3A_353 = arith.constant 1 : i32
      %add3A_354 = vector.broadcast %add3A_353 : i32 to vector<16xi32>
      %add3A_355 = arith.addi %mul3A_352, %add3A_354 : vector<16xi32>
      %gather3A_356 = tpu.vector_load_idx %arg9[%add3A_339, %add3A_355] : memref<128x16xf32, #tpu.memory_space<vmem>>[vector<16xi32>, vector<16xi32>], vector<16xf32>,
      %add3A_357 = arith.constant 1 : i32
      %add3A_358 = vector.broadcast %add3A_357 : i32 to vector<16xi32>
      %add3A_359 = arith.addi %mul3A_336, %add3A_358 : vector<16xi32>
      tpu.vector_store_idx %arg11[%add3A_359], %gather3A_356 {add = true} : memref<40000xf32, #tpu.memory_space<vmem>>[vector<16xi32>], vector<16xf32>,
      %mul3A_360 = arith.constant 0 : i32
      %mul3A_361 = vector.broadcast %mul3A_360 : i32 to vector<16xi32>
      %mul3A_362 = arith.muli %iota3A, %mul3A_361 : vector<16xi32>
      %add3A_363 = arith.constant 2 : i32
      %add3A_364 = vector.broadcast %add3A_363 : i32 to vector<16xi32>
      %add3A_365 = arith.addi %mul3A_362, %add3A_364 : vector<16xi32>
      %gather3A_366 = tpu.vector_load_idx %arg9[%add3A_339, %add3A_365] : memref<128x16xf32, #tpu.memory_space<vmem>>[vector<16xi32>, vector<16xi32>], vector<16xf32>,
      %add3A_367 = arith.constant 2 : i32
      %add3A_368 = vector.broadcast %add3A_367 : i32 to vector<16xi32>
      %add3A_369 = arith.addi %mul3A_336, %add3A_368 : vector<16xi32>
      tpu.vector_store_idx %arg11[%add3A_369], %gather3A_366 {add = true} : memref<40000xf32, #tpu.memory_space<vmem>>[vector<16xi32>], vector<16xf32>,
      %add3A_370 = arith.constant 1 : i32
      %add3A_371 = arith.addi %scan3A_27, %add3A_370 : i32
      %lt3A = arith.constant 40 : i32
      %lt3A_372 = arith.cmpi slt, %add3A_371, %lt3A : i32
      %convert_element_type3A = arith.extui %lt3A_372 : i1 to i32
      %cond3A = arith.constant 0 : i32
      %cond3A_373 = arith.cmpi ne, %convert_element_type3A, %cond3A : i32
      scf.if %cond3A_373 {
        %add3A_710 = arith.addi %mul3A_2, %mul3A_29 : i32
        %add3A_711 = arith.constant 2 : i32
        %add3A_712 = arith.addi %add3A_710, %add3A_711 : i32
        %mul3A_713 = arith.constant 128 : i32
        %mul3A_714 = arith.muli %add3A_712, %mul3A_713 : i32
        %dma_start3A_715 = arith.constant 0 : i32
        %dma_start3A_716 = tpu.memref_slice %arg2[%mul3A_714, %dma_start3A_715] : memref<327680x16xf32, #tpu.memory_space<hbm>> -> memref<128x16xf32, #tpu.memory_space<hbm>>
        %dma_start3A_717 = arith.constant 0 : i32
        %dma_start3A_718 = tpu.memref_slice %arg2[%mul3A_714, %dma_start3A_717] : memref<327680x16xf32, #tpu.memory_space<hbm>> -> memref<128x16xf32, #tpu.memory_space<hbm>>
        tpu.enqueue_dma source(%dma_start3A_718 : memref<128x16xf32, #tpu.memory_space<hbm>>) target(%arg9 : memref<128x16xf32, #tpu.memory_space<vmem>>) target_semaphore(%arg12 : memref<!tpu.dma_semaphore, #tpu.memory_space<semaphore_mem>>)
      } else {
      }
      %dma_wait3A_374 = arith.constant 0 : i32
      %dma_wait3A_375 = arith.constant 0 : i32
      %dma_wait3A_376 = tpu.memref_slice %arg2[%dma_wait3A_374, %dma_wait3A_375] : memref<327680x16xf32, #tpu.memory_space<hbm>> -> memref<128x16xf32, #tpu.memory_space<hbm>>
      %dma_wait3A_377 = arith.constant 0 : i32
      %dma_wait3A_378 = arith.constant 0 : i32
      %dma_wait3A_379 = tpu.memref_slice %arg2[%dma_wait3A_377, %dma_wait3A_378] : memref<327680x16xf32, #tpu.memory_space<hbm>> -> memref<128x16xf32, #tpu.memory_space<hbm>>
      tpu.wait_dma2 semaphore(%arg13 : memref<!tpu.dma_semaphore, #tpu.memory_space<semaphore_mem>>) src(%dma_wait3A_379 : memref<128x16xf32, #tpu.memory_space<hbm>>) dst(%arg10 : memref<128x16xf32, #tpu.memory_space<vmem>>)
      %add3A_380 = arith.constant 1 : i32
      %add3A_381 = arith.addi %mul3A_29, %add3A_380 : i32
      %get3A_382 = arith.constant 0 : i32
      %get3A_383 = arith.index_cast %add3A_381 : i32 to index
      %get3A_384 = arith.index_cast %get3A_382 : i32 to index
      %get3A_385 = arith.constant 0 : index
      %get3A_386 = tpu.vector_load %arg8[%get3A_383, %get3A_384, %get3A_385] {strides = array<i32>} : memref<80x1x128xi32, #tpu.memory_space<vmem>>, vector<16xi32>,
      %mul3A_387 = arith.constant 4 : i32
      %mul3A_388 = vector.broadcast %mul3A_387 : i32 to vector<16xi32>
      %mul3A_389 = arith.muli %get3A_386, %mul3A_388 : vector<16xi32>
      %add3A_390 = arith.constant 0 : i32
      %add3A_391 = vector.broadcast %add3A_390 : i32 to vector<16xi32>
      %add3A_392 = arith.addi %iota3A, %add3A_391 : vector<16xi32>
      %mul3A_393 = arith.constant 0 : i32
      %mul3A_394 = vector.broadcast %mul3A_393 : i32 to vector<16xi32>
      %mul3A_395 = arith.muli %iota3A, %mul3A_394 : vector<16xi32>
      %add3A_396 = arith.constant 0 : i32
      %add3A_397 = vector.broadcast %add3A_396 : i32 to vector<16xi32>
      %add3A_398 = arith.addi %mul3A_395, %add3A_397 : vector<16xi32>
      %gather3A_399 = tpu.vector_load_idx %arg10[%add3A_392, %add3A_398] : memref<128x16xf32, #tpu.memory_space<vmem>>[vector<16xi32>, vector<16xi32>], vector<16xf32>,
      %add3A_400 = arith.constant 0 : i32
      %add3A_401 = vector.broadcast %add3A_400 : i32 to vector<16xi32>
      %add3A_402 = arith.addi %mul3A_389, %add3A_401 : vector<16xi32>
      tpu.vector_store_idx %arg11[%add3A_402], %gather3A_399 {add = true} : memref<40000xf32, #tpu.memory_space<vmem>>[vector<16xi32>], vector<16xf32>,
      %mul3A_403 = arith.constant 0 : i32
      %mul3A_404 = vector.broadcast %mul3A_403 : i32 to vector<16xi32>
      %mul3A_405 = arith.muli %iota3A, %mul3A_404 : vector<16xi32>
      %add3A_406 = arith.constant 1 : i32
      %add3A_407 = vector.broadcast %add3A_406 : i32 to vector<16xi32>
      %add3A_408 = arith.addi %mul3A_405, %add3A_407 : vector<16xi32>
      %gather3A_409 = tpu.vector_load_idx %arg10[%add3A_392, %add3A_408] : memref<128x16xf32, #tpu.memory_space<vmem>>[vector<16xi32>, vector<16xi32>], vector<16xf32>,
      %add3A_410 = arith.constant 1 : i32
      %add3A_411 = vector.broadcast %add3A_410 : i32 to vector<16xi32>
      %add3A_412 = arith.addi %mul3A_389, %add3A_411 : vector<16xi32>
      tpu.vector_store_idx %arg11[%add3A_412], %gather3A_409 {add = true} : memref<40000xf32, #tpu.memory_space<vmem>>[vector<16xi32>], vector<16xf32>,
      %mul3A_413 = arith.constant 0 : i32
      %mul3A_414 = vector.broadcast %mul3A_413 : i32 to vector<16xi32>
      %mul3A_415 = arith.muli %iota3A, %mul3A_414 : vector<16xi32>
      %add3A_416 = arith.constant 2 : i32
      %add3A_417 = vector.broadcast %add3A_416 : i32 to vector<16xi32>
      %add3A_418 = arith.addi %mul3A_415, %add3A_417 : vector<16xi32>
      %gather3A_419 = tpu.vector_load_idx %arg10[%add3A_392, %add3A_418] : memref<128x16xf32, #tpu.memory_space<vmem>>[vector<16xi32>, vector<16xi32>], vector<16xf32>,
      %add3A_420 = arith.constant 2 : i32
      %add3A_421 = vector.broadcast %add3A_420 : i32 to vector<16xi32>
      %add3A_422 = arith.addi %mul3A_389, %add3A_421 : vector<16xi32>
      tpu.vector_store_idx %arg11[%add3A_422], %gather3A_419 {add = true} : memref<40000xf32, #tpu.memory_space<vmem>>[vector<16xi32>], vector<16xf32>,
      %get3A_423 = arith.constant 0 : i32
      %get3A_424 = arith.index_cast %add3A_381 : i32 to index
      %get3A_425 = arith.index_cast %get3A_423 : i32 to index
      %get3A_426 = arith.constant 16 : index
      %get3A_427 = tpu.vector_load %arg8[%get3A_424, %get3A_425, %get3A_426] {strides = array<i32>} : memref<80x1x128xi32, #tpu.memory_space<vmem>>, vector<16xi32>,
      %mul3A_428 = arith.constant 4 : i32
      %mul3A_429 = vector.broadcast %mul3A_428 : i32 to vector<16xi32>
      %mul3A_430 = arith.muli %get3A_427, %mul3A_429 : vector<16xi32>
      %add3A_431 = arith.constant 16 : i32
      %add3A_432 = vector.broadcast %add3A_431 : i32 to vector<16xi32>
      %add3A_433 = arith.addi %iota3A, %add3A_432 : vector<16xi32>
      %mul3A_434 = arith.constant 0 : i32
      %mul3A_435 = vector.broadcast %mul3A_434 : i32 to vector<16xi32>
      %mul3A_436 = arith.muli %iota3A, %mul3A_435 : vector<16xi32>
      %add3A_437 = arith.constant 0 : i32
      %add3A_438 = vector.broadcast %add3A_437 : i32 to vector<16xi32>
      %add3A_439 = arith.addi %mul3A_436, %add3A_438 : vector<16xi32>
      %gather3A_440 = tpu.vector_load_idx %arg10[%add3A_433, %add3A_439] : memref<128x16xf32, #tpu.memory_space<vmem>>[vector<16xi32>, vector<16xi32>], vector<16xf32>,
      %add3A_441 = arith.constant 0 : i32
      %add3A_442 = vector.broadcast %add3A_441 : i32 to vector<16xi32>
      %add3A_443 = arith.addi %mul3A_430, %add3A_442 : vector<16xi32>
      tpu.vector_store_idx %arg11[%add3A_443], %gather3A_440 {add = true} : memref<40000xf32, #tpu.memory_space<vmem>>[vector<16xi32>], vector<16xf32>,
      %mul3A_444 = arith.constant 0 : i32
      %mul3A_445 = vector.broadcast %mul3A_444 : i32 to vector<16xi32>
      %mul3A_446 = arith.muli %iota3A, %mul3A_445 : vector<16xi32>
      %add3A_447 = arith.constant 1 : i32
      %add3A_448 = vector.broadcast %add3A_447 : i32 to vector<16xi32>
      %add3A_449 = arith.addi %mul3A_446, %add3A_448 : vector<16xi32>
      %gather3A_450 = tpu.vector_load_idx %arg10[%add3A_433, %add3A_449] : memref<128x16xf32, #tpu.memory_space<vmem>>[vector<16xi32>, vector<16xi32>], vector<16xf32>,
      %add3A_451 = arith.constant 1 : i32
      %add3A_452 = vector.broadcast %add3A_451 : i32 to vector<16xi32>
      %add3A_453 = arith.addi %mul3A_430, %add3A_452 : vector<16xi32>
      tpu.vector_store_idx %arg11[%add3A_453], %gather3A_450 {add = true} : memref<40000xf32, #tpu.memory_space<vmem>>[vector<16xi32>], vector<16xf32>,
      %mul3A_454 = arith.constant 0 : i32
      %mul3A_455 = vector.broadcast %mul3A_454 : i32 to vector<16xi32>
      %mul3A_456 = arith.muli %iota3A, %mul3A_455 : vector<16xi32>
      %add3A_457 = arith.constant 2 : i32
      %add3A_458 = vector.broadcast %add3A_457 : i32 to vector<16xi32>
      %add3A_459 = arith.addi %mul3A_456, %add3A_458 : vector<16xi32>
      %gather3A_460 = tpu.vector_load_idx %arg10[%add3A_433, %add3A_459] : memref<128x16xf32, #tpu.memory_space<vmem>>[vector<16xi32>, vector<16xi32>], vector<16xf32>,
      %add3A_461 = arith.constant 2 : i32
      %add3A_462 = vector.broadcast %add3A_461 : i32 to vector<16xi32>
      %add3A_463 = arith.addi %mul3A_430, %add3A_462 : vector<16xi32>
      tpu.vector_store_idx %arg11[%add3A_463], %gather3A_460 {add = true} : memref<40000xf32, #tpu.memory_space<vmem>>[vector<16xi32>], vector<16xf32>,
      %get3A_464 = arith.constant 0 : i32
      %get3A_465 = arith.index_cast %add3A_381 : i32 to index
      %get3A_466 = arith.index_cast %get3A_464 : i32 to index
      %get3A_467 = arith.constant 32 : index
      %get3A_468 = tpu.vector_load %arg8[%get3A_465, %get3A_466, %get3A_467] {strides = array<i32>} : memref<80x1x128xi32, #tpu.memory_space<vmem>>, vector<16xi32>,
      %mul3A_469 = arith.constant 4 : i32
      %mul3A_470 = vector.broadcast %mul3A_469 : i32 to vector<16xi32>
      %mul3A_471 = arith.muli %get3A_468, %mul3A_470 : vector<16xi32>
      %add3A_472 = arith.constant 32 : i32
      %add3A_473 = vector.broadcast %add3A_472 : i32 to vector<16xi32>
      %add3A_474 = arith.addi %iota3A, %add3A_473 : vector<16xi32>
      %mul3A_475 = arith.constant 0 : i32
      %mul3A_476 = vector.broadcast %mul3A_475 : i32 to vector<16xi32>
      %mul3A_477 = arith.muli %iota3A, %mul3A_476 : vector<16xi32>
      %add3A_478 = arith.constant 0 : i32
      %add3A_479 = vector.broadcast %add3A_478 : i32 to vector<16xi32>
      %add3A_480 = arith.addi %mul3A_477, %add3A_479 : vector<16xi32>
      %gather3A_481 = tpu.vector_load_idx %arg10[%add3A_474, %add3A_480] : memref<128x16xf32, #tpu.memory_space<vmem>>[vector<16xi32>, vector<16xi32>], vector<16xf32>,
      %add3A_482 = arith.constant 0 : i32
      %add3A_483 = vector.broadcast %add3A_482 : i32 to vector<16xi32>
      %add3A_484 = arith.addi %mul3A_471, %add3A_483 : vector<16xi32>
      tpu.vector_store_idx %arg11[%add3A_484], %gather3A_481 {add = true} : memref<40000xf32, #tpu.memory_space<vmem>>[vector<16xi32>], vector<16xf32>,
      %mul3A_485 = arith.constant 0 : i32
      %mul3A_486 = vector.broadcast %mul3A_485 : i32 to vector<16xi32>
      %mul3A_487 = arith.muli %iota3A, %mul3A_486 : vector<16xi32>
      %add3A_488 = arith.constant 1 : i32
      %add3A_489 = vector.broadcast %add3A_488 : i32 to vector<16xi32>
      %add3A_490 = arith.addi %mul3A_487, %add3A_489 : vector<16xi32>
      %gather3A_491 = tpu.vector_load_idx %arg10[%add3A_474, %add3A_490] : memref<128x16xf32, #tpu.memory_space<vmem>>[vector<16xi32>, vector<16xi32>], vector<16xf32>,
      %add3A_492 = arith.constant 1 : i32
      %add3A_493 = vector.broadcast %add3A_492 : i32 to vector<16xi32>
      %add3A_494 = arith.addi %mul3A_471, %add3A_493 : vector<16xi32>
      tpu.vector_store_idx %arg11[%add3A_494], %gather3A_491 {add = true} : memref<40000xf32, #tpu.memory_space<vmem>>[vector<16xi32>], vector<16xf32>,
      %mul3A_495 = arith.constant 0 : i32
      %mul3A_496 = vector.broadcast %mul3A_495 : i32 to vector<16xi32>
      %mul3A_497 = arith.muli %iota3A, %mul3A_496 : vector<16xi32>
      %add3A_498 = arith.constant 2 : i32
      %add3A_499 = vector.broadcast %add3A_498 : i32 to vector<16xi32>
      %add3A_500 = arith.addi %mul3A_497, %add3A_499 : vector<16xi32>
      %gather3A_501 = tpu.vector_load_idx %arg10[%add3A_474, %add3A_500] : memref<128x16xf32, #tpu.memory_space<vmem>>[vector<16xi32>, vector<16xi32>], vector<16xf32>,
      %add3A_502 = arith.constant 2 : i32
      %add3A_503 = vector.broadcast %add3A_502 : i32 to vector<16xi32>
      %add3A_504 = arith.addi %mul3A_471, %add3A_503 : vector<16xi32>
      tpu.vector_store_idx %arg11[%add3A_504], %gather3A_501 {add = true} : memref<40000xf32, #tpu.memory_space<vmem>>[vector<16xi32>], vector<16xf32>,
      %get3A_505 = arith.constant 0 : i32
      %get3A_506 = arith.index_cast %add3A_381 : i32 to index
      %get3A_507 = arith.index_cast %get3A_505 : i32 to index
      %get3A_508 = arith.constant 48 : index
      %get3A_509 = tpu.vector_load %arg8[%get3A_506, %get3A_507, %get3A_508] {strides = array<i32>} : memref<80x1x128xi32, #tpu.memory_space<vmem>>, vector<16xi32>,
      %mul3A_510 = arith.constant 4 : i32
      %mul3A_511 = vector.broadcast %mul3A_510 : i32 to vector<16xi32>
      %mul3A_512 = arith.muli %get3A_509, %mul3A_511 : vector<16xi32>
      %add3A_513 = arith.constant 48 : i32
      %add3A_514 = vector.broadcast %add3A_513 : i32 to vector<16xi32>
      %add3A_515 = arith.addi %iota3A, %add3A_514 : vector<16xi32>
      %mul3A_516 = arith.constant 0 : i32
      %mul3A_517 = vector.broadcast %mul3A_516 : i32 to vector<16xi32>
      %mul3A_518 = arith.muli %iota3A, %mul3A_517 : vector<16xi32>
      %add3A_519 = arith.constant 0 : i32
      %add3A_520 = vector.broadcast %add3A_519 : i32 to vector<16xi32>
      %add3A_521 = arith.addi %mul3A_518, %add3A_520 : vector<16xi32>
      %gather3A_522 = tpu.vector_load_idx %arg10[%add3A_515, %add3A_521] : memref<128x16xf32, #tpu.memory_space<vmem>>[vector<16xi32>, vector<16xi32>], vector<16xf32>,
      %add3A_523 = arith.constant 0 : i32
      %add3A_524 = vector.broadcast %add3A_523 : i32 to vector<16xi32>
      %add3A_525 = arith.addi %mul3A_512, %add3A_524 : vector<16xi32>
      tpu.vector_store_idx %arg11[%add3A_525], %gather3A_522 {add = true} : memref<40000xf32, #tpu.memory_space<vmem>>[vector<16xi32>], vector<16xf32>,
      %mul3A_526 = arith.constant 0 : i32
      %mul3A_527 = vector.broadcast %mul3A_526 : i32 to vector<16xi32>
      %mul3A_528 = arith.muli %iota3A, %mul3A_527 : vector<16xi32>
      %add3A_529 = arith.constant 1 : i32
      %add3A_530 = vector.broadcast %add3A_529 : i32 to vector<16xi32>
      %add3A_531 = arith.addi %mul3A_528, %add3A_530 : vector<16xi32>
      %gather3A_532 = tpu.vector_load_idx %arg10[%add3A_515, %add3A_531] : memref<128x16xf32, #tpu.memory_space<vmem>>[vector<16xi32>, vector<16xi32>], vector<16xf32>,
      %add3A_533 = arith.constant 1 : i32
      %add3A_534 = vector.broadcast %add3A_533 : i32 to vector<16xi32>
      %add3A_535 = arith.addi %mul3A_512, %add3A_534 : vector<16xi32>
      tpu.vector_store_idx %arg11[%add3A_535], %gather3A_532 {add = true} : memref<40000xf32, #tpu.memory_space<vmem>>[vector<16xi32>], vector<16xf32>,
      %mul3A_536 = arith.constant 0 : i32
      %mul3A_537 = vector.broadcast %mul3A_536 : i32 to vector<16xi32>
      %mul3A_538 = arith.muli %iota3A, %mul3A_537 : vector<16xi32>
      %add3A_539 = arith.constant 2 : i32
      %add3A_540 = vector.broadcast %add3A_539 : i32 to vector<16xi32>
      %add3A_541 = arith.addi %mul3A_538, %add3A_540 : vector<16xi32>
      %gather3A_542 = tpu.vector_load_idx %arg10[%add3A_515, %add3A_541] : memref<128x16xf32, #tpu.memory_space<vmem>>[vector<16xi32>, vector<16xi32>], vector<16xf32>,
      %add3A_543 = arith.constant 2 : i32
      %add3A_544 = vector.broadcast %add3A_543 : i32 to vector<16xi32>
      %add3A_545 = arith.addi %mul3A_512, %add3A_544 : vector<16xi32>
      tpu.vector_store_idx %arg11[%add3A_545], %gather3A_542 {add = true} : memref<40000xf32, #tpu.memory_space<vmem>>[vector<16xi32>], vector<16xf32>,
      %get3A_546 = arith.constant 0 : i32
      %get3A_547 = arith.index_cast %add3A_381 : i32 to index
      %get3A_548 = arith.index_cast %get3A_546 : i32 to index
      %get3A_549 = arith.constant 64 : index
      %get3A_550 = tpu.vector_load %arg8[%get3A_547, %get3A_548, %get3A_549] {strides = array<i32>} : memref<80x1x128xi32, #tpu.memory_space<vmem>>, vector<16xi32>,
      %mul3A_551 = arith.constant 4 : i32
      %mul3A_552 = vector.broadcast %mul3A_551 : i32 to vector<16xi32>
      %mul3A_553 = arith.muli %get3A_550, %mul3A_552 : vector<16xi32>
      %add3A_554 = arith.constant 64 : i32
      %add3A_555 = vector.broadcast %add3A_554 : i32 to vector<16xi32>
      %add3A_556 = arith.addi %iota3A, %add3A_555 : vector<16xi32>
      %mul3A_557 = arith.constant 0 : i32
      %mul3A_558 = vector.broadcast %mul3A_557 : i32 to vector<16xi32>
      %mul3A_559 = arith.muli %iota3A, %mul3A_558 : vector<16xi32>
      %add3A_560 = arith.constant 0 : i32
      %add3A_561 = vector.broadcast %add3A_560 : i32 to vector<16xi32>
      %add3A_562 = arith.addi %mul3A_559, %add3A_561 : vector<16xi32>
      %gather3A_563 = tpu.vector_load_idx %arg10[%add3A_556, %add3A_562] : memref<128x16xf32, #tpu.memory_space<vmem>>[vector<16xi32>, vector<16xi32>], vector<16xf32>,
      %add3A_564 = arith.constant 0 : i32
      %add3A_565 = vector.broadcast %add3A_564 : i32 to vector<16xi32>
      %add3A_566 = arith.addi %mul3A_553, %add3A_565 : vector<16xi32>
      tpu.vector_store_idx %arg11[%add3A_566], %gather3A_563 {add = true} : memref<40000xf32, #tpu.memory_space<vmem>>[vector<16xi32>], vector<16xf32>,
      %mul3A_567 = arith.constant 0 : i32
      %mul3A_568 = vector.broadcast %mul3A_567 : i32 to vector<16xi32>
      %mul3A_569 = arith.muli %iota3A, %mul3A_568 : vector<16xi32>
      %add3A_570 = arith.constant 1 : i32
      %add3A_571 = vector.broadcast %add3A_570 : i32 to vector<16xi32>
      %add3A_572 = arith.addi %mul3A_569, %add3A_571 : vector<16xi32>
      %gather3A_573 = tpu.vector_load_idx %arg10[%add3A_556, %add3A_572] : memref<128x16xf32, #tpu.memory_space<vmem>>[vector<16xi32>, vector<16xi32>], vector<16xf32>,
      %add3A_574 = arith.constant 1 : i32
      %add3A_575 = vector.broadcast %add3A_574 : i32 to vector<16xi32>
      %add3A_576 = arith.addi %mul3A_553, %add3A_575 : vector<16xi32>
      tpu.vector_store_idx %arg11[%add3A_576], %gather3A_573 {add = true} : memref<40000xf32, #tpu.memory_space<vmem>>[vector<16xi32>], vector<16xf32>,
      %mul3A_577 = arith.constant 0 : i32
      %mul3A_578 = vector.broadcast %mul3A_577 : i32 to vector<16xi32>
      %mul3A_579 = arith.muli %iota3A, %mul3A_578 : vector<16xi32>
      %add3A_580 = arith.constant 2 : i32
      %add3A_581 = vector.broadcast %add3A_580 : i32 to vector<16xi32>
      %add3A_582 = arith.addi %mul3A_579, %add3A_581 : vector<16xi32>
      %gather3A_583 = tpu.vector_load_idx %arg10[%add3A_556, %add3A_582] : memref<128x16xf32, #tpu.memory_space<vmem>>[vector<16xi32>, vector<16xi32>], vector<16xf32>,
      %add3A_584 = arith.constant 2 : i32
      %add3A_585 = vector.broadcast %add3A_584 : i32 to vector<16xi32>
      %add3A_586 = arith.addi %mul3A_553, %add3A_585 : vector<16xi32>
      tpu.vector_store_idx %arg11[%add3A_586], %gather3A_583 {add = true} : memref<40000xf32, #tpu.memory_space<vmem>>[vector<16xi32>], vector<16xf32>,
      %get3A_587 = arith.constant 0 : i32
      %get3A_588 = arith.index_cast %add3A_381 : i32 to index
      %get3A_589 = arith.index_cast %get3A_587 : i32 to index
      %get3A_590 = arith.constant 80 : index
      %get3A_591 = tpu.vector_load %arg8[%get3A_588, %get3A_589, %get3A_590] {strides = array<i32>} : memref<80x1x128xi32, #tpu.memory_space<vmem>>, vector<16xi32>,
      %mul3A_592 = arith.constant 4 : i32
      %mul3A_593 = vector.broadcast %mul3A_592 : i32 to vector<16xi32>
      %mul3A_594 = arith.muli %get3A_591, %mul3A_593 : vector<16xi32>
      %add3A_595 = arith.constant 80 : i32
      %add3A_596 = vector.broadcast %add3A_595 : i32 to vector<16xi32>
      %add3A_597 = arith.addi %iota3A, %add3A_596 : vector<16xi32>
      %mul3A_598 = arith.constant 0 : i32
      %mul3A_599 = vector.broadcast %mul3A_598 : i32 to vector<16xi32>
      %mul3A_600 = arith.muli %iota3A, %mul3A_599 : vector<16xi32>
      %add3A_601 = arith.constant 0 : i32
      %add3A_602 = vector.broadcast %add3A_601 : i32 to vector<16xi32>
      %add3A_603 = arith.addi %mul3A_600, %add3A_602 : vector<16xi32>
      %gather3A_604 = tpu.vector_load_idx %arg10[%add3A_597, %add3A_603] : memref<128x16xf32, #tpu.memory_space<vmem>>[vector<16xi32>, vector<16xi32>], vector<16xf32>,
      %add3A_605 = arith.constant 0 : i32
      %add3A_606 = vector.broadcast %add3A_605 : i32 to vector<16xi32>
      %add3A_607 = arith.addi %mul3A_594, %add3A_606 : vector<16xi32>
      tpu.vector_store_idx %arg11[%add3A_607], %gather3A_604 {add = true} : memref<40000xf32, #tpu.memory_space<vmem>>[vector<16xi32>], vector<16xf32>,
      %mul3A_608 = arith.constant 0 : i32
      %mul3A_609 = vector.broadcast %mul3A_608 : i32 to vector<16xi32>
      %mul3A_610 = arith.muli %iota3A, %mul3A_609 : vector<16xi32>
      %add3A_611 = arith.constant 1 : i32
      %add3A_612 = vector.broadcast %add3A_611 : i32 to vector<16xi32>
      %add3A_613 = arith.addi %mul3A_610, %add3A_612 : vector<16xi32>
      %gather3A_614 = tpu.vector_load_idx %arg10[%add3A_597, %add3A_613] : memref<128x16xf32, #tpu.memory_space<vmem>>[vector<16xi32>, vector<16xi32>], vector<16xf32>,
      %add3A_615 = arith.constant 1 : i32
      %add3A_616 = vector.broadcast %add3A_615 : i32 to vector<16xi32>
      %add3A_617 = arith.addi %mul3A_594, %add3A_616 : vector<16xi32>
      tpu.vector_store_idx %arg11[%add3A_617], %gather3A_614 {add = true} : memref<40000xf32, #tpu.memory_space<vmem>>[vector<16xi32>], vector<16xf32>,
      %mul3A_618 = arith.constant 0 : i32
      %mul3A_619 = vector.broadcast %mul3A_618 : i32 to vector<16xi32>
      %mul3A_620 = arith.muli %iota3A, %mul3A_619 : vector<16xi32>
      %add3A_621 = arith.constant 2 : i32
      %add3A_622 = vector.broadcast %add3A_621 : i32 to vector<16xi32>
      %add3A_623 = arith.addi %mul3A_620, %add3A_622 : vector<16xi32>
      %gather3A_624 = tpu.vector_load_idx %arg10[%add3A_597, %add3A_623] : memref<128x16xf32, #tpu.memory_space<vmem>>[vector<16xi32>, vector<16xi32>], vector<16xf32>,
      %add3A_625 = arith.constant 2 : i32
      %add3A_626 = vector.broadcast %add3A_625 : i32 to vector<16xi32>
      %add3A_627 = arith.addi %mul3A_594, %add3A_626 : vector<16xi32>
      tpu.vector_store_idx %arg11[%add3A_627], %gather3A_624 {add = true} : memref<40000xf32, #tpu.memory_space<vmem>>[vector<16xi32>], vector<16xf32>,
      %get3A_628 = arith.constant 0 : i32
      %get3A_629 = arith.index_cast %add3A_381 : i32 to index
      %get3A_630 = arith.index_cast %get3A_628 : i32 to index
      %get3A_631 = arith.constant 96 : index
      %get3A_632 = tpu.vector_load %arg8[%get3A_629, %get3A_630, %get3A_631] {strides = array<i32>} : memref<80x1x128xi32, #tpu.memory_space<vmem>>, vector<16xi32>,
      %mul3A_633 = arith.constant 4 : i32
      %mul3A_634 = vector.broadcast %mul3A_633 : i32 to vector<16xi32>
      %mul3A_635 = arith.muli %get3A_632, %mul3A_634 : vector<16xi32>
      %add3A_636 = arith.constant 96 : i32
      %add3A_637 = vector.broadcast %add3A_636 : i32 to vector<16xi32>
      %add3A_638 = arith.addi %iota3A, %add3A_637 : vector<16xi32>
      %mul3A_639 = arith.constant 0 : i32
      %mul3A_640 = vector.broadcast %mul3A_639 : i32 to vector<16xi32>
      %mul3A_641 = arith.muli %iota3A, %mul3A_640 : vector<16xi32>
      %add3A_642 = arith.constant 0 : i32
      %add3A_643 = vector.broadcast %add3A_642 : i32 to vector<16xi32>
      %add3A_644 = arith.addi %mul3A_641, %add3A_643 : vector<16xi32>
      %gather3A_645 = tpu.vector_load_idx %arg10[%add3A_638, %add3A_644] : memref<128x16xf32, #tpu.memory_space<vmem>>[vector<16xi32>, vector<16xi32>], vector<16xf32>,
      %add3A_646 = arith.constant 0 : i32
      %add3A_647 = vector.broadcast %add3A_646 : i32 to vector<16xi32>
      %add3A_648 = arith.addi %mul3A_635, %add3A_647 : vector<16xi32>
      tpu.vector_store_idx %arg11[%add3A_648], %gather3A_645 {add = true} : memref<40000xf32, #tpu.memory_space<vmem>>[vector<16xi32>], vector<16xf32>,
      %mul3A_649 = arith.constant 0 : i32
      %mul3A_650 = vector.broadcast %mul3A_649 : i32 to vector<16xi32>
      %mul3A_651 = arith.muli %iota3A, %mul3A_650 : vector<16xi32>
      %add3A_652 = arith.constant 1 : i32
      %add3A_653 = vector.broadcast %add3A_652 : i32 to vector<16xi32>
      %add3A_654 = arith.addi %mul3A_651, %add3A_653 : vector<16xi32>
      %gather3A_655 = tpu.vector_load_idx %arg10[%add3A_638, %add3A_654] : memref<128x16xf32, #tpu.memory_space<vmem>>[vector<16xi32>, vector<16xi32>], vector<16xf32>,
      %add3A_656 = arith.constant 1 : i32
      %add3A_657 = vector.broadcast %add3A_656 : i32 to vector<16xi32>
      %add3A_658 = arith.addi %mul3A_635, %add3A_657 : vector<16xi32>
      tpu.vector_store_idx %arg11[%add3A_658], %gather3A_655 {add = true} : memref<40000xf32, #tpu.memory_space<vmem>>[vector<16xi32>], vector<16xf32>,
      %mul3A_659 = arith.constant 0 : i32
      %mul3A_660 = vector.broadcast %mul3A_659 : i32 to vector<16xi32>
      %mul3A_661 = arith.muli %iota3A, %mul3A_660 : vector<16xi32>
      %add3A_662 = arith.constant 2 : i32
      %add3A_663 = vector.broadcast %add3A_662 : i32 to vector<16xi32>
      %add3A_664 = arith.addi %mul3A_661, %add3A_663 : vector<16xi32>
      %gather3A_665 = tpu.vector_load_idx %arg10[%add3A_638, %add3A_664] : memref<128x16xf32, #tpu.memory_space<vmem>>[vector<16xi32>, vector<16xi32>], vector<16xf32>,
      %add3A_666 = arith.constant 2 : i32
      %add3A_667 = vector.broadcast %add3A_666 : i32 to vector<16xi32>
      %add3A_668 = arith.addi %mul3A_635, %add3A_667 : vector<16xi32>
      tpu.vector_store_idx %arg11[%add3A_668], %gather3A_665 {add = true} : memref<40000xf32, #tpu.memory_space<vmem>>[vector<16xi32>], vector<16xf32>,
      %get3A_669 = arith.constant 0 : i32
      %get3A_670 = arith.index_cast %add3A_381 : i32 to index
      %get3A_671 = arith.index_cast %get3A_669 : i32 to index
      %get3A_672 = arith.constant 112 : index
      %get3A_673 = tpu.vector_load %arg8[%get3A_670, %get3A_671, %get3A_672] {strides = array<i32>} : memref<80x1x128xi32, #tpu.memory_space<vmem>>, vector<16xi32>,
      %mul3A_674 = arith.constant 4 : i32
      %mul3A_675 = vector.broadcast %mul3A_674 : i32 to vector<16xi32>
      %mul3A_676 = arith.muli %get3A_673, %mul3A_675 : vector<16xi32>
      %add3A_677 = arith.constant 112 : i32
      %add3A_678 = vector.broadcast %add3A_677 : i32 to vector<16xi32>
      %add3A_679 = arith.addi %iota3A, %add3A_678 : vector<16xi32>
      %mul3A_680 = arith.constant 0 : i32
      %mul3A_681 = vector.broadcast %mul3A_680 : i32 to vector<16xi32>
      %mul3A_682 = arith.muli %iota3A, %mul3A_681 : vector<16xi32>
      %add3A_683 = arith.constant 0 : i32
      %add3A_684 = vector.broadcast %add3A_683 : i32 to vector<16xi32>
      %add3A_685 = arith.addi %mul3A_682, %add3A_684 : vector<16xi32>
      %gather3A_686 = tpu.vector_load_idx %arg10[%add3A_679, %add3A_685] : memref<128x16xf32, #tpu.memory_space<vmem>>[vector<16xi32>, vector<16xi32>], vector<16xf32>,
      %add3A_687 = arith.constant 0 : i32
      %add3A_688 = vector.broadcast %add3A_687 : i32 to vector<16xi32>
      %add3A_689 = arith.addi %mul3A_676, %add3A_688 : vector<16xi32>
      tpu.vector_store_idx %arg11[%add3A_689], %gather3A_686 {add = true} : memref<40000xf32, #tpu.memory_space<vmem>>[vector<16xi32>], vector<16xf32>,
      %mul3A_690 = arith.constant 0 : i32
      %mul3A_691 = vector.broadcast %mul3A_690 : i32 to vector<16xi32>
      %mul3A_692 = arith.muli %iota3A, %mul3A_691 : vector<16xi32>
      %add3A_693 = arith.constant 1 : i32
      %add3A_694 = vector.broadcast %add3A_693 : i32 to vector<16xi32>
      %add3A_695 = arith.addi %mul3A_692, %add3A_694 : vector<16xi32>
      %gather3A_696 = tpu.vector_load_idx %arg10[%add3A_679, %add3A_695] : memref<128x16xf32, #tpu.memory_space<vmem>>[vector<16xi32>, vector<16xi32>], vector<16xf32>,
      %add3A_697 = arith.constant 1 : i32
      %add3A_698 = vector.broadcast %add3A_697 : i32 to vector<16xi32>
      %add3A_699 = arith.addi %mul3A_676, %add3A_698 : vector<16xi32>
      tpu.vector_store_idx %arg11[%add3A_699], %gather3A_696 {add = true} : memref<40000xf32, #tpu.memory_space<vmem>>[vector<16xi32>], vector<16xf32>,
      %mul3A_700 = arith.constant 0 : i32
      %mul3A_701 = vector.broadcast %mul3A_700 : i32 to vector<16xi32>
      %mul3A_702 = arith.muli %iota3A, %mul3A_701 : vector<16xi32>
      %add3A_703 = arith.constant 2 : i32
      %add3A_704 = vector.broadcast %add3A_703 : i32 to vector<16xi32>
      %add3A_705 = arith.addi %mul3A_702, %add3A_704 : vector<16xi32>
      %gather3A_706 = tpu.vector_load_idx %arg10[%add3A_679, %add3A_705] : memref<128x16xf32, #tpu.memory_space<vmem>>[vector<16xi32>, vector<16xi32>], vector<16xf32>,
      %add3A_707 = arith.constant 2 : i32
      %add3A_708 = vector.broadcast %add3A_707 : i32 to vector<16xi32>
      %add3A_709 = arith.addi %mul3A_676, %add3A_708 : vector<16xi32>
      tpu.vector_store_idx %arg11[%add3A_709], %gather3A_706 {add = true} : memref<40000xf32, #tpu.memory_space<vmem>>[vector<16xi32>], vector<16xf32>,
    }
    %scan3A_12 = arith.constant 40 : i32
    %mul3A_13 = arith.constant 40 : i32
    %mul3A_14 = arith.muli %add3A, %mul3A_13 : i32
    "tpu.region"() ({
      %run_scoped3A = tpu.sem_alloc : memref<!tpu.dma_semaphore, #tpu.memory_space<semaphore_mem>>
      %dma_start3A_27 = arith.constant 0 : i32
      %dma_start3A_28 = arith.constant 0 : i32
      %dma_start3A_29 = arith.constant 0 : i32
      %dma_start3A_30 = tpu.memref_slice %arg8[%dma_start3A_27, %dma_start3A_28, %dma_start3A_29] : memref<80x1x128xi32, #tpu.memory_space<vmem>> -> memref<40x1x128xi32, #tpu.memory_space<vmem>>
      %dma_start3A_31 = arith.constant 0 : i32
      %dma_start3A_32 = arith.constant 0 : i32
      %dma_start3A_33 = tpu.memref_slice %arg5[%mul3A_14, %dma_start3A_31, %dma_start3A_32] : memref<1280x1x128xi32, #tpu.memory_space<hbm>> -> memref<40x1x128xi32, #tpu.memory_space<hbm>>
      %dma_start3A_34 = arith.constant 0 : i32
      %dma_start3A_35 = arith.constant 0 : i32
      %dma_start3A_36 = arith.constant 0 : i32
      %dma_start3A_37 = tpu.memref_slice %arg8[%dma_start3A_34, %dma_start3A_35, %dma_start3A_36] : memref<80x1x128xi32, #tpu.memory_space<vmem>> -> memref<40x1x128xi32, #tpu.memory_space<vmem>>
      %dma_start3A_38 = arith.constant 0 : i32
      %dma_start3A_39 = arith.constant 0 : i32
      %dma_start3A_40 = tpu.memref_slice %arg5[%mul3A_14, %dma_start3A_38, %dma_start3A_39] : memref<1280x1x128xi32, #tpu.memory_space<hbm>> -> memref<40x1x128xi32, #tpu.memory_space<hbm>>
      tpu.enqueue_dma source(%dma_start3A_40 : memref<40x1x128xi32, #tpu.memory_space<hbm>>) target(%dma_start3A_37 : memref<40x1x128xi32, #tpu.memory_space<vmem>>) target_semaphore(%run_scoped3A : memref<!tpu.dma_semaphore, #tpu.memory_space<semaphore_mem>>)
      %dma_wait3A = arith.constant 0 : i32
      %dma_wait3A_41 = arith.constant 0 : i32
      %dma_wait3A_42 = arith.constant 0 : i32
      %dma_wait3A_43 = tpu.memref_slice %arg8[%dma_wait3A, %dma_wait3A_41, %dma_wait3A_42] : memref<80x1x128xi32, #tpu.memory_space<vmem>> -> memref<40x1x128xi32, #tpu.memory_space<vmem>>
      %dma_wait3A_44 = arith.constant 0 : i32
      %dma_wait3A_45 = arith.constant 0 : i32
      %dma_wait3A_46 = tpu.memref_slice %arg5[%mul3A_14, %dma_wait3A_44, %dma_wait3A_45] : memref<1280x1x128xi32, #tpu.memory_space<hbm>> -> memref<40x1x128xi32, #tpu.memory_space<hbm>>
      %dma_wait3A_47 = arith.constant 0 : i32
      %dma_wait3A_48 = arith.constant 0 : i32
      %dma_wait3A_49 = arith.constant 0 : i32
      %dma_wait3A_50 = tpu.memref_slice %arg8[%dma_wait3A_47, %dma_wait3A_48, %dma_wait3A_49] : memref<80x1x128xi32, #tpu.memory_space<vmem>> -> memref<40x1x128xi32, #tpu.memory_space<vmem>>
      %dma_wait3A_51 = arith.constant 0 : i32
      %dma_wait3A_52 = arith.constant 0 : i32
      %dma_wait3A_53 = tpu.memref_slice %arg5[%mul3A_14, %dma_wait3A_51, %dma_wait3A_52] : memref<1280x1x128xi32, #tpu.memory_space<hbm>> -> memref<40x1x128xi32, #tpu.memory_space<hbm>>
      tpu.wait_dma2 semaphore(%run_scoped3A : memref<!tpu.dma_semaphore, #tpu.memory_space<semaphore_mem>>) src(%dma_wait3A_53 : memref<40x1x128xi32, #tpu.memory_space<hbm>>) dst(%dma_wait3A_50 : memref<40x1x128xi32, #tpu.memory_space<vmem>>)
      tpu.yield
    }) : () -> ()
    %mul3A_15 = arith.constant 128 : i32
    %mul3A_16 = arith.muli %mul3A_14, %mul3A_15 : i32
    %dma_start3A_17 = arith.constant 0 : i32
    %dma_start3A_18 = tpu.memref_slice %arg4[%mul3A_16, %dma_start3A_17] : memref<163840x16xf32, #tpu.memory_space<hbm>> -> memref<128x16xf32, #tpu.memory_space<hbm>>
    %dma_start3A_19 = arith.constant 0 : i32
    %dma_start3A_20 = tpu.memref_slice %arg4[%mul3A_16, %dma_start3A_19] : memref<163840x16xf32, #tpu.memory_space<hbm>> -> memref<128x16xf32, #tpu.memory_space<hbm>>
    tpu.enqueue_dma source(%dma_start3A_20 : memref<128x16xf32, #tpu.memory_space<hbm>>) target(%arg9 : memref<128x16xf32, #tpu.memory_space<vmem>>) target_semaphore(%arg12 : memref<!tpu.dma_semaphore, #tpu.memory_space<semaphore_mem>>)
    %scan3A_21 = arith.constant 0 : i32
    %scan3A_22 = arith.constant 0 : i32
    %scan3A_23 = arith.constant 20 : i32
    %scan3A_24 = arith.addi %scan3A_22, %scan3A_23 : i32
    %scan3A_25 = arith.constant 1 : i32
    scf.for %scan3A_27 = %scan3A_22 to %scan3A_24 step %scan3A_25  : i32 {
      %mul3A_28 = arith.constant 2 : i32
      %mul3A_29 = arith.muli %scan3A_27, %mul3A_28 : i32
      %add3A_30 = arith.addi %mul3A_14, %mul3A_29 : i32
      %add3A_31 = arith.constant 1 : i32
      %add3A_32 = arith.addi %add3A_30, %add3A_31 : i32
      %mul3A_33 = arith.constant 128 : i32
      %mul3A_34 = arith.muli %add3A_32, %mul3A_33 : i32
      %dma_start3A_35 = arith.constant 0 : i32
      %dma_start3A_36 = tpu.memref_slice %arg4[%mul3A_34, %dma_start3A_35] : memref<163840x16xf32, #tpu.memory_space<hbm>> -> memref<128x16xf32, #tpu.memory_space<hbm>>
      %dma_start3A_37 = arith.constant 0 : i32
      %dma_start3A_38 = tpu.memref_slice %arg4[%mul3A_34, %dma_start3A_37] : memref<163840x16xf32, #tpu.memory_space<hbm>> -> memref<128x16xf32, #tpu.memory_space<hbm>>
      tpu.enqueue_dma source(%dma_start3A_38 : memref<128x16xf32, #tpu.memory_space<hbm>>) target(%arg10 : memref<128x16xf32, #tpu.memory_space<vmem>>) target_semaphore(%arg13 : memref<!tpu.dma_semaphore, #tpu.memory_space<semaphore_mem>>)
      %dma_wait3A = arith.constant 0 : i32
      %dma_wait3A_39 = arith.constant 0 : i32
      %dma_wait3A_40 = tpu.memref_slice %arg4[%dma_wait3A, %dma_wait3A_39] : memref<163840x16xf32, #tpu.memory_space<hbm>> -> memref<128x16xf32, #tpu.memory_space<hbm>>
      %dma_wait3A_41 = arith.constant 0 : i32
      %dma_wait3A_42 = arith.constant 0 : i32
      %dma_wait3A_43 = tpu.memref_slice %arg4[%dma_wait3A_41, %dma_wait3A_42] : memref<163840x16xf32, #tpu.memory_space<hbm>> -> memref<128x16xf32, #tpu.memory_space<hbm>>
      tpu.wait_dma2 semaphore(%arg12 : memref<!tpu.dma_semaphore, #tpu.memory_space<semaphore_mem>>) src(%dma_wait3A_43 : memref<128x16xf32, #tpu.memory_space<hbm>>) dst(%arg9 : memref<128x16xf32, #tpu.memory_space<vmem>>)
      %get3A = arith.constant 0 : i32
      %get3A_44 = arith.index_cast %mul3A_29 : i32 to index
      %get3A_45 = arith.index_cast %get3A : i32 to index
      %get3A_46 = arith.constant 0 : index
      %get3A_47 = tpu.vector_load %arg8[%get3A_44, %get3A_45, %get3A_46] {strides = array<i32>} : memref<80x1x128xi32, #tpu.memory_space<vmem>>, vector<16xi32>,
      %mul3A_48 = arith.constant 4 : i32
      %mul3A_49 = vector.broadcast %mul3A_48 : i32 to vector<16xi32>
      %mul3A_50 = arith.muli %get3A_47, %mul3A_49 : vector<16xi32>
      %add3A_51 = arith.constant 0 : i32
      %add3A_52 = vector.broadcast %add3A_51 : i32 to vector<16xi32>
      %add3A_53 = arith.addi %iota3A, %add3A_52 : vector<16xi32>
      %mul3A_54 = arith.constant 0 : i32
      %mul3A_55 = vector.broadcast %mul3A_54 : i32 to vector<16xi32>
      %mul3A_56 = arith.muli %iota3A, %mul3A_55 : vector<16xi32>
      %add3A_57 = arith.constant 0 : i32
      %add3A_58 = vector.broadcast %add3A_57 : i32 to vector<16xi32>
      %add3A_59 = arith.addi %mul3A_56, %add3A_58 : vector<16xi32>
      %gather3A = tpu.vector_load_idx %arg9[%add3A_53, %add3A_59] : memref<128x16xf32, #tpu.memory_space<vmem>>[vector<16xi32>, vector<16xi32>], vector<16xf32>,
      %add3A_60 = arith.constant 0 : i32
      %add3A_61 = vector.broadcast %add3A_60 : i32 to vector<16xi32>
      %add3A_62 = arith.addi %mul3A_50, %add3A_61 : vector<16xi32>
      tpu.vector_store_idx %arg11[%add3A_62], %gather3A {add = true} : memref<40000xf32, #tpu.memory_space<vmem>>[vector<16xi32>], vector<16xf32>,
      %mul3A_63 = arith.constant 0 : i32
      %mul3A_64 = vector.broadcast %mul3A_63 : i32 to vector<16xi32>
      %mul3A_65 = arith.muli %iota3A, %mul3A_64 : vector<16xi32>
      %add3A_66 = arith.constant 1 : i32
      %add3A_67 = vector.broadcast %add3A_66 : i32 to vector<16xi32>
      %add3A_68 = arith.addi %mul3A_65, %add3A_67 : vector<16xi32>
      %gather3A_69 = tpu.vector_load_idx %arg9[%add3A_53, %add3A_68] : memref<128x16xf32, #tpu.memory_space<vmem>>[vector<16xi32>, vector<16xi32>], vector<16xf32>,
      %add3A_70 = arith.constant 1 : i32
      %add3A_71 = vector.broadcast %add3A_70 : i32 to vector<16xi32>
      %add3A_72 = arith.addi %mul3A_50, %add3A_71 : vector<16xi32>
      tpu.vector_store_idx %arg11[%add3A_72], %gather3A_69 {add = true} : memref<40000xf32, #tpu.memory_space<vmem>>[vector<16xi32>], vector<16xf32>,
      %mul3A_73 = arith.constant 0 : i32
      %mul3A_74 = vector.broadcast %mul3A_73 : i32 to vector<16xi32>
      %mul3A_75 = arith.muli %iota3A, %mul3A_74 : vector<16xi32>
      %add3A_76 = arith.constant 2 : i32
      %add3A_77 = vector.broadcast %add3A_76 : i32 to vector<16xi32>
      %add3A_78 = arith.addi %mul3A_75, %add3A_77 : vector<16xi32>
      %gather3A_79 = tpu.vector_load_idx %arg9[%add3A_53, %add3A_78] : memref<128x16xf32, #tpu.memory_space<vmem>>[vector<16xi32>, vector<16xi32>], vector<16xf32>,
      %add3A_80 = arith.constant 2 : i32
      %add3A_81 = vector.broadcast %add3A_80 : i32 to vector<16xi32>
      %add3A_82 = arith.addi %mul3A_50, %add3A_81 : vector<16xi32>
      tpu.vector_store_idx %arg11[%add3A_82], %gather3A_79 {add = true} : memref<40000xf32, #tpu.memory_space<vmem>>[vector<16xi32>], vector<16xf32>,
      %get3A_83 = arith.constant 0 : i32
      %get3A_84 = arith.index_cast %mul3A_29 : i32 to index
      %get3A_85 = arith.index_cast %get3A_83 : i32 to index
      %get3A_86 = arith.constant 16 : index
      %get3A_87 = tpu.vector_load %arg8[%get3A_84, %get3A_85, %get3A_86] {strides = array<i32>} : memref<80x1x128xi32, #tpu.memory_space<vmem>>, vector<16xi32>,
      %mul3A_88 = arith.constant 4 : i32
      %mul3A_89 = vector.broadcast %mul3A_88 : i32 to vector<16xi32>
      %mul3A_90 = arith.muli %get3A_87, %mul3A_89 : vector<16xi32>
      %add3A_91 = arith.constant 16 : i32
      %add3A_92 = vector.broadcast %add3A_91 : i32 to vector<16xi32>
      %add3A_93 = arith.addi %iota3A, %add3A_92 : vector<16xi32>
      %mul3A_94 = arith.constant 0 : i32
      %mul3A_95 = vector.broadcast %mul3A_94 : i32 to vector<16xi32>
      %mul3A_96 = arith.muli %iota3A, %mul3A_95 : vector<16xi32>
      %add3A_97 = arith.constant 0 : i32
      %add3A_98 = vector.broadcast %add3A_97 : i32 to vector<16xi32>
      %add3A_99 = arith.addi %mul3A_96, %add3A_98 : vector<16xi32>
      %gather3A_100 = tpu.vector_load_idx %arg9[%add3A_93, %add3A_99] : memref<128x16xf32, #tpu.memory_space<vmem>>[vector<16xi32>, vector<16xi32>], vector<16xf32>,
      %add3A_101 = arith.constant 0 : i32
      %add3A_102 = vector.broadcast %add3A_101 : i32 to vector<16xi32>
      %add3A_103 = arith.addi %mul3A_90, %add3A_102 : vector<16xi32>
      tpu.vector_store_idx %arg11[%add3A_103], %gather3A_100 {add = true} : memref<40000xf32, #tpu.memory_space<vmem>>[vector<16xi32>], vector<16xf32>,
      %mul3A_104 = arith.constant 0 : i32
      %mul3A_105 = vector.broadcast %mul3A_104 : i32 to vector<16xi32>
      %mul3A_106 = arith.muli %iota3A, %mul3A_105 : vector<16xi32>
      %add3A_107 = arith.constant 1 : i32
      %add3A_108 = vector.broadcast %add3A_107 : i32 to vector<16xi32>
      %add3A_109 = arith.addi %mul3A_106, %add3A_108 : vector<16xi32>
      %gather3A_110 = tpu.vector_load_idx %arg9[%add3A_93, %add3A_109] : memref<128x16xf32, #tpu.memory_space<vmem>>[vector<16xi32>, vector<16xi32>], vector<16xf32>,
      %add3A_111 = arith.constant 1 : i32
      %add3A_112 = vector.broadcast %add3A_111 : i32 to vector<16xi32>
      %add3A_113 = arith.addi %mul3A_90, %add3A_112 : vector<16xi32>
      tpu.vector_store_idx %arg11[%add3A_113], %gather3A_110 {add = true} : memref<40000xf32, #tpu.memory_space<vmem>>[vector<16xi32>], vector<16xf32>,
      %mul3A_114 = arith.constant 0 : i32
      %mul3A_115 = vector.broadcast %mul3A_114 : i32 to vector<16xi32>
      %mul3A_116 = arith.muli %iota3A, %mul3A_115 : vector<16xi32>
      %add3A_117 = arith.constant 2 : i32
      %add3A_118 = vector.broadcast %add3A_117 : i32 to vector<16xi32>
      %add3A_119 = arith.addi %mul3A_116, %add3A_118 : vector<16xi32>
      %gather3A_120 = tpu.vector_load_idx %arg9[%add3A_93, %add3A_119] : memref<128x16xf32, #tpu.memory_space<vmem>>[vector<16xi32>, vector<16xi32>], vector<16xf32>,
      %add3A_121 = arith.constant 2 : i32
      %add3A_122 = vector.broadcast %add3A_121 : i32 to vector<16xi32>
      %add3A_123 = arith.addi %mul3A_90, %add3A_122 : vector<16xi32>
      tpu.vector_store_idx %arg11[%add3A_123], %gather3A_120 {add = true} : memref<40000xf32, #tpu.memory_space<vmem>>[vector<16xi32>], vector<16xf32>,
      %get3A_124 = arith.constant 0 : i32
      %get3A_125 = arith.index_cast %mul3A_29 : i32 to index
      %get3A_126 = arith.index_cast %get3A_124 : i32 to index
      %get3A_127 = arith.constant 32 : index
      %get3A_128 = tpu.vector_load %arg8[%get3A_125, %get3A_126, %get3A_127] {strides = array<i32>} : memref<80x1x128xi32, #tpu.memory_space<vmem>>, vector<16xi32>,
      %mul3A_129 = arith.constant 4 : i32
      %mul3A_130 = vector.broadcast %mul3A_129 : i32 to vector<16xi32>
      %mul3A_131 = arith.muli %get3A_128, %mul3A_130 : vector<16xi32>
      %add3A_132 = arith.constant 32 : i32
      %add3A_133 = vector.broadcast %add3A_132 : i32 to vector<16xi32>
      %add3A_134 = arith.addi %iota3A, %add3A_133 : vector<16xi32>
      %mul3A_135 = arith.constant 0 : i32
      %mul3A_136 = vector.broadcast %mul3A_135 : i32 to vector<16xi32>
      %mul3A_137 = arith.muli %iota3A, %mul3A_136 : vector<16xi32>
      %add3A_138 = arith.constant 0 : i32
      %add3A_139 = vector.broadcast %add3A_138 : i32 to vector<16xi32>
      %add3A_140 = arith.addi %mul3A_137, %add3A_139 : vector<16xi32>
      %gather3A_141 = tpu.vector_load_idx %arg9[%add3A_134, %add3A_140] : memref<128x16xf32, #tpu.memory_space<vmem>>[vector<16xi32>, vector<16xi32>], vector<16xf32>,
      %add3A_142 = arith.constant 0 : i32
      %add3A_143 = vector.broadcast %add3A_142 : i32 to vector<16xi32>
      %add3A_144 = arith.addi %mul3A_131, %add3A_143 : vector<16xi32>
      tpu.vector_store_idx %arg11[%add3A_144], %gather3A_141 {add = true} : memref<40000xf32, #tpu.memory_space<vmem>>[vector<16xi32>], vector<16xf32>,
      %mul3A_145 = arith.constant 0 : i32
      %mul3A_146 = vector.broadcast %mul3A_145 : i32 to vector<16xi32>
      %mul3A_147 = arith.muli %iota3A, %mul3A_146 : vector<16xi32>
      %add3A_148 = arith.constant 1 : i32
      %add3A_149 = vector.broadcast %add3A_148 : i32 to vector<16xi32>
      %add3A_150 = arith.addi %mul3A_147, %add3A_149 : vector<16xi32>
      %gather3A_151 = tpu.vector_load_idx %arg9[%add3A_134, %add3A_150] : memref<128x16xf32, #tpu.memory_space<vmem>>[vector<16xi32>, vector<16xi32>], vector<16xf32>,
      %add3A_152 = arith.constant 1 : i32
      %add3A_153 = vector.broadcast %add3A_152 : i32 to vector<16xi32>
      %add3A_154 = arith.addi %mul3A_131, %add3A_153 : vector<16xi32>
      tpu.vector_store_idx %arg11[%add3A_154], %gather3A_151 {add = true} : memref<40000xf32, #tpu.memory_space<vmem>>[vector<16xi32>], vector<16xf32>,
      %mul3A_155 = arith.constant 0 : i32
      %mul3A_156 = vector.broadcast %mul3A_155 : i32 to vector<16xi32>
      %mul3A_157 = arith.muli %iota3A, %mul3A_156 : vector<16xi32>
      %add3A_158 = arith.constant 2 : i32
      %add3A_159 = vector.broadcast %add3A_158 : i32 to vector<16xi32>
      %add3A_160 = arith.addi %mul3A_157, %add3A_159 : vector<16xi32>
      %gather3A_161 = tpu.vector_load_idx %arg9[%add3A_134, %add3A_160] : memref<128x16xf32, #tpu.memory_space<vmem>>[vector<16xi32>, vector<16xi32>], vector<16xf32>,
      %add3A_162 = arith.constant 2 : i32
      %add3A_163 = vector.broadcast %add3A_162 : i32 to vector<16xi32>
      %add3A_164 = arith.addi %mul3A_131, %add3A_163 : vector<16xi32>
      tpu.vector_store_idx %arg11[%add3A_164], %gather3A_161 {add = true} : memref<40000xf32, #tpu.memory_space<vmem>>[vector<16xi32>], vector<16xf32>,
      %get3A_165 = arith.constant 0 : i32
      %get3A_166 = arith.index_cast %mul3A_29 : i32 to index
      %get3A_167 = arith.index_cast %get3A_165 : i32 to index
      %get3A_168 = arith.constant 48 : index
      %get3A_169 = tpu.vector_load %arg8[%get3A_166, %get3A_167, %get3A_168] {strides = array<i32>} : memref<80x1x128xi32, #tpu.memory_space<vmem>>, vector<16xi32>,
      %mul3A_170 = arith.constant 4 : i32
      %mul3A_171 = vector.broadcast %mul3A_170 : i32 to vector<16xi32>
      %mul3A_172 = arith.muli %get3A_169, %mul3A_171 : vector<16xi32>
      %add3A_173 = arith.constant 48 : i32
      %add3A_174 = vector.broadcast %add3A_173 : i32 to vector<16xi32>
      %add3A_175 = arith.addi %iota3A, %add3A_174 : vector<16xi32>
      %mul3A_176 = arith.constant 0 : i32
      %mul3A_177 = vector.broadcast %mul3A_176 : i32 to vector<16xi32>
      %mul3A_178 = arith.muli %iota3A, %mul3A_177 : vector<16xi32>
      %add3A_179 = arith.constant 0 : i32
      %add3A_180 = vector.broadcast %add3A_179 : i32 to vector<16xi32>
      %add3A_181 = arith.addi %mul3A_178, %add3A_180 : vector<16xi32>
      %gather3A_182 = tpu.vector_load_idx %arg9[%add3A_175, %add3A_181] : memref<128x16xf32, #tpu.memory_space<vmem>>[vector<16xi32>, vector<16xi32>], vector<16xf32>,
      %add3A_183 = arith.constant 0 : i32
      %add3A_184 = vector.broadcast %add3A_183 : i32 to vector<16xi32>
      %add3A_185 = arith.addi %mul3A_172, %add3A_184 : vector<16xi32>
      tpu.vector_store_idx %arg11[%add3A_185], %gather3A_182 {add = true} : memref<40000xf32, #tpu.memory_space<vmem>>[vector<16xi32>], vector<16xf32>,
      %mul3A_186 = arith.constant 0 : i32
      %mul3A_187 = vector.broadcast %mul3A_186 : i32 to vector<16xi32>
      %mul3A_188 = arith.muli %iota3A, %mul3A_187 : vector<16xi32>
      %add3A_189 = arith.constant 1 : i32
      %add3A_190 = vector.broadcast %add3A_189 : i32 to vector<16xi32>
      %add3A_191 = arith.addi %mul3A_188, %add3A_190 : vector<16xi32>
      %gather3A_192 = tpu.vector_load_idx %arg9[%add3A_175, %add3A_191] : memref<128x16xf32, #tpu.memory_space<vmem>>[vector<16xi32>, vector<16xi32>], vector<16xf32>,
      %add3A_193 = arith.constant 1 : i32
      %add3A_194 = vector.broadcast %add3A_193 : i32 to vector<16xi32>
      %add3A_195 = arith.addi %mul3A_172, %add3A_194 : vector<16xi32>
      tpu.vector_store_idx %arg11[%add3A_195], %gather3A_192 {add = true} : memref<40000xf32, #tpu.memory_space<vmem>>[vector<16xi32>], vector<16xf32>,
      %mul3A_196 = arith.constant 0 : i32
      %mul3A_197 = vector.broadcast %mul3A_196 : i32 to vector<16xi32>
      %mul3A_198 = arith.muli %iota3A, %mul3A_197 : vector<16xi32>
      %add3A_199 = arith.constant 2 : i32
      %add3A_200 = vector.broadcast %add3A_199 : i32 to vector<16xi32>
      %add3A_201 = arith.addi %mul3A_198, %add3A_200 : vector<16xi32>
      %gather3A_202 = tpu.vector_load_idx %arg9[%add3A_175, %add3A_201] : memref<128x16xf32, #tpu.memory_space<vmem>>[vector<16xi32>, vector<16xi32>], vector<16xf32>,
      %add3A_203 = arith.constant 2 : i32
      %add3A_204 = vector.broadcast %add3A_203 : i32 to vector<16xi32>
      %add3A_205 = arith.addi %mul3A_172, %add3A_204 : vector<16xi32>
      tpu.vector_store_idx %arg11[%add3A_205], %gather3A_202 {add = true} : memref<40000xf32, #tpu.memory_space<vmem>>[vector<16xi32>], vector<16xf32>,
      %get3A_206 = arith.constant 0 : i32
      %get3A_207 = arith.index_cast %mul3A_29 : i32 to index
      %get3A_208 = arith.index_cast %get3A_206 : i32 to index
      %get3A_209 = arith.constant 64 : index
      %get3A_210 = tpu.vector_load %arg8[%get3A_207, %get3A_208, %get3A_209] {strides = array<i32>} : memref<80x1x128xi32, #tpu.memory_space<vmem>>, vector<16xi32>,
      %mul3A_211 = arith.constant 4 : i32
      %mul3A_212 = vector.broadcast %mul3A_211 : i32 to vector<16xi32>
      %mul3A_213 = arith.muli %get3A_210, %mul3A_212 : vector<16xi32>
      %add3A_214 = arith.constant 64 : i32
      %add3A_215 = vector.broadcast %add3A_214 : i32 to vector<16xi32>
      %add3A_216 = arith.addi %iota3A, %add3A_215 : vector<16xi32>
      %mul3A_217 = arith.constant 0 : i32
      %mul3A_218 = vector.broadcast %mul3A_217 : i32 to vector<16xi32>
      %mul3A_219 = arith.muli %iota3A, %mul3A_218 : vector<16xi32>
      %add3A_220 = arith.constant 0 : i32
      %add3A_221 = vector.broadcast %add3A_220 : i32 to vector<16xi32>
      %add3A_222 = arith.addi %mul3A_219, %add3A_221 : vector<16xi32>
      %gather3A_223 = tpu.vector_load_idx %arg9[%add3A_216, %add3A_222] : memref<128x16xf32, #tpu.memory_space<vmem>>[vector<16xi32>, vector<16xi32>], vector<16xf32>,
      %add3A_224 = arith.constant 0 : i32
      %add3A_225 = vector.broadcast %add3A_224 : i32 to vector<16xi32>
      %add3A_226 = arith.addi %mul3A_213, %add3A_225 : vector<16xi32>
      tpu.vector_store_idx %arg11[%add3A_226], %gather3A_223 {add = true} : memref<40000xf32, #tpu.memory_space<vmem>>[vector<16xi32>], vector<16xf32>,
      %mul3A_227 = arith.constant 0 : i32
      %mul3A_228 = vector.broadcast %mul3A_227 : i32 to vector<16xi32>
      %mul3A_229 = arith.muli %iota3A, %mul3A_228 : vector<16xi32>
      %add3A_230 = arith.constant 1 : i32
      %add3A_231 = vector.broadcast %add3A_230 : i32 to vector<16xi32>
      %add3A_232 = arith.addi %mul3A_229, %add3A_231 : vector<16xi32>
      %gather3A_233 = tpu.vector_load_idx %arg9[%add3A_216, %add3A_232] : memref<128x16xf32, #tpu.memory_space<vmem>>[vector<16xi32>, vector<16xi32>], vector<16xf32>,
      %add3A_234 = arith.constant 1 : i32
      %add3A_235 = vector.broadcast %add3A_234 : i32 to vector<16xi32>
      %add3A_236 = arith.addi %mul3A_213, %add3A_235 : vector<16xi32>
      tpu.vector_store_idx %arg11[%add3A_236], %gather3A_233 {add = true} : memref<40000xf32, #tpu.memory_space<vmem>>[vector<16xi32>], vector<16xf32>,
      %mul3A_237 = arith.constant 0 : i32
      %mul3A_238 = vector.broadcast %mul3A_237 : i32 to vector<16xi32>
      %mul3A_239 = arith.muli %iota3A, %mul3A_238 : vector<16xi32>
      %add3A_240 = arith.constant 2 : i32
      %add3A_241 = vector.broadcast %add3A_240 : i32 to vector<16xi32>
      %add3A_242 = arith.addi %mul3A_239, %add3A_241 : vector<16xi32>
      %gather3A_243 = tpu.vector_load_idx %arg9[%add3A_216, %add3A_242] : memref<128x16xf32, #tpu.memory_space<vmem>>[vector<16xi32>, vector<16xi32>], vector<16xf32>,
      %add3A_244 = arith.constant 2 : i32
      %add3A_245 = vector.broadcast %add3A_244 : i32 to vector<16xi32>
      %add3A_246 = arith.addi %mul3A_213, %add3A_245 : vector<16xi32>
      tpu.vector_store_idx %arg11[%add3A_246], %gather3A_243 {add = true} : memref<40000xf32, #tpu.memory_space<vmem>>[vector<16xi32>], vector<16xf32>,
      %get3A_247 = arith.constant 0 : i32
      %get3A_248 = arith.index_cast %mul3A_29 : i32 to index
      %get3A_249 = arith.index_cast %get3A_247 : i32 to index
      %get3A_250 = arith.constant 80 : index
      %get3A_251 = tpu.vector_load %arg8[%get3A_248, %get3A_249, %get3A_250] {strides = array<i32>} : memref<80x1x128xi32, #tpu.memory_space<vmem>>, vector<16xi32>,
      %mul3A_252 = arith.constant 4 : i32
      %mul3A_253 = vector.broadcast %mul3A_252 : i32 to vector<16xi32>
      %mul3A_254 = arith.muli %get3A_251, %mul3A_253 : vector<16xi32>
      %add3A_255 = arith.constant 80 : i32
      %add3A_256 = vector.broadcast %add3A_255 : i32 to vector<16xi32>
      %add3A_257 = arith.addi %iota3A, %add3A_256 : vector<16xi32>
      %mul3A_258 = arith.constant 0 : i32
      %mul3A_259 = vector.broadcast %mul3A_258 : i32 to vector<16xi32>
      %mul3A_260 = arith.muli %iota3A, %mul3A_259 : vector<16xi32>
      %add3A_261 = arith.constant 0 : i32
      %add3A_262 = vector.broadcast %add3A_261 : i32 to vector<16xi32>
      %add3A_263 = arith.addi %mul3A_260, %add3A_262 : vector<16xi32>
      %gather3A_264 = tpu.vector_load_idx %arg9[%add3A_257, %add3A_263] : memref<128x16xf32, #tpu.memory_space<vmem>>[vector<16xi32>, vector<16xi32>], vector<16xf32>,
      %add3A_265 = arith.constant 0 : i32
      %add3A_266 = vector.broadcast %add3A_265 : i32 to vector<16xi32>
      %add3A_267 = arith.addi %mul3A_254, %add3A_266 : vector<16xi32>
      tpu.vector_store_idx %arg11[%add3A_267], %gather3A_264 {add = true} : memref<40000xf32, #tpu.memory_space<vmem>>[vector<16xi32>], vector<16xf32>,
      %mul3A_268 = arith.constant 0 : i32
      %mul3A_269 = vector.broadcast %mul3A_268 : i32 to vector<16xi32>
      %mul3A_270 = arith.muli %iota3A, %mul3A_269 : vector<16xi32>
      %add3A_271 = arith.constant 1 : i32
      %add3A_272 = vector.broadcast %add3A_271 : i32 to vector<16xi32>
      %add3A_273 = arith.addi %mul3A_270, %add3A_272 : vector<16xi32>
      %gather3A_274 = tpu.vector_load_idx %arg9[%add3A_257, %add3A_273] : memref<128x16xf32, #tpu.memory_space<vmem>>[vector<16xi32>, vector<16xi32>], vector<16xf32>,
      %add3A_275 = arith.constant 1 : i32
      %add3A_276 = vector.broadcast %add3A_275 : i32 to vector<16xi32>
      %add3A_277 = arith.addi %mul3A_254, %add3A_276 : vector<16xi32>
      tpu.vector_store_idx %arg11[%add3A_277], %gather3A_274 {add = true} : memref<40000xf32, #tpu.memory_space<vmem>>[vector<16xi32>], vector<16xf32>,
      %mul3A_278 = arith.constant 0 : i32
      %mul3A_279 = vector.broadcast %mul3A_278 : i32 to vector<16xi32>
      %mul3A_280 = arith.muli %iota3A, %mul3A_279 : vector<16xi32>
      %add3A_281 = arith.constant 2 : i32
      %add3A_282 = vector.broadcast %add3A_281 : i32 to vector<16xi32>
      %add3A_283 = arith.addi %mul3A_280, %add3A_282 : vector<16xi32>
      %gather3A_284 = tpu.vector_load_idx %arg9[%add3A_257, %add3A_283] : memref<128x16xf32, #tpu.memory_space<vmem>>[vector<16xi32>, vector<16xi32>], vector<16xf32>,
      %add3A_285 = arith.constant 2 : i32
      %add3A_286 = vector.broadcast %add3A_285 : i32 to vector<16xi32>
      %add3A_287 = arith.addi %mul3A_254, %add3A_286 : vector<16xi32>
      tpu.vector_store_idx %arg11[%add3A_287], %gather3A_284 {add = true} : memref<40000xf32, #tpu.memory_space<vmem>>[vector<16xi32>], vector<16xf32>,
      %get3A_288 = arith.constant 0 : i32
      %get3A_289 = arith.index_cast %mul3A_29 : i32 to index
      %get3A_290 = arith.index_cast %get3A_288 : i32 to index
      %get3A_291 = arith.constant 96 : index
      %get3A_292 = tpu.vector_load %arg8[%get3A_289, %get3A_290, %get3A_291] {strides = array<i32>} : memref<80x1x128xi32, #tpu.memory_space<vmem>>, vector<16xi32>,
      %mul3A_293 = arith.constant 4 : i32
      %mul3A_294 = vector.broadcast %mul3A_293 : i32 to vector<16xi32>
      %mul3A_295 = arith.muli %get3A_292, %mul3A_294 : vector<16xi32>
      %add3A_296 = arith.constant 96 : i32
      %add3A_297 = vector.broadcast %add3A_296 : i32 to vector<16xi32>
      %add3A_298 = arith.addi %iota3A, %add3A_297 : vector<16xi32>
      %mul3A_299 = arith.constant 0 : i32
      %mul3A_300 = vector.broadcast %mul3A_299 : i32 to vector<16xi32>
      %mul3A_301 = arith.muli %iota3A, %mul3A_300 : vector<16xi32>
      %add3A_302 = arith.constant 0 : i32
      %add3A_303 = vector.broadcast %add3A_302 : i32 to vector<16xi32>
      %add3A_304 = arith.addi %mul3A_301, %add3A_303 : vector<16xi32>
      %gather3A_305 = tpu.vector_load_idx %arg9[%add3A_298, %add3A_304] : memref<128x16xf32, #tpu.memory_space<vmem>>[vector<16xi32>, vector<16xi32>], vector<16xf32>,
      %add3A_306 = arith.constant 0 : i32
      %add3A_307 = vector.broadcast %add3A_306 : i32 to vector<16xi32>
      %add3A_308 = arith.addi %mul3A_295, %add3A_307 : vector<16xi32>
      tpu.vector_store_idx %arg11[%add3A_308], %gather3A_305 {add = true} : memref<40000xf32, #tpu.memory_space<vmem>>[vector<16xi32>], vector<16xf32>,
      %mul3A_309 = arith.constant 0 : i32
      %mul3A_310 = vector.broadcast %mul3A_309 : i32 to vector<16xi32>
      %mul3A_311 = arith.muli %iota3A, %mul3A_310 : vector<16xi32>
      %add3A_312 = arith.constant 1 : i32
      %add3A_313 = vector.broadcast %add3A_312 : i32 to vector<16xi32>
      %add3A_314 = arith.addi %mul3A_311, %add3A_313 : vector<16xi32>
      %gather3A_315 = tpu.vector_load_idx %arg9[%add3A_298, %add3A_314] : memref<128x16xf32, #tpu.memory_space<vmem>>[vector<16xi32>, vector<16xi32>], vector<16xf32>,
      %add3A_316 = arith.constant 1 : i32
      %add3A_317 = vector.broadcast %add3A_316 : i32 to vector<16xi32>
      %add3A_318 = arith.addi %mul3A_295, %add3A_317 : vector<16xi32>
      tpu.vector_store_idx %arg11[%add3A_318], %gather3A_315 {add = true} : memref<40000xf32, #tpu.memory_space<vmem>>[vector<16xi32>], vector<16xf32>,
      %mul3A_319 = arith.constant 0 : i32
      %mul3A_320 = vector.broadcast %mul3A_319 : i32 to vector<16xi32>
      %mul3A_321 = arith.muli %iota3A, %mul3A_320 : vector<16xi32>
      %add3A_322 = arith.constant 2 : i32
      %add3A_323 = vector.broadcast %add3A_322 : i32 to vector<16xi32>
      %add3A_324 = arith.addi %mul3A_321, %add3A_323 : vector<16xi32>
      %gather3A_325 = tpu.vector_load_idx %arg9[%add3A_298, %add3A_324] : memref<128x16xf32, #tpu.memory_space<vmem>>[vector<16xi32>, vector<16xi32>], vector<16xf32>,
      %add3A_326 = arith.constant 2 : i32
      %add3A_327 = vector.broadcast %add3A_326 : i32 to vector<16xi32>
      %add3A_328 = arith.addi %mul3A_295, %add3A_327 : vector<16xi32>
      tpu.vector_store_idx %arg11[%add3A_328], %gather3A_325 {add = true} : memref<40000xf32, #tpu.memory_space<vmem>>[vector<16xi32>], vector<16xf32>,
      %get3A_329 = arith.constant 0 : i32
      %get3A_330 = arith.index_cast %mul3A_29 : i32 to index
      %get3A_331 = arith.index_cast %get3A_329 : i32 to index
      %get3A_332 = arith.constant 112 : index
      %get3A_333 = tpu.vector_load %arg8[%get3A_330, %get3A_331, %get3A_332] {strides = array<i32>} : memref<80x1x128xi32, #tpu.memory_space<vmem>>, vector<16xi32>,
      %mul3A_334 = arith.constant 4 : i32
      %mul3A_335 = vector.broadcast %mul3A_334 : i32 to vector<16xi32>
      %mul3A_336 = arith.muli %get3A_333, %mul3A_335 : vector<16xi32>
      %add3A_337 = arith.constant 112 : i32
      %add3A_338 = vector.broadcast %add3A_337 : i32 to vector<16xi32>
      %add3A_339 = arith.addi %iota3A, %add3A_338 : vector<16xi32>
      %mul3A_340 = arith.constant 0 : i32
      %mul3A_341 = vector.broadcast %mul3A_340 : i32 to vector<16xi32>
      %mul3A_342 = arith.muli %iota3A, %mul3A_341 : vector<16xi32>
      %add3A_343 = arith.constant 0 : i32
      %add3A_344 = vector.broadcast %add3A_343 : i32 to vector<16xi32>
      %add3A_345 = arith.addi %mul3A_342, %add3A_344 : vector<16xi32>
      %gather3A_346 = tpu.vector_load_idx %arg9[%add3A_339, %add3A_345] : memref<128x16xf32, #tpu.memory_space<vmem>>[vector<16xi32>, vector<16xi32>], vector<16xf32>,
      %add3A_347 = arith.constant 0 : i32
      %add3A_348 = vector.broadcast %add3A_347 : i32 to vector<16xi32>
      %add3A_349 = arith.addi %mul3A_336, %add3A_348 : vector<16xi32>
      tpu.vector_store_idx %arg11[%add3A_349], %gather3A_346 {add = true} : memref<40000xf32, #tpu.memory_space<vmem>>[vector<16xi32>], vector<16xf32>,
      %mul3A_350 = arith.constant 0 : i32
      %mul3A_351 = vector.broadcast %mul3A_350 : i32 to vector<16xi32>
      %mul3A_352 = arith.muli %iota3A, %mul3A_351 : vector<16xi32>
      %add3A_353 = arith.constant 1 : i32
      %add3A_354 = vector.broadcast %add3A_353 : i32 to vector<16xi32>
      %add3A_355 = arith.addi %mul3A_352, %add3A_354 : vector<16xi32>
      %gather3A_356 = tpu.vector_load_idx %arg9[%add3A_339, %add3A_355] : memref<128x16xf32, #tpu.memory_space<vmem>>[vector<16xi32>, vector<16xi32>], vector<16xf32>,
      %add3A_357 = arith.constant 1 : i32
      %add3A_358 = vector.broadcast %add3A_357 : i32 to vector<16xi32>
      %add3A_359 = arith.addi %mul3A_336, %add3A_358 : vector<16xi32>
      tpu.vector_store_idx %arg11[%add3A_359], %gather3A_356 {add = true} : memref<40000xf32, #tpu.memory_space<vmem>>[vector<16xi32>], vector<16xf32>,
      %mul3A_360 = arith.constant 0 : i32
      %mul3A_361 = vector.broadcast %mul3A_360 : i32 to vector<16xi32>
      %mul3A_362 = arith.muli %iota3A, %mul3A_361 : vector<16xi32>
      %add3A_363 = arith.constant 2 : i32
      %add3A_364 = vector.broadcast %add3A_363 : i32 to vector<16xi32>
      %add3A_365 = arith.addi %mul3A_362, %add3A_364 : vector<16xi32>
      %gather3A_366 = tpu.vector_load_idx %arg9[%add3A_339, %add3A_365] : memref<128x16xf32, #tpu.memory_space<vmem>>[vector<16xi32>, vector<16xi32>], vector<16xf32>,
      %add3A_367 = arith.constant 2 : i32
      %add3A_368 = vector.broadcast %add3A_367 : i32 to vector<16xi32>
      %add3A_369 = arith.addi %mul3A_336, %add3A_368 : vector<16xi32>
      tpu.vector_store_idx %arg11[%add3A_369], %gather3A_366 {add = true} : memref<40000xf32, #tpu.memory_space<vmem>>[vector<16xi32>], vector<16xf32>,
      %add3A_370 = arith.constant 1 : i32
      %add3A_371 = arith.addi %scan3A_27, %add3A_370 : i32
      %lt3A = arith.constant 20 : i32
      %lt3A_372 = arith.cmpi slt, %add3A_371, %lt3A : i32
      %convert_element_type3A = arith.extui %lt3A_372 : i1 to i32
      %cond3A = arith.constant 0 : i32
      %cond3A_373 = arith.cmpi ne, %convert_element_type3A, %cond3A : i32
      scf.if %cond3A_373 {
        %add3A_710 = arith.addi %mul3A_14, %mul3A_29 : i32
        %add3A_711 = arith.constant 2 : i32
        %add3A_712 = arith.addi %add3A_710, %add3A_711 : i32
        %mul3A_713 = arith.constant 128 : i32
        %mul3A_714 = arith.muli %add3A_712, %mul3A_713 : i32
        %dma_start3A_715 = arith.constant 0 : i32
        %dma_start3A_716 = tpu.memref_slice %arg4[%mul3A_714, %dma_start3A_715] : memref<163840x16xf32, #tpu.memory_space<hbm>> -> memref<128x16xf32, #tpu.memory_space<hbm>>
        %dma_start3A_717 = arith.constant 0 : i32
        %dma_start3A_718 = tpu.memref_slice %arg4[%mul3A_714, %dma_start3A_717] : memref<163840x16xf32, #tpu.memory_space<hbm>> -> memref<128x16xf32, #tpu.memory_space<hbm>>
        tpu.enqueue_dma source(%dma_start3A_718 : memref<128x16xf32, #tpu.memory_space<hbm>>) target(%arg9 : memref<128x16xf32, #tpu.memory_space<vmem>>) target_semaphore(%arg12 : memref<!tpu.dma_semaphore, #tpu.memory_space<semaphore_mem>>)
      } else {
      }
      %dma_wait3A_374 = arith.constant 0 : i32
      %dma_wait3A_375 = arith.constant 0 : i32
      %dma_wait3A_376 = tpu.memref_slice %arg4[%dma_wait3A_374, %dma_wait3A_375] : memref<163840x16xf32, #tpu.memory_space<hbm>> -> memref<128x16xf32, #tpu.memory_space<hbm>>
      %dma_wait3A_377 = arith.constant 0 : i32
      %dma_wait3A_378 = arith.constant 0 : i32
      %dma_wait3A_379 = tpu.memref_slice %arg4[%dma_wait3A_377, %dma_wait3A_378] : memref<163840x16xf32, #tpu.memory_space<hbm>> -> memref<128x16xf32, #tpu.memory_space<hbm>>
      tpu.wait_dma2 semaphore(%arg13 : memref<!tpu.dma_semaphore, #tpu.memory_space<semaphore_mem>>) src(%dma_wait3A_379 : memref<128x16xf32, #tpu.memory_space<hbm>>) dst(%arg10 : memref<128x16xf32, #tpu.memory_space<vmem>>)
      %add3A_380 = arith.constant 1 : i32
      %add3A_381 = arith.addi %mul3A_29, %add3A_380 : i32
      %get3A_382 = arith.constant 0 : i32
      %get3A_383 = arith.index_cast %add3A_381 : i32 to index
      %get3A_384 = arith.index_cast %get3A_382 : i32 to index
      %get3A_385 = arith.constant 0 : index
      %get3A_386 = tpu.vector_load %arg8[%get3A_383, %get3A_384, %get3A_385] {strides = array<i32>} : memref<80x1x128xi32, #tpu.memory_space<vmem>>, vector<16xi32>,
      %mul3A_387 = arith.constant 4 : i32
      %mul3A_388 = vector.broadcast %mul3A_387 : i32 to vector<16xi32>
      %mul3A_389 = arith.muli %get3A_386, %mul3A_388 : vector<16xi32>
      %add3A_390 = arith.constant 0 : i32
      %add3A_391 = vector.broadcast %add3A_390 : i32 to vector<16xi32>
      %add3A_392 = arith.addi %iota3A, %add3A_391 : vector<16xi32>
      %mul3A_393 = arith.constant 0 : i32
      %mul3A_394 = vector.broadcast %mul3A_393 : i32 to vector<16xi32>
      %mul3A_395 = arith.muli %iota3A, %mul3A_394 : vector<16xi32>
      %add3A_396 = arith.constant 0 : i32
      %add3A_397 = vector.broadcast %add3A_396 : i32 to vector<16xi32>
      %add3A_398 = arith.addi %mul3A_395, %add3A_397 : vector<16xi32>
      %gather3A_399 = tpu.vector_load_idx %arg10[%add3A_392, %add3A_398] : memref<128x16xf32, #tpu.memory_space<vmem>>[vector<16xi32>, vector<16xi32>], vector<16xf32>,
      %add3A_400 = arith.constant 0 : i32
      %add3A_401 = vector.broadcast %add3A_400 : i32 to vector<16xi32>
      %add3A_402 = arith.addi %mul3A_389, %add3A_401 : vector<16xi32>
      tpu.vector_store_idx %arg11[%add3A_402], %gather3A_399 {add = true} : memref<40000xf32, #tpu.memory_space<vmem>>[vector<16xi32>], vector<16xf32>,
      %mul3A_403 = arith.constant 0 : i32
      %mul3A_404 = vector.broadcast %mul3A_403 : i32 to vector<16xi32>
      %mul3A_405 = arith.muli %iota3A, %mul3A_404 : vector<16xi32>
      %add3A_406 = arith.constant 1 : i32
      %add3A_407 = vector.broadcast %add3A_406 : i32 to vector<16xi32>
      %add3A_408 = arith.addi %mul3A_405, %add3A_407 : vector<16xi32>
      %gather3A_409 = tpu.vector_load_idx %arg10[%add3A_392, %add3A_408] : memref<128x16xf32, #tpu.memory_space<vmem>>[vector<16xi32>, vector<16xi32>], vector<16xf32>,
      %add3A_410 = arith.constant 1 : i32
      %add3A_411 = vector.broadcast %add3A_410 : i32 to vector<16xi32>
      %add3A_412 = arith.addi %mul3A_389, %add3A_411 : vector<16xi32>
      tpu.vector_store_idx %arg11[%add3A_412], %gather3A_409 {add = true} : memref<40000xf32, #tpu.memory_space<vmem>>[vector<16xi32>], vector<16xf32>,
      %mul3A_413 = arith.constant 0 : i32
      %mul3A_414 = vector.broadcast %mul3A_413 : i32 to vector<16xi32>
      %mul3A_415 = arith.muli %iota3A, %mul3A_414 : vector<16xi32>
      %add3A_416 = arith.constant 2 : i32
      %add3A_417 = vector.broadcast %add3A_416 : i32 to vector<16xi32>
      %add3A_418 = arith.addi %mul3A_415, %add3A_417 : vector<16xi32>
      %gather3A_419 = tpu.vector_load_idx %arg10[%add3A_392, %add3A_418] : memref<128x16xf32, #tpu.memory_space<vmem>>[vector<16xi32>, vector<16xi32>], vector<16xf32>,
      %add3A_420 = arith.constant 2 : i32
      %add3A_421 = vector.broadcast %add3A_420 : i32 to vector<16xi32>
      %add3A_422 = arith.addi %mul3A_389, %add3A_421 : vector<16xi32>
      tpu.vector_store_idx %arg11[%add3A_422], %gather3A_419 {add = true} : memref<40000xf32, #tpu.memory_space<vmem>>[vector<16xi32>], vector<16xf32>,
      %get3A_423 = arith.constant 0 : i32
      %get3A_424 = arith.index_cast %add3A_381 : i32 to index
      %get3A_425 = arith.index_cast %get3A_423 : i32 to index
      %get3A_426 = arith.constant 16 : index
      %get3A_427 = tpu.vector_load %arg8[%get3A_424, %get3A_425, %get3A_426] {strides = array<i32>} : memref<80x1x128xi32, #tpu.memory_space<vmem>>, vector<16xi32>,
      %mul3A_428 = arith.constant 4 : i32
      %mul3A_429 = vector.broadcast %mul3A_428 : i32 to vector<16xi32>
      %mul3A_430 = arith.muli %get3A_427, %mul3A_429 : vector<16xi32>
      %add3A_431 = arith.constant 16 : i32
      %add3A_432 = vector.broadcast %add3A_431 : i32 to vector<16xi32>
      %add3A_433 = arith.addi %iota3A, %add3A_432 : vector<16xi32>
      %mul3A_434 = arith.constant 0 : i32
      %mul3A_435 = vector.broadcast %mul3A_434 : i32 to vector<16xi32>
      %mul3A_436 = arith.muli %iota3A, %mul3A_435 : vector<16xi32>
      %add3A_437 = arith.constant 0 : i32
      %add3A_438 = vector.broadcast %add3A_437 : i32 to vector<16xi32>
      %add3A_439 = arith.addi %mul3A_436, %add3A_438 : vector<16xi32>
      %gather3A_440 = tpu.vector_load_idx %arg10[%add3A_433, %add3A_439] : memref<128x16xf32, #tpu.memory_space<vmem>>[vector<16xi32>, vector<16xi32>], vector<16xf32>,
      %add3A_441 = arith.constant 0 : i32
      %add3A_442 = vector.broadcast %add3A_441 : i32 to vector<16xi32>
      %add3A_443 = arith.addi %mul3A_430, %add3A_442 : vector<16xi32>
      tpu.vector_store_idx %arg11[%add3A_443], %gather3A_440 {add = true} : memref<40000xf32, #tpu.memory_space<vmem>>[vector<16xi32>], vector<16xf32>,
      %mul3A_444 = arith.constant 0 : i32
      %mul3A_445 = vector.broadcast %mul3A_444 : i32 to vector<16xi32>
      %mul3A_446 = arith.muli %iota3A, %mul3A_445 : vector<16xi32>
      %add3A_447 = arith.constant 1 : i32
      %add3A_448 = vector.broadcast %add3A_447 : i32 to vector<16xi32>
      %add3A_449 = arith.addi %mul3A_446, %add3A_448 : vector<16xi32>
      %gather3A_450 = tpu.vector_load_idx %arg10[%add3A_433, %add3A_449] : memref<128x16xf32, #tpu.memory_space<vmem>>[vector<16xi32>, vector<16xi32>], vector<16xf32>,
      %add3A_451 = arith.constant 1 : i32
      %add3A_452 = vector.broadcast %add3A_451 : i32 to vector<16xi32>
      %add3A_453 = arith.addi %mul3A_430, %add3A_452 : vector<16xi32>
      tpu.vector_store_idx %arg11[%add3A_453], %gather3A_450 {add = true} : memref<40000xf32, #tpu.memory_space<vmem>>[vector<16xi32>], vector<16xf32>,
      %mul3A_454 = arith.constant 0 : i32
      %mul3A_455 = vector.broadcast %mul3A_454 : i32 to vector<16xi32>
      %mul3A_456 = arith.muli %iota3A, %mul3A_455 : vector<16xi32>
      %add3A_457 = arith.constant 2 : i32
      %add3A_458 = vector.broadcast %add3A_457 : i32 to vector<16xi32>
      %add3A_459 = arith.addi %mul3A_456, %add3A_458 : vector<16xi32>
      %gather3A_460 = tpu.vector_load_idx %arg10[%add3A_433, %add3A_459] : memref<128x16xf32, #tpu.memory_space<vmem>>[vector<16xi32>, vector<16xi32>], vector<16xf32>,
      %add3A_461 = arith.constant 2 : i32
      %add3A_462 = vector.broadcast %add3A_461 : i32 to vector<16xi32>
      %add3A_463 = arith.addi %mul3A_430, %add3A_462 : vector<16xi32>
      tpu.vector_store_idx %arg11[%add3A_463], %gather3A_460 {add = true} : memref<40000xf32, #tpu.memory_space<vmem>>[vector<16xi32>], vector<16xf32>,
      %get3A_464 = arith.constant 0 : i32
      %get3A_465 = arith.index_cast %add3A_381 : i32 to index
      %get3A_466 = arith.index_cast %get3A_464 : i32 to index
      %get3A_467 = arith.constant 32 : index
      %get3A_468 = tpu.vector_load %arg8[%get3A_465, %get3A_466, %get3A_467] {strides = array<i32>} : memref<80x1x128xi32, #tpu.memory_space<vmem>>, vector<16xi32>,
      %mul3A_469 = arith.constant 4 : i32
      %mul3A_470 = vector.broadcast %mul3A_469 : i32 to vector<16xi32>
      %mul3A_471 = arith.muli %get3A_468, %mul3A_470 : vector<16xi32>
      %add3A_472 = arith.constant 32 : i32
      %add3A_473 = vector.broadcast %add3A_472 : i32 to vector<16xi32>
      %add3A_474 = arith.addi %iota3A, %add3A_473 : vector<16xi32>
      %mul3A_475 = arith.constant 0 : i32
      %mul3A_476 = vector.broadcast %mul3A_475 : i32 to vector<16xi32>
      %mul3A_477 = arith.muli %iota3A, %mul3A_476 : vector<16xi32>
      %add3A_478 = arith.constant 0 : i32
      %add3A_479 = vector.broadcast %add3A_478 : i32 to vector<16xi32>
      %add3A_480 = arith.addi %mul3A_477, %add3A_479 : vector<16xi32>
      %gather3A_481 = tpu.vector_load_idx %arg10[%add3A_474, %add3A_480] : memref<128x16xf32, #tpu.memory_space<vmem>>[vector<16xi32>, vector<16xi32>], vector<16xf32>,
      %add3A_482 = arith.constant 0 : i32
      %add3A_483 = vector.broadcast %add3A_482 : i32 to vector<16xi32>
      %add3A_484 = arith.addi %mul3A_471, %add3A_483 : vector<16xi32>
      tpu.vector_store_idx %arg11[%add3A_484], %gather3A_481 {add = true} : memref<40000xf32, #tpu.memory_space<vmem>>[vector<16xi32>], vector<16xf32>,
      %mul3A_485 = arith.constant 0 : i32
      %mul3A_486 = vector.broadcast %mul3A_485 : i32 to vector<16xi32>
      %mul3A_487 = arith.muli %iota3A, %mul3A_486 : vector<16xi32>
      %add3A_488 = arith.constant 1 : i32
      %add3A_489 = vector.broadcast %add3A_488 : i32 to vector<16xi32>
      %add3A_490 = arith.addi %mul3A_487, %add3A_489 : vector<16xi32>
      %gather3A_491 = tpu.vector_load_idx %arg10[%add3A_474, %add3A_490] : memref<128x16xf32, #tpu.memory_space<vmem>>[vector<16xi32>, vector<16xi32>], vector<16xf32>,
      %add3A_492 = arith.constant 1 : i32
      %add3A_493 = vector.broadcast %add3A_492 : i32 to vector<16xi32>
      %add3A_494 = arith.addi %mul3A_471, %add3A_493 : vector<16xi32>
      tpu.vector_store_idx %arg11[%add3A_494], %gather3A_491 {add = true} : memref<40000xf32, #tpu.memory_space<vmem>>[vector<16xi32>], vector<16xf32>,
      %mul3A_495 = arith.constant 0 : i32
      %mul3A_496 = vector.broadcast %mul3A_495 : i32 to vector<16xi32>
      %mul3A_497 = arith.muli %iota3A, %mul3A_496 : vector<16xi32>
      %add3A_498 = arith.constant 2 : i32
      %add3A_499 = vector.broadcast %add3A_498 : i32 to vector<16xi32>
      %add3A_500 = arith.addi %mul3A_497, %add3A_499 : vector<16xi32>
      %gather3A_501 = tpu.vector_load_idx %arg10[%add3A_474, %add3A_500] : memref<128x16xf32, #tpu.memory_space<vmem>>[vector<16xi32>, vector<16xi32>], vector<16xf32>,
      %add3A_502 = arith.constant 2 : i32
      %add3A_503 = vector.broadcast %add3A_502 : i32 to vector<16xi32>
      %add3A_504 = arith.addi %mul3A_471, %add3A_503 : vector<16xi32>
      tpu.vector_store_idx %arg11[%add3A_504], %gather3A_501 {add = true} : memref<40000xf32, #tpu.memory_space<vmem>>[vector<16xi32>], vector<16xf32>,
      %get3A_505 = arith.constant 0 : i32
      %get3A_506 = arith.index_cast %add3A_381 : i32 to index
      %get3A_507 = arith.index_cast %get3A_505 : i32 to index
      %get3A_508 = arith.constant 48 : index
      %get3A_509 = tpu.vector_load %arg8[%get3A_506, %get3A_507, %get3A_508] {strides = array<i32>} : memref<80x1x128xi32, #tpu.memory_space<vmem>>, vector<16xi32>,
      %mul3A_510 = arith.constant 4 : i32
      %mul3A_511 = vector.broadcast %mul3A_510 : i32 to vector<16xi32>
      %mul3A_512 = arith.muli %get3A_509, %mul3A_511 : vector<16xi32>
      %add3A_513 = arith.constant 48 : i32
      %add3A_514 = vector.broadcast %add3A_513 : i32 to vector<16xi32>
      %add3A_515 = arith.addi %iota3A, %add3A_514 : vector<16xi32>
      %mul3A_516 = arith.constant 0 : i32
      %mul3A_517 = vector.broadcast %mul3A_516 : i32 to vector<16xi32>
      %mul3A_518 = arith.muli %iota3A, %mul3A_517 : vector<16xi32>
      %add3A_519 = arith.constant 0 : i32
      %add3A_520 = vector.broadcast %add3A_519 : i32 to vector<16xi32>
      %add3A_521 = arith.addi %mul3A_518, %add3A_520 : vector<16xi32>
      %gather3A_522 = tpu.vector_load_idx %arg10[%add3A_515, %add3A_521] : memref<128x16xf32, #tpu.memory_space<vmem>>[vector<16xi32>, vector<16xi32>], vector<16xf32>,
      %add3A_523 = arith.constant 0 : i32
      %add3A_524 = vector.broadcast %add3A_523 : i32 to vector<16xi32>
      %add3A_525 = arith.addi %mul3A_512, %add3A_524 : vector<16xi32>
      tpu.vector_store_idx %arg11[%add3A_525], %gather3A_522 {add = true} : memref<40000xf32, #tpu.memory_space<vmem>>[vector<16xi32>], vector<16xf32>,
      %mul3A_526 = arith.constant 0 : i32
      %mul3A_527 = vector.broadcast %mul3A_526 : i32 to vector<16xi32>
      %mul3A_528 = arith.muli %iota3A, %mul3A_527 : vector<16xi32>
      %add3A_529 = arith.constant 1 : i32
      %add3A_530 = vector.broadcast %add3A_529 : i32 to vector<16xi32>
      %add3A_531 = arith.addi %mul3A_528, %add3A_530 : vector<16xi32>
      %gather3A_532 = tpu.vector_load_idx %arg10[%add3A_515, %add3A_531] : memref<128x16xf32, #tpu.memory_space<vmem>>[vector<16xi32>, vector<16xi32>], vector<16xf32>,
      %add3A_533 = arith.constant 1 : i32
      %add3A_534 = vector.broadcast %add3A_533 : i32 to vector<16xi32>
      %add3A_535 = arith.addi %mul3A_512, %add3A_534 : vector<16xi32>
      tpu.vector_store_idx %arg11[%add3A_535], %gather3A_532 {add = true} : memref<40000xf32, #tpu.memory_space<vmem>>[vector<16xi32>], vector<16xf32>,
      %mul3A_536 = arith.constant 0 : i32
      %mul3A_537 = vector.broadcast %mul3A_536 : i32 to vector<16xi32>
      %mul3A_538 = arith.muli %iota3A, %mul3A_537 : vector<16xi32>
      %add3A_539 = arith.constant 2 : i32
      %add3A_540 = vector.broadcast %add3A_539 : i32 to vector<16xi32>
      %add3A_541 = arith.addi %mul3A_538, %add3A_540 : vector<16xi32>
      %gather3A_542 = tpu.vector_load_idx %arg10[%add3A_515, %add3A_541] : memref<128x16xf32, #tpu.memory_space<vmem>>[vector<16xi32>, vector<16xi32>], vector<16xf32>,
      %add3A_543 = arith.constant 2 : i32
      %add3A_544 = vector.broadcast %add3A_543 : i32 to vector<16xi32>
      %add3A_545 = arith.addi %mul3A_512, %add3A_544 : vector<16xi32>
      tpu.vector_store_idx %arg11[%add3A_545], %gather3A_542 {add = true} : memref<40000xf32, #tpu.memory_space<vmem>>[vector<16xi32>], vector<16xf32>,
      %get3A_546 = arith.constant 0 : i32
      %get3A_547 = arith.index_cast %add3A_381 : i32 to index
      %get3A_548 = arith.index_cast %get3A_546 : i32 to index
      %get3A_549 = arith.constant 64 : index
      %get3A_550 = tpu.vector_load %arg8[%get3A_547, %get3A_548, %get3A_549] {strides = array<i32>} : memref<80x1x128xi32, #tpu.memory_space<vmem>>, vector<16xi32>,
      %mul3A_551 = arith.constant 4 : i32
      %mul3A_552 = vector.broadcast %mul3A_551 : i32 to vector<16xi32>
      %mul3A_553 = arith.muli %get3A_550, %mul3A_552 : vector<16xi32>
      %add3A_554 = arith.constant 64 : i32
      %add3A_555 = vector.broadcast %add3A_554 : i32 to vector<16xi32>
      %add3A_556 = arith.addi %iota3A, %add3A_555 : vector<16xi32>
      %mul3A_557 = arith.constant 0 : i32
      %mul3A_558 = vector.broadcast %mul3A_557 : i32 to vector<16xi32>
      %mul3A_559 = arith.muli %iota3A, %mul3A_558 : vector<16xi32>
      %add3A_560 = arith.constant 0 : i32
      %add3A_561 = vector.broadcast %add3A_560 : i32 to vector<16xi32>
      %add3A_562 = arith.addi %mul3A_559, %add3A_561 : vector<16xi32>
      %gather3A_563 = tpu.vector_load_idx %arg10[%add3A_556, %add3A_562] : memref<128x16xf32, #tpu.memory_space<vmem>>[vector<16xi32>, vector<16xi32>], vector<16xf32>,
      %add3A_564 = arith.constant 0 : i32
      %add3A_565 = vector.broadcast %add3A_564 : i32 to vector<16xi32>
      %add3A_566 = arith.addi %mul3A_553, %add3A_565 : vector<16xi32>
      tpu.vector_store_idx %arg11[%add3A_566], %gather3A_563 {add = true} : memref<40000xf32, #tpu.memory_space<vmem>>[vector<16xi32>], vector<16xf32>,
      %mul3A_567 = arith.constant 0 : i32
      %mul3A_568 = vector.broadcast %mul3A_567 : i32 to vector<16xi32>
      %mul3A_569 = arith.muli %iota3A, %mul3A_568 : vector<16xi32>
      %add3A_570 = arith.constant 1 : i32
      %add3A_571 = vector.broadcast %add3A_570 : i32 to vector<16xi32>
      %add3A_572 = arith.addi %mul3A_569, %add3A_571 : vector<16xi32>
      %gather3A_573 = tpu.vector_load_idx %arg10[%add3A_556, %add3A_572] : memref<128x16xf32, #tpu.memory_space<vmem>>[vector<16xi32>, vector<16xi32>], vector<16xf32>,
      %add3A_574 = arith.constant 1 : i32
      %add3A_575 = vector.broadcast %add3A_574 : i32 to vector<16xi32>
      %add3A_576 = arith.addi %mul3A_553, %add3A_575 : vector<16xi32>
      tpu.vector_store_idx %arg11[%add3A_576], %gather3A_573 {add = true} : memref<40000xf32, #tpu.memory_space<vmem>>[vector<16xi32>], vector<16xf32>,
      %mul3A_577 = arith.constant 0 : i32
      %mul3A_578 = vector.broadcast %mul3A_577 : i32 to vector<16xi32>
      %mul3A_579 = arith.muli %iota3A, %mul3A_578 : vector<16xi32>
      %add3A_580 = arith.constant 2 : i32
      %add3A_581 = vector.broadcast %add3A_580 : i32 to vector<16xi32>
      %add3A_582 = arith.addi %mul3A_579, %add3A_581 : vector<16xi32>
      %gather3A_583 = tpu.vector_load_idx %arg10[%add3A_556, %add3A_582] : memref<128x16xf32, #tpu.memory_space<vmem>>[vector<16xi32>, vector<16xi32>], vector<16xf32>,
      %add3A_584 = arith.constant 2 : i32
      %add3A_585 = vector.broadcast %add3A_584 : i32 to vector<16xi32>
      %add3A_586 = arith.addi %mul3A_553, %add3A_585 : vector<16xi32>
      tpu.vector_store_idx %arg11[%add3A_586], %gather3A_583 {add = true} : memref<40000xf32, #tpu.memory_space<vmem>>[vector<16xi32>], vector<16xf32>,
      %get3A_587 = arith.constant 0 : i32
      %get3A_588 = arith.index_cast %add3A_381 : i32 to index
      %get3A_589 = arith.index_cast %get3A_587 : i32 to index
      %get3A_590 = arith.constant 80 : index
      %get3A_591 = tpu.vector_load %arg8[%get3A_588, %get3A_589, %get3A_590] {strides = array<i32>} : memref<80x1x128xi32, #tpu.memory_space<vmem>>, vector<16xi32>,
      %mul3A_592 = arith.constant 4 : i32
      %mul3A_593 = vector.broadcast %mul3A_592 : i32 to vector<16xi32>
      %mul3A_594 = arith.muli %get3A_591, %mul3A_593 : vector<16xi32>
      %add3A_595 = arith.constant 80 : i32
      %add3A_596 = vector.broadcast %add3A_595 : i32 to vector<16xi32>
      %add3A_597 = arith.addi %iota3A, %add3A_596 : vector<16xi32>
      %mul3A_598 = arith.constant 0 : i32
      %mul3A_599 = vector.broadcast %mul3A_598 : i32 to vector<16xi32>
      %mul3A_600 = arith.muli %iota3A, %mul3A_599 : vector<16xi32>
      %add3A_601 = arith.constant 0 : i32
      %add3A_602 = vector.broadcast %add3A_601 : i32 to vector<16xi32>
      %add3A_603 = arith.addi %mul3A_600, %add3A_602 : vector<16xi32>
      %gather3A_604 = tpu.vector_load_idx %arg10[%add3A_597, %add3A_603] : memref<128x16xf32, #tpu.memory_space<vmem>>[vector<16xi32>, vector<16xi32>], vector<16xf32>,
      %add3A_605 = arith.constant 0 : i32
      %add3A_606 = vector.broadcast %add3A_605 : i32 to vector<16xi32>
      %add3A_607 = arith.addi %mul3A_594, %add3A_606 : vector<16xi32>
      tpu.vector_store_idx %arg11[%add3A_607], %gather3A_604 {add = true} : memref<40000xf32, #tpu.memory_space<vmem>>[vector<16xi32>], vector<16xf32>,
      %mul3A_608 = arith.constant 0 : i32
      %mul3A_609 = vector.broadcast %mul3A_608 : i32 to vector<16xi32>
      %mul3A_610 = arith.muli %iota3A, %mul3A_609 : vector<16xi32>
      %add3A_611 = arith.constant 1 : i32
      %add3A_612 = vector.broadcast %add3A_611 : i32 to vector<16xi32>
      %add3A_613 = arith.addi %mul3A_610, %add3A_612 : vector<16xi32>
      %gather3A_614 = tpu.vector_load_idx %arg10[%add3A_597, %add3A_613] : memref<128x16xf32, #tpu.memory_space<vmem>>[vector<16xi32>, vector<16xi32>], vector<16xf32>,
      %add3A_615 = arith.constant 1 : i32
      %add3A_616 = vector.broadcast %add3A_615 : i32 to vector<16xi32>
      %add3A_617 = arith.addi %mul3A_594, %add3A_616 : vector<16xi32>
      tpu.vector_store_idx %arg11[%add3A_617], %gather3A_614 {add = true} : memref<40000xf32, #tpu.memory_space<vmem>>[vector<16xi32>], vector<16xf32>,
      %mul3A_618 = arith.constant 0 : i32
      %mul3A_619 = vector.broadcast %mul3A_618 : i32 to vector<16xi32>
      %mul3A_620 = arith.muli %iota3A, %mul3A_619 : vector<16xi32>
      %add3A_621 = arith.constant 2 : i32
      %add3A_622 = vector.broadcast %add3A_621 : i32 to vector<16xi32>
      %add3A_623 = arith.addi %mul3A_620, %add3A_622 : vector<16xi32>
      %gather3A_624 = tpu.vector_load_idx %arg10[%add3A_597, %add3A_623] : memref<128x16xf32, #tpu.memory_space<vmem>>[vector<16xi32>, vector<16xi32>], vector<16xf32>,
      %add3A_625 = arith.constant 2 : i32
      %add3A_626 = vector.broadcast %add3A_625 : i32 to vector<16xi32>
      %add3A_627 = arith.addi %mul3A_594, %add3A_626 : vector<16xi32>
      tpu.vector_store_idx %arg11[%add3A_627], %gather3A_624 {add = true} : memref<40000xf32, #tpu.memory_space<vmem>>[vector<16xi32>], vector<16xf32>,
      %get3A_628 = arith.constant 0 : i32
      %get3A_629 = arith.index_cast %add3A_381 : i32 to index
      %get3A_630 = arith.index_cast %get3A_628 : i32 to index
      %get3A_631 = arith.constant 96 : index
      %get3A_632 = tpu.vector_load %arg8[%get3A_629, %get3A_630, %get3A_631] {strides = array<i32>} : memref<80x1x128xi32, #tpu.memory_space<vmem>>, vector<16xi32>,
      %mul3A_633 = arith.constant 4 : i32
      %mul3A_634 = vector.broadcast %mul3A_633 : i32 to vector<16xi32>
      %mul3A_635 = arith.muli %get3A_632, %mul3A_634 : vector<16xi32>
      %add3A_636 = arith.constant 96 : i32
      %add3A_637 = vector.broadcast %add3A_636 : i32 to vector<16xi32>
      %add3A_638 = arith.addi %iota3A, %add3A_637 : vector<16xi32>
      %mul3A_639 = arith.constant 0 : i32
      %mul3A_640 = vector.broadcast %mul3A_639 : i32 to vector<16xi32>
      %mul3A_641 = arith.muli %iota3A, %mul3A_640 : vector<16xi32>
      %add3A_642 = arith.constant 0 : i32
      %add3A_643 = vector.broadcast %add3A_642 : i32 to vector<16xi32>
      %add3A_644 = arith.addi %mul3A_641, %add3A_643 : vector<16xi32>
      %gather3A_645 = tpu.vector_load_idx %arg10[%add3A_638, %add3A_644] : memref<128x16xf32, #tpu.memory_space<vmem>>[vector<16xi32>, vector<16xi32>], vector<16xf32>,
      %add3A_646 = arith.constant 0 : i32
      %add3A_647 = vector.broadcast %add3A_646 : i32 to vector<16xi32>
      %add3A_648 = arith.addi %mul3A_635, %add3A_647 : vector<16xi32>
      tpu.vector_store_idx %arg11[%add3A_648], %gather3A_645 {add = true} : memref<40000xf32, #tpu.memory_space<vmem>>[vector<16xi32>], vector<16xf32>,
      %mul3A_649 = arith.constant 0 : i32
      %mul3A_650 = vector.broadcast %mul3A_649 : i32 to vector<16xi32>
      %mul3A_651 = arith.muli %iota3A, %mul3A_650 : vector<16xi32>
      %add3A_652 = arith.constant 1 : i32
      %add3A_653 = vector.broadcast %add3A_652 : i32 to vector<16xi32>
      %add3A_654 = arith.addi %mul3A_651, %add3A_653 : vector<16xi32>
      %gather3A_655 = tpu.vector_load_idx %arg10[%add3A_638, %add3A_654] : memref<128x16xf32, #tpu.memory_space<vmem>>[vector<16xi32>, vector<16xi32>], vector<16xf32>,
      %add3A_656 = arith.constant 1 : i32
      %add3A_657 = vector.broadcast %add3A_656 : i32 to vector<16xi32>
      %add3A_658 = arith.addi %mul3A_635, %add3A_657 : vector<16xi32>
      tpu.vector_store_idx %arg11[%add3A_658], %gather3A_655 {add = true} : memref<40000xf32, #tpu.memory_space<vmem>>[vector<16xi32>], vector<16xf32>,
      %mul3A_659 = arith.constant 0 : i32
      %mul3A_660 = vector.broadcast %mul3A_659 : i32 to vector<16xi32>
      %mul3A_661 = arith.muli %iota3A, %mul3A_660 : vector<16xi32>
      %add3A_662 = arith.constant 2 : i32
      %add3A_663 = vector.broadcast %add3A_662 : i32 to vector<16xi32>
      %add3A_664 = arith.addi %mul3A_661, %add3A_663 : vector<16xi32>
      %gather3A_665 = tpu.vector_load_idx %arg10[%add3A_638, %add3A_664] : memref<128x16xf32, #tpu.memory_space<vmem>>[vector<16xi32>, vector<16xi32>], vector<16xf32>,
      %add3A_666 = arith.constant 2 : i32
      %add3A_667 = vector.broadcast %add3A_666 : i32 to vector<16xi32>
      %add3A_668 = arith.addi %mul3A_635, %add3A_667 : vector<16xi32>
      tpu.vector_store_idx %arg11[%add3A_668], %gather3A_665 {add = true} : memref<40000xf32, #tpu.memory_space<vmem>>[vector<16xi32>], vector<16xf32>,
      %get3A_669 = arith.constant 0 : i32
      %get3A_670 = arith.index_cast %add3A_381 : i32 to index
      %get3A_671 = arith.index_cast %get3A_669 : i32 to index
      %get3A_672 = arith.constant 112 : index
      %get3A_673 = tpu.vector_load %arg8[%get3A_670, %get3A_671, %get3A_672] {strides = array<i32>} : memref<80x1x128xi32, #tpu.memory_space<vmem>>, vector<16xi32>,
      %mul3A_674 = arith.constant 4 : i32
      %mul3A_675 = vector.broadcast %mul3A_674 : i32 to vector<16xi32>
      %mul3A_676 = arith.muli %get3A_673, %mul3A_675 : vector<16xi32>
      %add3A_677 = arith.constant 112 : i32
      %add3A_678 = vector.broadcast %add3A_677 : i32 to vector<16xi32>
      %add3A_679 = arith.addi %iota3A, %add3A_678 : vector<16xi32>
      %mul3A_680 = arith.constant 0 : i32
      %mul3A_681 = vector.broadcast %mul3A_680 : i32 to vector<16xi32>
      %mul3A_682 = arith.muli %iota3A, %mul3A_681 : vector<16xi32>
      %add3A_683 = arith.constant 0 : i32
      %add3A_684 = vector.broadcast %add3A_683 : i32 to vector<16xi32>
      %add3A_685 = arith.addi %mul3A_682, %add3A_684 : vector<16xi32>
      %gather3A_686 = tpu.vector_load_idx %arg10[%add3A_679, %add3A_685] : memref<128x16xf32, #tpu.memory_space<vmem>>[vector<16xi32>, vector<16xi32>], vector<16xf32>,
      %add3A_687 = arith.constant 0 : i32
      %add3A_688 = vector.broadcast %add3A_687 : i32 to vector<16xi32>
      %add3A_689 = arith.addi %mul3A_676, %add3A_688 : vector<16xi32>
      tpu.vector_store_idx %arg11[%add3A_689], %gather3A_686 {add = true} : memref<40000xf32, #tpu.memory_space<vmem>>[vector<16xi32>], vector<16xf32>,
      %mul3A_690 = arith.constant 0 : i32
      %mul3A_691 = vector.broadcast %mul3A_690 : i32 to vector<16xi32>
      %mul3A_692 = arith.muli %iota3A, %mul3A_691 : vector<16xi32>
      %add3A_693 = arith.constant 1 : i32
      %add3A_694 = vector.broadcast %add3A_693 : i32 to vector<16xi32>
      %add3A_695 = arith.addi %mul3A_692, %add3A_694 : vector<16xi32>
      %gather3A_696 = tpu.vector_load_idx %arg10[%add3A_679, %add3A_695] : memref<128x16xf32, #tpu.memory_space<vmem>>[vector<16xi32>, vector<16xi32>], vector<16xf32>,
      %add3A_697 = arith.constant 1 : i32
      %add3A_698 = vector.broadcast %add3A_697 : i32 to vector<16xi32>
      %add3A_699 = arith.addi %mul3A_676, %add3A_698 : vector<16xi32>
      tpu.vector_store_idx %arg11[%add3A_699], %gather3A_696 {add = true} : memref<40000xf32, #tpu.memory_space<vmem>>[vector<16xi32>], vector<16xf32>,
      %mul3A_700 = arith.constant 0 : i32
      %mul3A_701 = vector.broadcast %mul3A_700 : i32 to vector<16xi32>
      %mul3A_702 = arith.muli %iota3A, %mul3A_701 : vector<16xi32>
      %add3A_703 = arith.constant 2 : i32
      %add3A_704 = vector.broadcast %add3A_703 : i32 to vector<16xi32>
      %add3A_705 = arith.addi %mul3A_702, %add3A_704 : vector<16xi32>
      %gather3A_706 = tpu.vector_load_idx %arg10[%add3A_679, %add3A_705] : memref<128x16xf32, #tpu.memory_space<vmem>>[vector<16xi32>, vector<16xi32>], vector<16xf32>,
      %add3A_707 = arith.constant 2 : i32
      %add3A_708 = vector.broadcast %add3A_707 : i32 to vector<16xi32>
      %add3A_709 = arith.addi %mul3A_676, %add3A_708 : vector<16xi32>
      tpu.vector_store_idx %arg11[%add3A_709], %gather3A_706 {add = true} : memref<40000xf32, #tpu.memory_space<vmem>>[vector<16xi32>], vector<16xf32>,
    }
    %scan3A_26 = arith.constant 20 : i32
    "tpu.region"() ({
      %run_scoped3A = tpu.sem_alloc : memref<!tpu.dma_semaphore, #tpu.memory_space<semaphore_mem>>
      %dma_start3A_27 = arith.constant 0 : i32
      %dma_start3A_28 = tpu.memref_slice %arg7[%add3A, %dma_start3A_27] : memref<32x40000xf32, #tpu.memory_space<hbm>> -> memref<1x40000xf32, #tpu.memory_space<hbm>>
      %dma_start3A_29 = tpu.memref_squeeze %dma_start3A_28 : memref<1x40000xf32, #tpu.memory_space<hbm>> -> memref<40000xf32, #tpu.memory_space<hbm>>
      %dma_start3A_30 = arith.constant 0 : i32
      %dma_start3A_31 = tpu.memref_slice %arg7[%add3A, %dma_start3A_30] : memref<32x40000xf32, #tpu.memory_space<hbm>> -> memref<1x40000xf32, #tpu.memory_space<hbm>>
      %dma_start3A_32 = tpu.memref_squeeze %dma_start3A_31 : memref<1x40000xf32, #tpu.memory_space<hbm>> -> memref<40000xf32, #tpu.memory_space<hbm>>
      tpu.enqueue_dma source(%arg11 : memref<40000xf32, #tpu.memory_space<vmem>>) target(%dma_start3A_32 : memref<40000xf32, #tpu.memory_space<hbm>>) target_semaphore(%run_scoped3A : memref<!tpu.dma_semaphore, #tpu.memory_space<semaphore_mem>>)
      %dma_wait3A = arith.constant 0 : i32
      %dma_wait3A_33 = tpu.memref_slice %arg7[%add3A, %dma_wait3A] : memref<32x40000xf32, #tpu.memory_space<hbm>> -> memref<1x40000xf32, #tpu.memory_space<hbm>>
      %dma_wait3A_34 = tpu.memref_squeeze %dma_wait3A_33 : memref<1x40000xf32, #tpu.memory_space<hbm>> -> memref<40000xf32, #tpu.memory_space<hbm>>
      %dma_wait3A_35 = arith.constant 0 : i32
      %dma_wait3A_36 = tpu.memref_slice %arg7[%add3A, %dma_wait3A_35] : memref<32x40000xf32, #tpu.memory_space<hbm>> -> memref<1x40000xf32, #tpu.memory_space<hbm>>
      %dma_wait3A_37 = tpu.memref_squeeze %dma_wait3A_36 : memref<1x40000xf32, #tpu.memory_space<hbm>> -> memref<40000xf32, #tpu.memory_space<hbm>>
      tpu.wait_dma2 semaphore(%run_scoped3A : memref<!tpu.dma_semaphore, #tpu.memory_space<semaphore_mem>>) src(%arg11 : memref<40000xf32, #tpu.memory_space<vmem>>) dst(%dma_wait3A_37 : memref<40000xf32, #tpu.memory_space<hbm>>)
      tpu.yield
    }) : () -> ()
    return
  }
}

module attributes {stable_mosaic.version = 14 : i64} {
  func.func @_tables_body(%arg0: i32, %arg1: memref<1000x128xf32, #tpu.memory_space<vmem>>, %arg2: memref<1000x4xf32, #tpu.memory_space<vmem>>, %arg3: memref<4x128x16xf32, #tpu.memory_space<vmem>>, %arg4: memref<4x1x16xf32, #tpu.memory_space<vmem>>, %arg5: memref<4x16x16xf32, #tpu.memory_space<vmem>>, %arg6: memref<4x1x16xf32, #tpu.memory_space<vmem>>, %arg7: memref<1000x128xf32, #tpu.memory_space<vmem>>, %arg8: memref<1000x128xf32, #tpu.memory_space<vmem>>) attributes {dimension_semantics = [#tpu.dimension_semantics<arbitrary>], iteration_bounds = array<i64: 10>, scalar_prefetch = 0 : i64, scratch_operands = 0 : i64, tpu.core_type = #tpu.core_type<tc>, window_params = [{transform_indices = @transform_0, window_bounds = array<i64: 1000, 128>}, {transform_indices = @transform_1, window_bounds = array<i64: 1000, 4>}, {pipeline_mode = #tpu.pipeline_mode<synchronous>, transform_indices = @transform_2, window_bounds = array<i64: 4, 128, 16>}, {pipeline_mode = #tpu.pipeline_mode<synchronous>, transform_indices = @transform_3, window_bounds = array<i64: 4, 1, 16>}, {pipeline_mode = #tpu.pipeline_mode<synchronous>, transform_indices = @transform_4, window_bounds = array<i64: 4, 16, 16>}, {pipeline_mode = #tpu.pipeline_mode<synchronous>, transform_indices = @transform_5, window_bounds = array<i64: 4, 1, 16>}, {transform_indices = @transform_6, window_bounds = array<i64: 1000, 128>}, {transform_indices = @transform_7, window_bounds = array<i64: 1000, 128>}]} {
    %get3A = arith.constant 0 : index
    %get3A_0 = arith.constant 0 : index
    %get3A_1 = vector.load %arg1[%get3A, %get3A_0] : memref<1000x128xf32, #tpu.memory_space<vmem>>, vector<1000x128xf32>
    %get3A_2 = arith.constant 0 : index
    %get3A_3 = arith.constant 0 : index
    %get3A_4 = arith.constant 0 : index
    %get3A_5 = vector.load %arg3[%get3A_2, %get3A_3, %get3A_4] : memref<4x128x16xf32, #tpu.memory_space<vmem>>, vector<1x128x16xf32>
    %get3A_6 = vector.shape_cast %get3A_5 : vector<1x128x16xf32> to vector<128x16xf32>
    %dot_general3A = arith.constant dense<0.000000e+00> : vector<1000x16xf32>
    %dot_general3A_7 = tpu.matmul %get3A_1, %get3A_6, %dot_general3A {dimension_numbers = #tpu.dot_dimension_numbers<[1], [0], [0], [1], [0, 0, 1, 1], [], []>, transpose_lhs_hint = false} : vector<1000x128xf32>, vector<128x16xf32>, vector<1000x16xf32> -> vector<1000x16xf32>
    %get3A_8 = arith.constant 0 : index
    %get3A_9 = arith.constant 0 : index
    %get3A_10 = arith.constant 0 : index
    %get3A_11 = vector.load %arg4[%get3A_8, %get3A_9, %get3A_10] : memref<4x1x16xf32, #tpu.memory_space<vmem>>, vector<1x1x16xf32>
    %get3A_12 = vector.shape_cast %get3A_11 : vector<1x1x16xf32> to vector<1x16xf32>
    %add3A = vector.broadcast %get3A_12 : vector<1x16xf32> to vector<1000x16xf32>
    %add3A_13 = arith.addf %dot_general3A_7, %add3A : vector<1000x16xf32>
    %max3A = arith.constant 0.000000e+00 : f32
    %max3A_14 = vector.broadcast %max3A : f32 to vector<1000x16xf32>
    %max3A_15 = arith.maximumf %add3A_13, %max3A_14 : vector<1000x16xf32>
    %get3A_16 = arith.constant 0 : index
    %get3A_17 = arith.constant 0 : index
    %get3A_18 = arith.constant 0 : index
    %get3A_19 = vector.load %arg5[%get3A_16, %get3A_17, %get3A_18] : memref<4x16x16xf32, #tpu.memory_space<vmem>>, vector<1x16x16xf32>
    %get3A_20 = vector.shape_cast %get3A_19 : vector<1x16x16xf32> to vector<16x16xf32>
    %dot_general3A_21 = arith.constant dense<0.000000e+00> : vector<1000x16xf32>
    %dot_general3A_22 = tpu.matmul %max3A_15, %get3A_20, %dot_general3A_21 {dimension_numbers = #tpu.dot_dimension_numbers<[1], [0], [0], [1], [0, 0, 1, 1], [], []>, transpose_lhs_hint = false} : vector<1000x16xf32>, vector<16x16xf32>, vector<1000x16xf32> -> vector<1000x16xf32>
    %get3A_23 = arith.constant 0 : index
    %get3A_24 = arith.constant 0 : index
    %get3A_25 = arith.constant 0 : index
    %get3A_26 = vector.load %arg6[%get3A_23, %get3A_24, %get3A_25] : memref<4x1x16xf32, #tpu.memory_space<vmem>>, vector<1x1x16xf32>
    %get3A_27 = vector.shape_cast %get3A_26 : vector<1x1x16xf32> to vector<1x16xf32>
    %add3A_28 = vector.broadcast %get3A_27 : vector<1x16xf32> to vector<1000x16xf32>
    %add3A_29 = arith.addf %dot_general3A_22, %add3A_28 : vector<1000x16xf32>
    %get3A_30 = arith.constant 1 : index
    %get3A_31 = arith.constant 0 : index
    %get3A_32 = arith.constant 0 : index
    %get3A_33 = vector.load %arg3[%get3A_30, %get3A_31, %get3A_32] : memref<4x128x16xf32, #tpu.memory_space<vmem>>, vector<1x128x16xf32>
    %get3A_34 = vector.shape_cast %get3A_33 : vector<1x128x16xf32> to vector<128x16xf32>
    %dot_general3A_35 = arith.constant dense<0.000000e+00> : vector<1000x16xf32>
    %dot_general3A_36 = tpu.matmul %get3A_1, %get3A_34, %dot_general3A_35 {dimension_numbers = #tpu.dot_dimension_numbers<[1], [0], [0], [1], [0, 0, 1, 1], [], []>, transpose_lhs_hint = false} : vector<1000x128xf32>, vector<128x16xf32>, vector<1000x16xf32> -> vector<1000x16xf32>
    %get3A_37 = arith.constant 1 : index
    %get3A_38 = arith.constant 0 : index
    %get3A_39 = arith.constant 0 : index
    %get3A_40 = vector.load %arg4[%get3A_37, %get3A_38, %get3A_39] : memref<4x1x16xf32, #tpu.memory_space<vmem>>, vector<1x1x16xf32>
    %get3A_41 = vector.shape_cast %get3A_40 : vector<1x1x16xf32> to vector<1x16xf32>
    %add3A_42 = vector.broadcast %get3A_41 : vector<1x16xf32> to vector<1000x16xf32>
    %add3A_43 = arith.addf %dot_general3A_36, %add3A_42 : vector<1000x16xf32>
    %max3A_44 = arith.constant 0.000000e+00 : f32
    %max3A_45 = vector.broadcast %max3A_44 : f32 to vector<1000x16xf32>
    %max3A_46 = arith.maximumf %add3A_43, %max3A_45 : vector<1000x16xf32>
    %get3A_47 = arith.constant 1 : index
    %get3A_48 = arith.constant 0 : index
    %get3A_49 = arith.constant 0 : index
    %get3A_50 = vector.load %arg5[%get3A_47, %get3A_48, %get3A_49] : memref<4x16x16xf32, #tpu.memory_space<vmem>>, vector<1x16x16xf32>
    %get3A_51 = vector.shape_cast %get3A_50 : vector<1x16x16xf32> to vector<16x16xf32>
    %dot_general3A_52 = arith.constant dense<0.000000e+00> : vector<1000x16xf32>
    %dot_general3A_53 = tpu.matmul %max3A_46, %get3A_51, %dot_general3A_52 {dimension_numbers = #tpu.dot_dimension_numbers<[1], [0], [0], [1], [0, 0, 1, 1], [], []>, transpose_lhs_hint = false} : vector<1000x16xf32>, vector<16x16xf32>, vector<1000x16xf32> -> vector<1000x16xf32>
    %get3A_54 = arith.constant 1 : index
    %get3A_55 = arith.constant 0 : index
    %get3A_56 = arith.constant 0 : index
    %get3A_57 = vector.load %arg6[%get3A_54, %get3A_55, %get3A_56] : memref<4x1x16xf32, #tpu.memory_space<vmem>>, vector<1x1x16xf32>
    %get3A_58 = vector.shape_cast %get3A_57 : vector<1x1x16xf32> to vector<1x16xf32>
    %add3A_59 = vector.broadcast %get3A_58 : vector<1x16xf32> to vector<1000x16xf32>
    %add3A_60 = arith.addf %dot_general3A_53, %add3A_59 : vector<1000x16xf32>
    %get3A_61 = arith.constant 2 : index
    %get3A_62 = arith.constant 0 : index
    %get3A_63 = arith.constant 0 : index
    %get3A_64 = vector.load %arg3[%get3A_61, %get3A_62, %get3A_63] : memref<4x128x16xf32, #tpu.memory_space<vmem>>, vector<1x128x16xf32>
    %get3A_65 = vector.shape_cast %get3A_64 : vector<1x128x16xf32> to vector<128x16xf32>
    %dot_general3A_66 = arith.constant dense<0.000000e+00> : vector<1000x16xf32>
    %dot_general3A_67 = tpu.matmul %get3A_1, %get3A_65, %dot_general3A_66 {dimension_numbers = #tpu.dot_dimension_numbers<[1], [0], [0], [1], [0, 0, 1, 1], [], []>, transpose_lhs_hint = false} : vector<1000x128xf32>, vector<128x16xf32>, vector<1000x16xf32> -> vector<1000x16xf32>
    %get3A_68 = arith.constant 2 : index
    %get3A_69 = arith.constant 0 : index
    %get3A_70 = arith.constant 0 : index
    %get3A_71 = vector.load %arg4[%get3A_68, %get3A_69, %get3A_70] : memref<4x1x16xf32, #tpu.memory_space<vmem>>, vector<1x1x16xf32>
    %get3A_72 = vector.shape_cast %get3A_71 : vector<1x1x16xf32> to vector<1x16xf32>
    %add3A_73 = vector.broadcast %get3A_72 : vector<1x16xf32> to vector<1000x16xf32>
    %add3A_74 = arith.addf %dot_general3A_67, %add3A_73 : vector<1000x16xf32>
    %max3A_75 = arith.constant 0.000000e+00 : f32
    %max3A_76 = vector.broadcast %max3A_75 : f32 to vector<1000x16xf32>
    %max3A_77 = arith.maximumf %add3A_74, %max3A_76 : vector<1000x16xf32>
    %get3A_78 = arith.constant 2 : index
    %get3A_79 = arith.constant 0 : index
    %get3A_80 = arith.constant 0 : index
    %get3A_81 = vector.load %arg5[%get3A_78, %get3A_79, %get3A_80] : memref<4x16x16xf32, #tpu.memory_space<vmem>>, vector<1x16x16xf32>
    %get3A_82 = vector.shape_cast %get3A_81 : vector<1x16x16xf32> to vector<16x16xf32>
    %dot_general3A_83 = arith.constant dense<0.000000e+00> : vector<1000x16xf32>
    %dot_general3A_84 = tpu.matmul %max3A_77, %get3A_82, %dot_general3A_83 {dimension_numbers = #tpu.dot_dimension_numbers<[1], [0], [0], [1], [0, 0, 1, 1], [], []>, transpose_lhs_hint = false} : vector<1000x16xf32>, vector<16x16xf32>, vector<1000x16xf32> -> vector<1000x16xf32>
    %get3A_85 = arith.constant 2 : index
    %get3A_86 = arith.constant 0 : index
    %get3A_87 = arith.constant 0 : index
    %get3A_88 = vector.load %arg6[%get3A_85, %get3A_86, %get3A_87] : memref<4x1x16xf32, #tpu.memory_space<vmem>>, vector<1x1x16xf32>
    %get3A_89 = vector.shape_cast %get3A_88 : vector<1x1x16xf32> to vector<1x16xf32>
    %add3A_90 = vector.broadcast %get3A_89 : vector<1x16xf32> to vector<1000x16xf32>
    %add3A_91 = arith.addf %dot_general3A_84, %add3A_90 : vector<1000x16xf32>
    %get3A_92 = arith.constant 3 : index
    %get3A_93 = arith.constant 0 : index
    %get3A_94 = arith.constant 0 : index
    %get3A_95 = vector.load %arg3[%get3A_92, %get3A_93, %get3A_94] : memref<4x128x16xf32, #tpu.memory_space<vmem>>, vector<1x128x16xf32>
    %get3A_96 = vector.shape_cast %get3A_95 : vector<1x128x16xf32> to vector<128x16xf32>
    %dot_general3A_97 = arith.constant dense<0.000000e+00> : vector<1000x16xf32>
    %dot_general3A_98 = tpu.matmul %get3A_1, %get3A_96, %dot_general3A_97 {dimension_numbers = #tpu.dot_dimension_numbers<[1], [0], [0], [1], [0, 0, 1, 1], [], []>, transpose_lhs_hint = false} : vector<1000x128xf32>, vector<128x16xf32>, vector<1000x16xf32> -> vector<1000x16xf32>
    %get3A_99 = arith.constant 3 : index
    %get3A_100 = arith.constant 0 : index
    %get3A_101 = arith.constant 0 : index
    %get3A_102 = vector.load %arg4[%get3A_99, %get3A_100, %get3A_101] : memref<4x1x16xf32, #tpu.memory_space<vmem>>, vector<1x1x16xf32>
    %get3A_103 = vector.shape_cast %get3A_102 : vector<1x1x16xf32> to vector<1x16xf32>
    %add3A_104 = vector.broadcast %get3A_103 : vector<1x16xf32> to vector<1000x16xf32>
    %add3A_105 = arith.addf %dot_general3A_98, %add3A_104 : vector<1000x16xf32>
    %max3A_106 = arith.constant 0.000000e+00 : f32
    %max3A_107 = vector.broadcast %max3A_106 : f32 to vector<1000x16xf32>
    %max3A_108 = arith.maximumf %add3A_105, %max3A_107 : vector<1000x16xf32>
    %get3A_109 = arith.constant 3 : index
    %get3A_110 = arith.constant 0 : index
    %get3A_111 = arith.constant 0 : index
    %get3A_112 = vector.load %arg5[%get3A_109, %get3A_110, %get3A_111] : memref<4x16x16xf32, #tpu.memory_space<vmem>>, vector<1x16x16xf32>
    %get3A_113 = vector.shape_cast %get3A_112 : vector<1x16x16xf32> to vector<16x16xf32>
    %dot_general3A_114 = arith.constant dense<0.000000e+00> : vector<1000x16xf32>
    %dot_general3A_115 = tpu.matmul %max3A_108, %get3A_113, %dot_general3A_114 {dimension_numbers = #tpu.dot_dimension_numbers<[1], [0], [0], [1], [0, 0, 1, 1], [], []>, transpose_lhs_hint = false} : vector<1000x16xf32>, vector<16x16xf32>, vector<1000x16xf32> -> vector<1000x16xf32>
    %get3A_116 = arith.constant 3 : index
    %get3A_117 = arith.constant 0 : index
    %get3A_118 = arith.constant 0 : index
    %get3A_119 = vector.load %arg6[%get3A_116, %get3A_117, %get3A_118] : memref<4x1x16xf32, #tpu.memory_space<vmem>>, vector<1x1x16xf32>
    %get3A_120 = vector.shape_cast %get3A_119 : vector<1x1x16xf32> to vector<1x16xf32>
    %add3A_121 = vector.broadcast %get3A_120 : vector<1x16xf32> to vector<1000x16xf32>
    %add3A_122 = arith.addf %dot_general3A_115, %add3A_121 : vector<1000x16xf32>
    %get3A_123 = arith.constant 0 : index
    %get3A_124 = arith.constant 0 : index
    %get3A_125 = vector.load %arg2[%get3A_123, %get3A_124] : memref<1000x4xf32, #tpu.memory_space<vmem>>, vector<1000x3xf32>
    %get3A_126 = arith.constant 0 : index
    %get3A_127 = arith.constant 3 : index
    %get3A_128 = vector.load %arg2[%get3A_126, %get3A_127] : memref<1000x4xf32, #tpu.memory_space<vmem>>, vector<1000x1xf32>
    %broadcast_in_dim3A = arith.constant 0.000000e+00 : f32
    %broadcast_in_dim3A_129 = vector.broadcast %broadcast_in_dim3A : f32 to vector<1000x92xf32>
    %concatenate3A = tpu.concatenate %add3A_29, %add3A_60, %get3A_125, %get3A_128, %broadcast_in_dim3A_129 in 1 : vector<1000x16xf32>, vector<1000x16xf32>, vector<1000x3xf32>, vector<1000x1xf32>, vector<1000x92xf32> -> vector<1000x128xf32>
    %swap3A = arith.constant 0 : index
    %swap3A_130 = arith.constant 0 : index
    %swap3A_131 = vector.load %arg7[%swap3A, %swap3A_130] : memref<1000x128xf32, #tpu.memory_space<vmem>>, vector<1000x128xf32>
    tpu.vector_store %arg7[%swap3A, %swap3A_130], %concatenate3A {strides = array<i32>} : memref<1000x128xf32, #tpu.memory_space<vmem>>, vector<1000x128xf32>,
    %concatenate3A_132 = tpu.concatenate %add3A_91, %add3A_122, %get3A_125, %get3A_128, %broadcast_in_dim3A_129 in 1 : vector<1000x16xf32>, vector<1000x16xf32>, vector<1000x3xf32>, vector<1000x1xf32>, vector<1000x92xf32> -> vector<1000x128xf32>
    %swap3A_133 = arith.constant 0 : index
    %swap3A_134 = arith.constant 0 : index
    %swap3A_135 = vector.load %arg8[%swap3A_133, %swap3A_134] : memref<1000x128xf32, #tpu.memory_space<vmem>>, vector<1000x128xf32>
    tpu.vector_store %arg8[%swap3A_133, %swap3A_134], %concatenate3A_132 {strides = array<i32>} : memref<1000x128xf32, #tpu.memory_space<vmem>>, vector<1000x128xf32>,
    return
  }
  func.func @transform_0(%arg0: i32) -> (i32, i32) {
    %c0_i32 = arith.constant 0 : i32
    %c0_i32_0 = arith.constant 0 : i32
    return %arg0, %c0_i32 : i32, i32
  }
  func.func @transform_1(%arg0: i32) -> (i32, i32) {
    %c0_i32 = arith.constant 0 : i32
    %c0_i32_0 = arith.constant 0 : i32
    return %arg0, %c0_i32 : i32, i32
  }
  func.func @transform_2(%arg0: i32) -> (i32, i32, i32) {
    %c0_i32 = arith.constant 0 : i32
    %c0_i32_0 = arith.constant 0 : i32
    %c0_i32_1 = arith.constant 0 : i32
    %c0_i32_2 = arith.constant 0 : i32
    return %c0_i32, %c0_i32_0, %c0_i32_1 : i32, i32, i32
  }
  func.func @transform_3(%arg0: i32) -> (i32, i32, i32) {
    %c0_i32 = arith.constant 0 : i32
    %c0_i32_0 = arith.constant 0 : i32
    %c0_i32_1 = arith.constant 0 : i32
    %c0_i32_2 = arith.constant 0 : i32
    return %c0_i32, %c0_i32_0, %c0_i32_1 : i32, i32, i32
  }
  func.func @transform_4(%arg0: i32) -> (i32, i32, i32) {
    %c0_i32 = arith.constant 0 : i32
    %c0_i32_0 = arith.constant 0 : i32
    %c0_i32_1 = arith.constant 0 : i32
    %c0_i32_2 = arith.constant 0 : i32
    return %c0_i32, %c0_i32_0, %c0_i32_1 : i32, i32, i32
  }
  func.func @transform_5(%arg0: i32) -> (i32, i32, i32) {
    %c0_i32 = arith.constant 0 : i32
    %c0_i32_0 = arith.constant 0 : i32
    %c0_i32_1 = arith.constant 0 : i32
    %c0_i32_2 = arith.constant 0 : i32
    return %c0_i32, %c0_i32_0, %c0_i32_1 : i32, i32, i32
  }
  func.func @transform_6(%arg0: i32) -> (i32, i32) {
    %c0_i32 = arith.constant 0 : i32
    %c0_i32_0 = arith.constant 0 : i32
    return %arg0, %c0_i32 : i32, i32
  }
  func.func @transform_7(%arg0: i32) -> (i32, i32) {
    %c0_i32 = arith.constant 0 : i32
    %c0_i32_0 = arith.constant 0 : i32
    return %arg0, %c0_i32 : i32, i32
  }
}

module attributes {stable_mosaic.version = 14 : i64} {
  func.func @_dense_body(%arg0: i32, %arg1: memref<1024x32xf32, #tpu.memory_space<vmem>>, %arg2: memref<1024x16xf32, #tpu.memory_space<vmem>>, %arg3: memref<16x128xf32, #tpu.memory_space<vmem>>, %arg4: memref<16x128xf32, #tpu.memory_space<vmem>>, %arg5: memref<128x128xf32, #tpu.memory_space<vmem>>, %arg6: memref<1x128xf32, #tpu.memory_space<vmem>>, %arg7: memref<128x8xf32, #tpu.memory_space<vmem>>, %arg8: memref<1x8xf32, #tpu.memory_space<vmem>>, %arg9: memref<1024x16xf32, #tpu.memory_space<vmem>>) attributes {dimension_semantics = [#tpu.dimension_semantics<arbitrary>], iteration_bounds = array<i64: 320>, scalar_prefetch = 0 : i64, scratch_operands = 0 : i64, tpu.core_type = #tpu.core_type<tc>, window_params = [{transform_indices = @transform_0, window_bounds = array<i64: 1024, 32>}, {transform_indices = @transform_1, window_bounds = array<i64: 1024, 16>}, {pipeline_mode = #tpu.pipeline_mode<synchronous>, transform_indices = @transform_2, window_bounds = array<i64: 16, 128>}, {pipeline_mode = #tpu.pipeline_mode<synchronous>, transform_indices = @transform_3, window_bounds = array<i64: 16, 128>}, {pipeline_mode = #tpu.pipeline_mode<synchronous>, transform_indices = @transform_4, window_bounds = array<i64: 128, 128>}, {pipeline_mode = #tpu.pipeline_mode<synchronous>, transform_indices = @transform_5, window_bounds = array<i64: 1, 128>}, {pipeline_mode = #tpu.pipeline_mode<synchronous>, transform_indices = @transform_6, window_bounds = array<i64: 128, 8>}, {pipeline_mode = #tpu.pipeline_mode<synchronous>, transform_indices = @transform_7, window_bounds = array<i64: 1, 8>}, {transform_indices = @transform_8, window_bounds = array<i64: 1024, 16>}]} {
    %get3A = arith.constant 0 : index
    %get3A_0 = arith.constant 0 : index
    %get3A_1 = vector.load %arg1[%get3A, %get3A_0] : memref<1024x32xf32, #tpu.memory_space<vmem>>, vector<1024x32xf32>
    %slice3A = vector.extract_strided_slice %get3A_1 {offsets = [0, 0], sizes = [1024, 16], strides = [1, 1]} : vector<1024x32xf32> to vector<1024x16xf32>
    %get3A_2 = arith.constant 0 : index
    %get3A_3 = arith.constant 0 : index
    %get3A_4 = vector.load %arg2[%get3A_2, %get3A_3] : memref<1024x16xf32, #tpu.memory_space<vmem>>, vector<1024x16xf32>
    %get3A_5 = arith.constant 0 : index
    %get3A_6 = arith.constant 0 : index
    %get3A_7 = vector.load %arg3[%get3A_5, %get3A_6] : memref<16x128xf32, #tpu.memory_space<vmem>>, vector<16x128xf32>
    %dot_general3A = arith.constant dense<0.000000e+00> : vector<1024x128xf32>
    %dot_general3A_8 = tpu.matmul %get3A_4, %get3A_7, %dot_general3A {dimension_numbers = #tpu.dot_dimension_numbers<[1], [0], [0], [1], [0, 0, 1, 1], [], []>, transpose_lhs_hint = false} : vector<1024x16xf32>, vector<16x128xf32>, vector<1024x128xf32> -> vector<1024x128xf32>
    %get3A_9 = arith.constant 0 : index
    %get3A_10 = arith.constant 0 : index
    %get3A_11 = vector.load %arg4[%get3A_9, %get3A_10] : memref<16x128xf32, #tpu.memory_space<vmem>>, vector<16x128xf32>
    %dot_general3A_12 = arith.constant dense<0.000000e+00> : vector<1024x128xf32>
    %dot_general3A_13 = tpu.matmul %slice3A, %get3A_11, %dot_general3A_12 {dimension_numbers = #tpu.dot_dimension_numbers<[1], [0], [0], [1], [0, 0, 1, 1], [], []>, transpose_lhs_hint = false} : vector<1024x16xf32>, vector<16x128xf32>, vector<1024x128xf32> -> vector<1024x128xf32>
    %mul3A = arith.mulf %dot_general3A_8, %dot_general3A_13 : vector<1024x128xf32>
    %get3A_14 = arith.constant 0 : index
    %get3A_15 = arith.constant 0 : index
    %get3A_16 = vector.load %arg5[%get3A_14, %get3A_15] : memref<128x128xf32, #tpu.memory_space<vmem>>, vector<128x128xf32>
    %dot_general3A_17 = arith.constant dense<0.000000e+00> : vector<1024x128xf32>
    %dot_general3A_18 = tpu.matmul %mul3A, %get3A_16, %dot_general3A_17 {dimension_numbers = #tpu.dot_dimension_numbers<[1], [0], [0], [1], [0, 0, 1, 1], [], []>, transpose_lhs_hint = false} : vector<1024x128xf32>, vector<128x128xf32>, vector<1024x128xf32> -> vector<1024x128xf32>
    %get3A_19 = arith.constant 0 : index
    %get3A_20 = arith.constant 0 : index
    %get3A_21 = vector.load %arg6[%get3A_19, %get3A_20] : memref<1x128xf32, #tpu.memory_space<vmem>>, vector<1x128xf32>
    %add3A = vector.broadcast %get3A_21 : vector<1x128xf32> to vector<1024x128xf32>
    %add3A_22 = arith.addf %dot_general3A_18, %add3A : vector<1024x128xf32>
    %max3A = arith.constant 0.000000e+00 : f32
    %max3A_23 = vector.broadcast %max3A : f32 to vector<1024x128xf32>
    %max3A_24 = arith.maximumf %add3A_22, %max3A_23 : vector<1024x128xf32>
    %get3A_25 = arith.constant 0 : index
    %get3A_26 = arith.constant 0 : index
    %get3A_27 = vector.load %arg7[%get3A_25, %get3A_26] : memref<128x8xf32, #tpu.memory_space<vmem>>, vector<128x8xf32>
    %dot_general3A_28 = arith.constant dense<0.000000e+00> : vector<1024x8xf32>
    %dot_general3A_29 = tpu.matmul %max3A_24, %get3A_27, %dot_general3A_28 {dimension_numbers = #tpu.dot_dimension_numbers<[1], [0], [0], [1], [0, 0, 1, 1], [], []>, transpose_lhs_hint = false} : vector<1024x128xf32>, vector<128x8xf32>, vector<1024x8xf32> -> vector<1024x8xf32>
    %get3A_30 = arith.constant 0 : index
    %get3A_31 = arith.constant 0 : index
    %get3A_32 = vector.load %arg8[%get3A_30, %get3A_31] : memref<1x8xf32, #tpu.memory_space<vmem>>, vector<1x8xf32>
    %add3A_33 = vector.broadcast %get3A_32 : vector<1x8xf32> to vector<1024x8xf32>
    %add3A_34 = arith.addf %dot_general3A_29, %add3A_33 : vector<1024x8xf32>
    %slice3A_35 = vector.extract_strided_slice %add3A_34 {offsets = [0, 0], sizes = [1024, 1], strides = [1, 1]} : vector<1024x8xf32> to vector<1024x1xf32>
    %slice3A_36 = vector.extract_strided_slice %get3A_1 {offsets = [0, 16], sizes = [1024, 3], strides = [1, 1]} : vector<1024x32xf32> to vector<1024x3xf32>
    %slice3A_37 = vector.extract_strided_slice %get3A_1 {offsets = [0, 19], sizes = [1024, 1], strides = [1, 1]} : vector<1024x32xf32> to vector<1024x1xf32>
    %mul3A_38 = arith.mulf %slice3A_35, %slice3A_37 : vector<1024x1xf32>
    %mul3A_39 = vector.broadcast %mul3A_38 : vector<1024x1xf32> to vector<1024x3xf32>
    %mul3A_40 = arith.mulf %mul3A_39, %slice3A_36 : vector<1024x3xf32>
    %broadcast_in_dim3A = arith.constant 0.000000e+00 : f32
    %broadcast_in_dim3A_41 = vector.broadcast %broadcast_in_dim3A : f32 to vector<1024x13xf32>
    %concatenate3A = tpu.concatenate %mul3A_40, %broadcast_in_dim3A_41 in 1 : vector<1024x3xf32>, vector<1024x13xf32> -> vector<1024x16xf32>
    %swap3A = arith.constant 0 : index
    %swap3A_42 = arith.constant 0 : index
    %swap3A_43 = vector.load %arg9[%swap3A, %swap3A_42] : memref<1024x16xf32, #tpu.memory_space<vmem>>, vector<1024x16xf32>
    tpu.vector_store %arg9[%swap3A, %swap3A_42], %concatenate3A {strides = array<i32>} : memref<1024x16xf32, #tpu.memory_space<vmem>>, vector<1024x16xf32>,
    return
  }
  func.func @transform_0(%arg0: i32) -> (i32, i32) {
    %c0_i32 = arith.constant 0 : i32
    %c0_i32_0 = arith.constant 0 : i32
    return %arg0, %c0_i32 : i32, i32
  }
  func.func @transform_1(%arg0: i32) -> (i32, i32) {
    %c0_i32 = arith.constant 0 : i32
    %c0_i32_0 = arith.constant 0 : i32
    return %arg0, %c0_i32 : i32, i32
  }
  func.func @transform_2(%arg0: i32) -> (i32, i32) {
    %c0_i32 = arith.constant 0 : i32
    %c0_i32_0 = arith.constant 0 : i32
    %c0_i32_1 = arith.constant 0 : i32
    return %c0_i32, %c0_i32_0 : i32, i32
  }
  func.func @transform_3(%arg0: i32) -> (i32, i32) {
    %c0_i32 = arith.constant 0 : i32
    %c0_i32_0 = arith.constant 0 : i32
    %c0_i32_1 = arith.constant 0 : i32
    return %c0_i32, %c0_i32_0 : i32, i32
  }
  func.func @transform_4(%arg0: i32) -> (i32, i32) {
    %c0_i32 = arith.constant 0 : i32
    %c0_i32_0 = arith.constant 0 : i32
    %c0_i32_1 = arith.constant 0 : i32
    return %c0_i32, %c0_i32_0 : i32, i32
  }
  func.func @transform_5(%arg0: i32) -> (i32, i32) {
    %c0_i32 = arith.constant 0 : i32
    %c0_i32_0 = arith.constant 0 : i32
    %c0_i32_1 = arith.constant 0 : i32
    return %c0_i32, %c0_i32_0 : i32, i32
  }
  func.func @transform_6(%arg0: i32) -> (i32, i32) {
    %c0_i32 = arith.constant 0 : i32
    %c0_i32_0 = arith.constant 0 : i32
    %c0_i32_1 = arith.constant 0 : i32
    return %c0_i32, %c0_i32_0 : i32, i32
  }
  func.func @transform_7(%arg0: i32) -> (i32, i32) {
    %c0_i32 = arith.constant 0 : i32
    %c0_i32_0 = arith.constant 0 : i32
    %c0_i32_1 = arith.constant 0 : i32
    return %c0_i32, %c0_i32_0 : i32, i32
  }
  func.func @transform_8(%arg0: i32) -> (i32, i32) {
    %c0_i32 = arith.constant 0 : i32
    %c0_i32_0 = arith.constant 0 : i32
    return %arg0, %c0_i32 : i32, i32
  }
}

module attributes {stable_mosaic.version = 14 : i64} {
  func.func @_dense_body(%arg0: i32, %arg1: memref<1024x32xf32, #tpu.memory_space<vmem>>, %arg2: memref<1024x16xf32, #tpu.memory_space<vmem>>, %arg3: memref<16x128xf32, #tpu.memory_space<vmem>>, %arg4: memref<16x128xf32, #tpu.memory_space<vmem>>, %arg5: memref<128x128xf32, #tpu.memory_space<vmem>>, %arg6: memref<1x128xf32, #tpu.memory_space<vmem>>, %arg7: memref<128x8xf32, #tpu.memory_space<vmem>>, %arg8: memref<1x8xf32, #tpu.memory_space<vmem>>, %arg9: memref<1024x16xf32, #tpu.memory_space<vmem>>) attributes {dimension_semantics = [#tpu.dimension_semantics<arbitrary>], iteration_bounds = array<i64: 160>, scalar_prefetch = 0 : i64, scratch_operands = 0 : i64, tpu.core_type = #tpu.core_type<tc>, window_params = [{transform_indices = @transform_0, window_bounds = array<i64: 1024, 32>}, {transform_indices = @transform_1, window_bounds = array<i64: 1024, 16>}, {pipeline_mode = #tpu.pipeline_mode<synchronous>, transform_indices = @transform_2, window_bounds = array<i64: 16, 128>}, {pipeline_mode = #tpu.pipeline_mode<synchronous>, transform_indices = @transform_3, window_bounds = array<i64: 16, 128>}, {pipeline_mode = #tpu.pipeline_mode<synchronous>, transform_indices = @transform_4, window_bounds = array<i64: 128, 128>}, {pipeline_mode = #tpu.pipeline_mode<synchronous>, transform_indices = @transform_5, window_bounds = array<i64: 1, 128>}, {pipeline_mode = #tpu.pipeline_mode<synchronous>, transform_indices = @transform_6, window_bounds = array<i64: 128, 8>}, {pipeline_mode = #tpu.pipeline_mode<synchronous>, transform_indices = @transform_7, window_bounds = array<i64: 1, 8>}, {transform_indices = @transform_8, window_bounds = array<i64: 1024, 16>}]} {
    %get3A = arith.constant 0 : index
    %get3A_0 = arith.constant 0 : index
    %get3A_1 = vector.load %arg1[%get3A, %get3A_0] : memref<1024x32xf32, #tpu.memory_space<vmem>>, vector<1024x32xf32>
    %slice3A = vector.extract_strided_slice %get3A_1 {offsets = [0, 0], sizes = [1024, 16], strides = [1, 1]} : vector<1024x32xf32> to vector<1024x16xf32>
    %get3A_2 = arith.constant 0 : index
    %get3A_3 = arith.constant 0 : index
    %get3A_4 = vector.load %arg2[%get3A_2, %get3A_3] : memref<1024x16xf32, #tpu.memory_space<vmem>>, vector<1024x16xf32>
    %get3A_5 = arith.constant 0 : index
    %get3A_6 = arith.constant 0 : index
    %get3A_7 = vector.load %arg3[%get3A_5, %get3A_6] : memref<16x128xf32, #tpu.memory_space<vmem>>, vector<16x128xf32>
    %dot_general3A = arith.constant dense<0.000000e+00> : vector<1024x128xf32>
    %dot_general3A_8 = tpu.matmul %get3A_4, %get3A_7, %dot_general3A {dimension_numbers = #tpu.dot_dimension_numbers<[1], [0], [0], [1], [0, 0, 1, 1], [], []>, transpose_lhs_hint = false} : vector<1024x16xf32>, vector<16x128xf32>, vector<1024x128xf32> -> vector<1024x128xf32>
    %get3A_9 = arith.constant 0 : index
    %get3A_10 = arith.constant 0 : index
    %get3A_11 = vector.load %arg4[%get3A_9, %get3A_10] : memref<16x128xf32, #tpu.memory_space<vmem>>, vector<16x128xf32>
    %dot_general3A_12 = arith.constant dense<0.000000e+00> : vector<1024x128xf32>
    %dot_general3A_13 = tpu.matmul %slice3A, %get3A_11, %dot_general3A_12 {dimension_numbers = #tpu.dot_dimension_numbers<[1], [0], [0], [1], [0, 0, 1, 1], [], []>, transpose_lhs_hint = false} : vector<1024x16xf32>, vector<16x128xf32>, vector<1024x128xf32> -> vector<1024x128xf32>
    %mul3A = arith.mulf %dot_general3A_8, %dot_general3A_13 : vector<1024x128xf32>
    %get3A_14 = arith.constant 0 : index
    %get3A_15 = arith.constant 0 : index
    %get3A_16 = vector.load %arg5[%get3A_14, %get3A_15] : memref<128x128xf32, #tpu.memory_space<vmem>>, vector<128x128xf32>
    %dot_general3A_17 = arith.constant dense<0.000000e+00> : vector<1024x128xf32>
    %dot_general3A_18 = tpu.matmul %mul3A, %get3A_16, %dot_general3A_17 {dimension_numbers = #tpu.dot_dimension_numbers<[1], [0], [0], [1], [0, 0, 1, 1], [], []>, transpose_lhs_hint = false} : vector<1024x128xf32>, vector<128x128xf32>, vector<1024x128xf32> -> vector<1024x128xf32>
    %get3A_19 = arith.constant 0 : index
    %get3A_20 = arith.constant 0 : index
    %get3A_21 = vector.load %arg6[%get3A_19, %get3A_20] : memref<1x128xf32, #tpu.memory_space<vmem>>, vector<1x128xf32>
    %add3A = vector.broadcast %get3A_21 : vector<1x128xf32> to vector<1024x128xf32>
    %add3A_22 = arith.addf %dot_general3A_18, %add3A : vector<1024x128xf32>
    %max3A = arith.constant 0.000000e+00 : f32
    %max3A_23 = vector.broadcast %max3A : f32 to vector<1024x128xf32>
    %max3A_24 = arith.maximumf %add3A_22, %max3A_23 : vector<1024x128xf32>
    %get3A_25 = arith.constant 0 : index
    %get3A_26 = arith.constant 0 : index
    %get3A_27 = vector.load %arg7[%get3A_25, %get3A_26] : memref<128x8xf32, #tpu.memory_space<vmem>>, vector<128x8xf32>
    %dot_general3A_28 = arith.constant dense<0.000000e+00> : vector<1024x8xf32>
    %dot_general3A_29 = tpu.matmul %max3A_24, %get3A_27, %dot_general3A_28 {dimension_numbers = #tpu.dot_dimension_numbers<[1], [0], [0], [1], [0, 0, 1, 1], [], []>, transpose_lhs_hint = false} : vector<1024x128xf32>, vector<128x8xf32>, vector<1024x8xf32> -> vector<1024x8xf32>
    %get3A_30 = arith.constant 0 : index
    %get3A_31 = arith.constant 0 : index
    %get3A_32 = vector.load %arg8[%get3A_30, %get3A_31] : memref<1x8xf32, #tpu.memory_space<vmem>>, vector<1x8xf32>
    %add3A_33 = vector.broadcast %get3A_32 : vector<1x8xf32> to vector<1024x8xf32>
    %add3A_34 = arith.addf %dot_general3A_29, %add3A_33 : vector<1024x8xf32>
    %slice3A_35 = vector.extract_strided_slice %add3A_34 {offsets = [0, 0], sizes = [1024, 1], strides = [1, 1]} : vector<1024x8xf32> to vector<1024x1xf32>
    %slice3A_36 = vector.extract_strided_slice %get3A_1 {offsets = [0, 16], sizes = [1024, 3], strides = [1, 1]} : vector<1024x32xf32> to vector<1024x3xf32>
    %slice3A_37 = vector.extract_strided_slice %get3A_1 {offsets = [0, 19], sizes = [1024, 1], strides = [1, 1]} : vector<1024x32xf32> to vector<1024x1xf32>
    %mul3A_38 = arith.mulf %slice3A_35, %slice3A_37 : vector<1024x1xf32>
    %mul3A_39 = vector.broadcast %mul3A_38 : vector<1024x1xf32> to vector<1024x3xf32>
    %mul3A_40 = arith.mulf %mul3A_39, %slice3A_36 : vector<1024x3xf32>
    %broadcast_in_dim3A = arith.constant 0.000000e+00 : f32
    %broadcast_in_dim3A_41 = vector.broadcast %broadcast_in_dim3A : f32 to vector<1024x13xf32>
    %concatenate3A = tpu.concatenate %mul3A_40, %broadcast_in_dim3A_41 in 1 : vector<1024x3xf32>, vector<1024x13xf32> -> vector<1024x16xf32>
    %swap3A = arith.constant 0 : index
    %swap3A_42 = arith.constant 0 : index
    %swap3A_43 = vector.load %arg9[%swap3A, %swap3A_42] : memref<1024x16xf32, #tpu.memory_space<vmem>>, vector<1024x16xf32>
    tpu.vector_store %arg9[%swap3A, %swap3A_42], %concatenate3A {strides = array<i32>} : memref<1024x16xf32, #tpu.memory_space<vmem>>, vector<1024x16xf32>,
    return
  }
  func.func @transform_0(%arg0: i32) -> (i32, i32) {
    %c0_i32 = arith.constant 0 : i32
    %c0_i32_0 = arith.constant 0 : i32
    return %arg0, %c0_i32 : i32, i32
  }
  func.func @transform_1(%arg0: i32) -> (i32, i32) {
    %c0_i32 = arith.constant 0 : i32
    %c0_i32_0 = arith.constant 0 : i32
    return %arg0, %c0_i32 : i32, i32
  }
  func.func @transform_2(%arg0: i32) -> (i32, i32) {
    %c0_i32 = arith.constant 0 : i32
    %c0_i32_0 = arith.constant 0 : i32
    %c0_i32_1 = arith.constant 0 : i32
    return %c0_i32, %c0_i32_0 : i32, i32
  }
  func.func @transform_3(%arg0: i32) -> (i32, i32) {
    %c0_i32 = arith.constant 0 : i32
    %c0_i32_0 = arith.constant 0 : i32
    %c0_i32_1 = arith.constant 0 : i32
    return %c0_i32, %c0_i32_0 : i32, i32
  }
  func.func @transform_4(%arg0: i32) -> (i32, i32) {
    %c0_i32 = arith.constant 0 : i32
    %c0_i32_0 = arith.constant 0 : i32
    %c0_i32_1 = arith.constant 0 : i32
    return %c0_i32, %c0_i32_0 : i32, i32
  }
  func.func @transform_5(%arg0: i32) -> (i32, i32) {
    %c0_i32 = arith.constant 0 : i32
    %c0_i32_0 = arith.constant 0 : i32
    %c0_i32_1 = arith.constant 0 : i32
    return %c0_i32, %c0_i32_0 : i32, i32
  }
  func.func @transform_6(%arg0: i32) -> (i32, i32) {
    %c0_i32 = arith.constant 0 : i32
    %c0_i32_0 = arith.constant 0 : i32
    %c0_i32_1 = arith.constant 0 : i32
    return %c0_i32, %c0_i32_0 : i32, i32
  }
  func.func @transform_7(%arg0: i32) -> (i32, i32) {
    %c0_i32 = arith.constant 0 : i32
    %c0_i32_0 = arith.constant 0 : i32
    %c0_i32_1 = arith.constant 0 : i32
    return %c0_i32, %c0_i32_0 : i32, i32
  }
  func.func @transform_8(%arg0: i32) -> (i32, i32) {
    %c0_i32 = arith.constant 0 : i32
    %c0_i32_0 = arith.constant 0 : i32
    return %arg0, %c0_i32 : i32, i32
  }
}

module attributes {stable_mosaic.version = 14 : i64} {
  func.func @_final_body(%arg0: i32, %arg1: memref<1000x3xf32, #tpu.memory_space<vmem>>, %arg2: memref<32x1000x4xf32, #tpu.memory_space<vmem>>, %arg3: memref<1000x3xf32, #tpu.memory_space<vmem>>) attributes {dimension_semantics = [#tpu.dimension_semantics<arbitrary>], iteration_bounds = array<i64: 10>, scalar_prefetch = 0 : i64, scratch_operands = 0 : i64, tpu.core_type = #tpu.core_type<tc>, window_params = [{transform_indices = @transform_0, window_bounds = array<i64: 1000, 3>}, {transform_indices = @transform_1, window_bounds = array<i64: 32, 1000, 4>}, {transform_indices = @transform_2, window_bounds = array<i64: 1000, 3>}]} {
    %get3A = arith.constant 0 : index
    %get3A_0 = arith.constant 0 : index
    %get3A_1 = arith.constant 0 : index
    %get3A_2 = vector.load %arg2[%get3A, %get3A_0, %get3A_1] : memref<32x1000x4xf32, #tpu.memory_space<vmem>>, vector<32x1000x4xf32>
    %reduce_sum3A = arith.constant dense<0.000000e+00> : vector<1000x4xf32>
    %reduce_sum3A_3 = vector.multi_reduction <add>, %get3A_2, %reduce_sum3A [0] : vector<32x1000x4xf32> to vector<1000x4xf32>
    %slice3A = vector.extract_strided_slice %reduce_sum3A_3 {offsets = [0, 0], sizes = [1000, 3], strides = [1, 1]} : vector<1000x4xf32> to vector<1000x3xf32>
    %mul3A = arith.constant 1.000000e-01 : f32
    %mul3A_4 = vector.broadcast %mul3A : f32 to vector<1000x3xf32>
    %mul3A_5 = arith.mulf %slice3A, %mul3A_4 : vector<1000x3xf32>
    %get3A_6 = arith.constant 0 : index
    %get3A_7 = arith.constant 0 : index
    %get3A_8 = vector.load %arg1[%get3A_6, %get3A_7] : memref<1000x3xf32, #tpu.memory_space<vmem>>, vector<1000x3xf32>
    %add3A = arith.addf %get3A_8, %mul3A_5 : vector<1000x3xf32>
    %swap3A = arith.constant 0 : index
    %swap3A_9 = arith.constant 0 : index
    %swap3A_10 = vector.load %arg3[%swap3A, %swap3A_9] : memref<1000x3xf32, #tpu.memory_space<vmem>>, vector<1000x3xf32>
    tpu.vector_store %arg3[%swap3A, %swap3A_9], %add3A {strides = array<i32>} : memref<1000x3xf32, #tpu.memory_space<vmem>>, vector<1000x3xf32>,
    return
  }
  func.func @transform_0(%arg0: i32) -> (i32, i32) {
    %c0_i32 = arith.constant 0 : i32
    %c0_i32_0 = arith.constant 0 : i32
    return %arg0, %c0_i32 : i32, i32
  }
  func.func @transform_1(%arg0: i32) -> (i32, i32, i32) {
    %c0_i32 = arith.constant 0 : i32
    %c0_i32_0 = arith.constant 0 : i32
    %c0_i32_1 = arith.constant 0 : i32
    return %c0_i32, %arg0, %c0_i32_0 : i32, i32, i32
  }
  func.func @transform_2(%arg0: i32) -> (i32, i32) {
    %c0_i32 = arith.constant 0 : i32
    %c0_i32_0 = arith.constant 0 : i32
    return %arg0, %c0_i32 : i32, i32
  }
}

</mosaic_0001>

<sc_bundles>
// kernel: kernel.12.cloned.1.call-start
scs
__scs_entry_jumppad:
0x0: {  	(pc) =	sbr.rel $0x88, $3  }
0x1: {  	(tag) =	ssettag $0x0;
	lr =	simm.s32 $0x1  }
0x2: {  	[smem:$0x3F7E] =	sst lr;
	_ =	strace $0xD0000000  }
0x3: {  	_ = 	snop  }
0x4: {  	_ = 	snop  }
0x5: {  	_ = 	snop  }
0x6: {  	_ = 	snop  }
0x7: {  	_ = 	snop  }
__scs_overlays_trampoline_lowered:
0x8: {  	[smem:$0x3F8D] =	sst s0  }
0x9: {  	[smem:$0x3F8E] =	sst s1  }
0xa: {  	[smem:$0x3F8F] =	sst s2  }
0xb: {  	[smem:$0x3F90] =	sst s3  }
0xc: {  	[smem:$0x3F91] =	sst s4  }
0xd: {  	[smem:$0x3F92] =	sst s5  }
0xe: {  	[smem:$0x3F93] =	sst s6  }
0xf: {  	[smem:$0x3F94] =	sst s7  }
0x10: {  	[smem:$0x3F95] =	sst s8  }
0x11: {  	[smem:$0x3F96] =	sst s9;
	s0 =	simm.s32 @!p0 $0x0  }
0x12: {  	s1 =	sld [smem:$0x3F7C];
	s0 =	simm.s32 @p0 $0x1  }
0x13: {  	[smem:$0x3F97] =	sst s0;
	s0 =	simm.s32 @!p1 $0x0  }
0x14: {  	s2 =	sld [smem:$0x3F7B];
	s0 =	simm.s32 @p1 $0x1  }
0x15: {  	[smem:$0x3F98] =	sst s0;
	s0 =	simm.s32 @!p2 $0x0  }
0x16: {  	s3 =	sld [smem:$0x3FDB];
	s0 =	simm.s32 @p2 $0x1  }
0x17: {  	s4 =	simm.s32 $0x1BF5;
	[smem:$0x3F9A] =	sst s0  }
0x18: {  	s0 =	sld [smem:$0x3F7D];
	_ =	swait.ge [sflag:s4], $0x0  }
0x19: {  	s7 =	sld [smem:$0x3F7E]  }
0x1a: {  	s8 =	sadd.s32 $0xFFFFE003, lr  }
0x1b: {  	s9 =	sadd.s32 $0xFFFFFEF7, lr;
	s5 =	simm.s32 $0xFFFFFFFF;
	p2 =	slt.u32 s8, $0xFFFFF086  }
0x1c: {  	p1 =	slt.u32 s9, $0xF7A;
	s5 =	simm.s32 @!p2 $0x0  }
0x1d: {  	s5 =	simm.s32 @p1 $0x1;
	p0 =	seq.s32 s7, s2  }
0x1e: {  	s7 =	smul.u32 @!p0 $0xF7A, s2;
	p2 =	seq.s32 @!p0 s5, $0x0  }
0x1f: {  	s9 =	smul.u32 $0xF7A, s1;
	s8 =	simm.s32 @!p0 $0x1BF5;
	p2 =	por !p2, p0  }
0x20: {  	[sflag:s8] =	ssyncset.s32 @!p0 $0xFFFFF086;
	s6 =	sadd.s32 @!p0 s3, s7;
	s7 =	simm.s32 @!p0 $0x108  }
0x21: {  	s3 =	sadd.s32 s3, s9;
	s6 =	sadd.s32 @!p0 $0x88, s6;
	s7 =	simm.s32 @p2 $0x1082  }
0x22: {  	[simem:s7], [sflag:s8] =	dma.local @!p0 [hbm:s6], $0xF7A  }
0x23: {  	s9 =	sor.u32 $0xD0000000, s2;
	s6 =	simm.s32 $0x108;
	_ =	swait.ge @!p0 [sflag:s8], $0x0  }
0x24: {  	s3 =	sadd.s32 $0x88, s3;
	s6 =	simm.s32 @!p1 $0x1082;
	[sflag:s4] =	ssyncset.s32 $0xFFFFF086  }
0x25: {  	[simem:s6], [sflag:s4] =	dma.local [hbm:s3], $0xF7A  }
0x26: {  	[smem:$0x3F7E] =	sst s1;
	(tag) =	ssettag s2;
	_ =	strace s9  }
0x27: {  	s1 =	sld [smem:$0x3F8E]  }
0x28: {  	s2 =	sld [smem:$0x3F8F]  }
0x29: {  	s4 =	sld [smem:$0x3F91]  }
0x2a: {  	p0 =	seq.s32 s5, $0x0;
	s5 =	sld [smem:$0x3F92]  }
0x2b: {  	s6 =	sld [smem:$0x3F93]  }
0x2c: {  	s7 =	sld [smem:$0x3F94]  }
0x2d: {  	s3 =	simm.s32 $0x108;
	s8 =	sld [smem:$0x3F95]  }
0x2e: {  	s3 =	simm.s32 @!p0 $0x1082;
	s9 =	sld [smem:$0x3F96]  }
0x2f: {  	lr =	sadd.s32 s0, s3;
	s0 =	sld [smem:$0x3F8D]  }
0x30: {  	s3 =	sld [smem:$0x3F90]  }
0x31: {  	[smem:$0x3F99] =	sst s10  }
0x32: {  	s10 =	sld [smem:$0x3F97];
	_ =	sdelay $0x3  }
0x33: {  	p0 =	seq.s32 s10, $0x1;
	s10 =	sld [smem:$0x3F99];
	_ =	sdelay $0x3  }
0x34: {  	[smem:$0x3F99] =	sst s10  }
0x35: {  	s10 =	sld [smem:$0x3F98];
	_ =	sdelay $0x3  }
0x36: {  	p1 =	seq.s32 s10, $0x1;
	s10 =	sld [smem:$0x3F99];
	_ =	sdelay $0x3  }
0x37: {  	[smem:$0x3F99] =	sst s10  }
0x38: {  	s10 =	sld [smem:$0x3F9A]  }
0x39: {  	_ = 	snop;
	(pc) =	sbr.ind lr, $3  }
0x3a: {  	_ = 	snop  }
0x3b: {  	_ = 	snop  }
0x3c: {  	p2 =	seq.s32 s10, $0x1;
	s10 =	sld [smem:$0x3F99]  }
0x3d: {  	_ =	shalt  }
0x3e: {  	_ =	shalt  }
0x3f: {  	_ =	shalt  }
0x40: {  	_ =	shalt  }
0x41: {  	_ =	shalt  }
0x42: {  	_ =	shalt  }
0x43: {  	_ =	shalt  }
0x44: {  	_ =	shalt  }
0x45: {  	_ =	shalt  }
0x46: {  	_ =	shalt  }
0x47: {  	_ =	shalt  }
0x48: {  	_ =	shalt  }
0x49: {  	_ =	shalt  }
0x4a: {  	_ =	shalt  }
0x4b: {  	_ =	shalt  }
0x4c: {  	_ =	shalt  }
0x4d: {  	_ =	shalt  }
0x4e: {  	_ =	shalt  }
0x4f: {  	_ =	shalt  }
0x50: {  	_ =	shalt  }
0x51: {  	_ =	shalt  }
0x52: {  	_ =	shalt  }
0x53: {  	_ =	shalt  }
0x54: {  	_ =	shalt  }
0x55: {  	_ =	shalt  }
0x56: {  	_ =	shalt  }
0x57: {  	_ =	shalt  }
0x58: {  	_ =	shalt  }
0x59: {  	_ =	shalt  }
0x5a: {  	_ =	shalt  }
0x5b: {  	_ =	shalt  }
0x5c: {  	_ =	shalt  }
0x5d: {  	_ =	shalt  }
0x5e: {  	_ =	shalt  }
0x5f: {  	_ =	shalt  }
0x60: {  	_ =	shalt  }
0x61: {  	_ =	shalt  }
0x62: {  	_ =	shalt  }
0x63: {  	_ =	shalt  }
0x64: {  	_ =	shalt  }
0x65: {  	_ =	shalt  }
0x66: {  	_ =	shalt  }
0x67: {  	_ =	shalt  }
0x68: {  	_ =	shalt  }
0x69: {  	_ =	shalt  }
0x6a: {  	_ =	shalt  }
0x6b: {  	_ =	shalt  }
0x6c: {  	_ =	shalt  }
0x6d: {  	_ =	shalt  }
0x6e: {  	_ =	shalt  }
0x6f: {  	_ =	shalt  }
0x70: {  	_ =	shalt  }
0x71: {  	_ =	shalt  }
0x72: {  	_ =	shalt  }
0x73: {  	_ =	shalt  }
0x74: {  	_ =	shalt  }
0x75: {  	_ =	shalt  }
0x76: {  	_ =	shalt  }
0x77: {  	_ =	shalt  }
0x78: {  	_ =	shalt  }
0x79: {  	_ =	shalt  }
0x7a: {  	_ =	shalt  }
0x7b: {  	_ =	shalt  }
0x7c: {  	_ =	shalt  }
0x7d: {  	_ =	shalt  }
0x7e: {  	_ =	shalt  }
0x7f: {  	_ =	shalt  }
0x80: {  	_ =	shalt  }
0x81: {  	_ =	shalt  }
0x82: {  	_ =	shalt  }
0x83: {  	_ =	shalt  }
0x84: {  	_ =	shalt  }
0x85: {  	_ =	shalt  }
0x86: {  	_ =	shalt  }
0x87: {  	_ =	shalt  }
.Lfunc_end0:
.L_simem_size_0:
called_computation.1_lowered:
.L_overlay_start_0:
0x88: {  	s2 =	sld [smem:$0x3FD9]  }
0x89: {  	s3 =	sld [smem:$0x3FFE];
	_ =	sdelay $0x1  }
0x8a: {  	s1 =	srdreg.scid  }
0x8b: {  	s0 =	sand.u32 $0x1, s1  }
0x8c: {  	s17 =	sshll.u32 s0, $0xA;
	s2 =	sadd.s32 s3, s2  }
0x8d: {  	s2 =	sadd.s32 s2, s17  }
0x8e: {  	[smem:$0x3FA5] =	sst s2  }
0x8f: {  	_ = 	snop  }
0x90: {  	(tm) =	ssettm $0x1  }
0x91: {  	s18 =	sld [smem:$0x3FFB];
	_ =	sdelay $0x3  }
0x92: {  	_ =	strace s18  }
0x93: {  	s2 =	sld [smem:$0x3FFC];
	_ =	sdelay $0x3  }
0x94: {  	_ =	strace s2  }
0x95: {  	s2 =	sld [smem:$0x3FFD];
	_ =	sdelay $0x3  }
0x96: {  	_ =	strace s2  }
0x97: {  	_ =	strace $0x8FFFFFFF  }
0x98: {  	s19 =	sld [smem:$0x3FDB];
	_ =	sdelay $0x1  }
0x99: {  	s20 =	simm.s32 $_scs_section_size  }
0x9a: {  	s4 =	simm.s32 $_size__tile_overlayer_lowered;
	s5 =	simm.s32 $_tile_overlayer_lowered  }
0x9b: {  	s6 =	simm.s32 $0x1BFF;
	s21 =	sshll.u32 s5, $0x1;
	s3 =	sadd.s32 s20, s19  }
0x9c: {  	s22 =	simm.s32 $0x0;
	s4 =	sshll.u32 s4, $0x1;
	s5 =	sadd.s32 s21, s3  }
0x9d: {  	[timem:s22], [sflag:s6] =	dma.local [hbm:s5], s4  }
0x9e: {  	_ =	swait.ge [sflag:s6], s4  }
0x9f: {  	s4 =	ssub.s32 $0x0, s4;
	[sflag:s6] =	ssyncset.done $0x0  }
0xa0: {  	[sflag:s6] =	ssyncadd.s32 s4;
	_ =	sdelay $0x1  }
0xa1: {  	s23 =	simm.s32 $0x1B8B  }
0xa2: {  	_ =	swait.ge [sflag:s23], $0x1  }
0xa3: {  	[sflag:s23] =	ssyncset.done $0x0  }
0xa4: {  	[sflag:s23] =	ssyncadd.s32 $0xFFFFFFFF  }
0xa5: {  	s4 =	sld [smem:$0x0]  }
0xa6: {  	s5 =	sand.u32 $0xFFFFFFFE, s1  }
0xa7: {  	p0 =	sne.s32 s1, s5  }
0xa8: {  	s5 =	sshll.u32 @p0 s5, $0xE  }
0xa9: {  	s5 =	sadd.s32 @p0 $0x11B8D, s5;
	s6 =	sshll.u32 @p0 s4, $0x11  }
0xaa: {  	s5 =	sor.u32 @p0 s6, s5  }
0xab: {  	[sflag:s5] =	ssyncadd.remote.s32 @p0 $0x1;
	_ =	sdelay $0x1  }
0xac: {  	s5 =	simm.s32 @p0 $0x1B8D  }
0xad: {  	_ =	swait.eq @p0 [sflag:s5], $0x1  }
0xae: {  	[sflag:s5] =	ssyncadd.s32 @p0 $0xFFFFFFFF  }
0xaf: {  	s6 =	sshll.u32 @!p0 s1, $0xE  }
0xb0: {  	s6 =	sor.u32 @!p0 $0x4000, s6;
	s5 =	simm.s32 @!p0 $0x1B8D  }
0xb1: {  	s4 =	sshll.u32 @!p0 s4, $0x11;
	s6 =	sadd.s32 @!p0 $0x11B8D, s6;
	_ =	swait.eq @!p0 [sflag:s5], $0x1  }
0xb2: {  	s4 =	sor.u32 @!p0 s4, s6;
	[sflag:s5] =	ssyncadd.s32 @!p0 $0xFFFFFFFF  }
0xb3: {  	s25 =	simm.s32 $0x1B8E;
	s24 =	sld [smem:$0x3FFE];
	[sflag:s4] =	ssyncadd.remote.s32 @!p0 $0x1  }
0xb4: {  	s26 =	simm.s32 $execute0_lowered;
	[smem:$0x3FD2] =	sst s25  }
0xb5: {  	s5 =	sshll.u32 s26, $0x1;
	_ =	strace $0x80000049;
	[dreg:$0x1] =	wrdreg $0xFFFFFFFF  }
0xb6: {  	s28 =	simm.s32 $_size_execute0_lowered;
	s3 =	sadd.s32 s3, s5;
	[dreg:$0x0] =	wrdreg $0x0  }
0xb7: {  	s5 =	sshll.u32 s28, $0x1;
	[dreg:$0x2] =	wrdreg s3  }
0xb8: {  	[dreg:$0x3] =	wrdreg s5  }
0xb9: {  	[dreg:$0x4] =	wrdreg $0xC0  }
0xba: {  	_ =	task [dreg:s22], $0x5FFFF  }
0xbb: {  	[dreg:$0x1] =	wrdreg $0xFFFFFFFF  }
0xbc: {  	[dreg:$0x0] =	wrdreg $0x60  }
0xbd: {  	[dreg:$0x2] =	wrdreg s24  }
0xbe: {  	[dreg:$0x3] =	wrdreg $0x61000  }
0xbf: {  	[dreg:$0x4] =	wrdreg $0xA  }
0xc0: {  	_ =	task.clear_ibuf [dreg:s22], $0x5FFFF;
	_ =	strace $0x90000049  }
0xc1: {  	s29 =	simm.s32 $0xA;
	_ =	strace $0x8000004B  }
0xc2: {  	_ =	swait.ge [sflag:s29], $0x1  }
0xc3: {  	[sflag:s29] =	ssyncadd.s32 $0xFFFFFFFF  }
0xc4: {  	_ =	strace $0x9000004B  }
0xc5: {  	_ =	sfence  }
0xc6: {  	s30 =	sld [smem:$0x0];
	_ =	sdelay $0x2  }
0xc7: {  	s31 =	sshll.u32 s1, $0xD;
	s1 =	sshrl.u32 s1, $0x2  }
0xc8: {  	s4 =	sand.u32 $0x4000, s31;
	s1 =	sadd.s32 s1, s30  }
0xc9: {  	s0 =	sor.u32 s4, s0;
	s1 =	sshll.u32 s1, $0x11  }
0xca: {  	s0 =	sor.u32 s1, s0  }
0xcb: {  	s0 =	sadd.s32 $0x8F2B, s0  }
0xcc: {  	[sflag:s0] =	ssyncadd.remote.s32 $0x1  }
0xcd: {  	_ =	sfence.sel $0xFFFF  }
0xce: {  	[dreg:$0x0] =	wrdreg $0xFFFFFFFF;
	(pc) =	sbr.abs _section_cstart, $3  }
0xcf: {  	[dreg:$0x1] =	wrdreg $0xFFFFFFFF  }
0xd0: {  	_ =	task.clear_ibuf [dreg:s22], $0x2FFFF;
	_ =	strace $0x9FFFFFFF  }
0xd1: {  	(tm) =	ssettm $0x7FFFFFFF  }
tec
execute0_lowered:
.L_overlay_start_1:
0x0: {  	(tag) =	ssettag $0x1  }
0x1: {  	s6 =	rddreg [dreg:$0x0]  }
0x2: {  	s1 =	rddreg [dreg:$0x1]  }
0x3: {  	s0 =	rddreg [dreg:$0x2];
	s2 =	simm.s32 $0x0  }
0x4: {  	s5 =	srdreg.scid;
	s8 =	stileid.u32;
	s12 =	simm.s32 $0x40  }
0x5: {  	s13 =	simm.s32 $0x100;
	s14 =	simm.s32 $0x2100;
	s15 =	simm.s32 $0x1  }
0x6: {  	s16 =	simm.s32 $0x2;
	s17 =	simm.s32 $0x4100;
	s18 =	simm.s32 $0x0  }
0x7: {  	[smem:$0x7FF] =	sst s2;
	s3 =	sadd.s32 $0x5FA00, s6;
	s4 =	sadd.s32 $0x58BC00, s6  }
0x8: {  	s7 =	sand.u32 $0x1, s5;
	s5 =	sadd.s32 $0x595C00, s6;
	s6 =	sadd.s32 $0x59FC00, s6  }
0x9: {  	s11 =	sshll.u32 s8, $0x1;
	p0 =	sne.s32 s8, $0x0;
	s9 =	ssub.s32 $0x2, s7  }
0xa: {  	_ =	strace $0x8000004A;
	s7 =	sor.u32 s7, s11;
	s10 =	sshrl.u32 s9, $0x1  }
0xb: {  	s11 =	simm.s32 $0x80;
	s7 =	smul.u32 $0x50, s7;
	s9 =	ssub.s32 s9, s10  }
0xc: {  	vm0 =	vcmask $0xB10;
	s10 =	simm.s32 $0x3;
	s8 =	smax.u32 s9, $0x1;
	s9 =	sshrl.u32 @!p0 s1, $0x3  }
.LBB2_1:
0xd: {  	s19 =	simm.s32 @!p0 $0x1C03  }
0xe: {  	[spmem:s9], [sflag:s19] =	dma.local @!p0 [hbm:s3], $0x27100  }
0xf: {  	s19 =	simm.s32 @!p0 $0x3  }
0x10: {  	_ =	swait.ge @!p0 [sflag:s19], $0x27100  }
0x11: {  	[sflag:s19] =	ssyncset.done @!p0 $0x0  }
0x12: {  	[sflag:s19] =	ssyncadd.s32 @!p0 $0xFFFD8F00  }
0x13: {  	s19 =	simm.s32 $0x0;
	[bflag:$0x0] =	sbarrier.arrive $0xFFFF  }
.LBB2_2:
0x14: {  	s20 =	sadd.s32 s7, s19  }
0x15: {  	s21 =	sshll.u32 s20, $0x4  }
0x16: {  	s23 =	simm.s32 $0x0;
	s22 =	sadd.s32 s4, s21  }
0x17: {  	[tilespmem:s23], [sflag:$0x3] =	stream.linear.gather [hbm4b:s22+s23], $0x80, $0x38;
	[tilespmem:$0x19980] =	vst v63  }
0x18: {  	_ =	swait.ge [sflag:s10], $0x80  }
0x19: {  	[sflag:s10] =	ssyncset.done $0x0  }
0x1a: {  	s21 =	sadd.s32 s5, s21;
	[sflag:s10] =	ssyncadd.s32 $0xFFFFFF80  }
0x1b: {  	[tilespmem:s11], [sflag:$0x3] =	stream.linear.gather [hbm4b:s21+s23], $0x80, $0x38;
	[tilespmem:$0x19980] =	vst v63  }
0x1c: {  	_ =	swait.ge [sflag:s10], $0x80  }
0x1d: {  	[sflag:s10] =	ssyncset.done $0x0  }
0x1e: {  	[sflag:s10] =	ssyncadd.s32 $0xFFFFFF80  }
0x1f: {  	[tilespmem:s13], [sflag:$0x1] =	stream.indirect.gather [spmem:s1], $0x80, s23, s12, $0xb8;
	[tilespmem:$0x19980] =	vst v63  }
0x20: {  	_ = 	snop  }
0x21: {  	[tilespmem:s14], [sflag:$0x2] =	stream.indirect.gather [spmem:s1], $0x80, s11, s12, $0xb8;
	[tilespmem:$0x19980] =	vst v63  }
0x22: {  	_ =	swait.ge [sflag:s15], $0x2000  }
0x23: {  	[sflag:s15] =	ssyncset.done $0x0  }
0x24: {  	[sflag:s15] =	ssyncadd.s32 $0xFFFFE000  }
0x25: {  	_ =	swait.ge [sflag:s16], $0x2000  }
0x26: {  	[sflag:s16] =	ssyncset.done $0x0  }
0x27: {  	s21 =	simm.s32 $0x0;
	[sflag:s16] =	ssyncadd.s32 $0xFFFFE000  }
0x28: {  	v0 =	vld [tilespmem:s21+$0x2A0]  }
0x29: {  	v1 =	vld [tilespmem:s21+$0x22A0]  }
0x2a: {  	v2 =	vld [tilespmem:s21+$0x120]  }
0x2b: {  	v3 =	vld [tilespmem:s21+$0x2120]  }
0x2c: {  	v4 =	vld [tilespmem:s21+$0x1A0]  }
0x2d: {  	v5 =	vld [tilespmem:s21+$0x21A0]  }
0x2e: {  	v6 =	vld [tilespmem:s21+$0x220]  }
0x2f: {  	v7 =	vld [tilespmem:s21+$0x2220]  }
0x30: {  	v8 =	vld [tilespmem:s21+$0x100]  }
0x31: {  	v9 =	vld [tilespmem:s21+$0x2110];
	v1 =	vsub.f32 v0, v1  }
0x32: {  	v10 =	vld [tilespmem:s21+$0x180];
	v3 =	vsub.f32 v2, v3  }
0x33: {  	v0 =	vsel vm0, v1, v0;
	v1 =	vsub.f32 v4, v5;
	v5 =	vld [tilespmem:s21+$0x2190]  }
0x34: {  	[tilespmem:s21+$0x4290] =	vst v0;
	v0 =	vsel vm0, v3, v2;
	v2 =	vsub.f32 v6, v7;
	v3 =	vld [tilespmem:s21+$0x2210]  }
0x35: {  	[tilespmem:s21+$0x4110] =	vst v0;
	v0 =	vsel vm0, v1, v4;
	v1 =	vld [tilespmem:s21+$0x200]  }
0x36: {  	v4 =	vld [tilespmem:s21+$0x2290];
	[tilespmem:s21+$0x4190] =	vst v0;
	v0 =	vsel vm0, v2, v6;
	v6 =	vmul.f32 v9, v8  }
0x37: {  	s22 =	simm.s32 $0x200;
	v2 =	vld [tilespmem:s21+$0x280];
	[tilespmem:s21+$0x4210] =	vst v0  }
0x38: {  	s23 =	simm.s32 $0x1000;
	v0 =	vld [tilespmem:s22+$0x2A0];
	[tilespmem:s21+$0x4100] =	vst v6;
	v5 =	vmul.f32 v5, v10  }
.LBB2_3:
0x39: {  	p1 =	sne.s32 s23, $0x7800;
	v6 =	vld [tilespmem:s22+$0x22A0]  }
0x3a: {  	v7 =	vld [tilespmem:s22+$0x120];
	[tilespmem:s21+$0x4180] =	vst v5;
	v1 =	vmul.f32 v3, v1  }
0x3b: {  	v3 =	vld [tilespmem:s22+$0x2120]  }
0x3c: {  	v5 =	vld [tilespmem:s22+$0x1A0];
	[tilespmem:s21+$0x4200] =	vst v1;
	v1 =	vmul.f32 v4, v2  }
0x3d: {  	v2 =	vld [tilespmem:s22+$0x21A0]  }
0x3e: {  	v4 =	vld [tilespmem:s22+$0x220];
	v6 =	vsub.f32 v0, v6;
	[tilespmem:s21+$0x4280] =	vst v1;
	s21 =	smov.u32 s22  }
0x3f: {  	v8 =	vld [tilespmem:s21+$0x2220]  }
0x40: {  	v9 =	vld [tilespmem:s21+$0x100];
	v1 =	vsub.f32 v7, v3;
	v0 =	vsel vm0, v6, v0  }
0x41: {  	v6 =	vld [tilespmem:s21+$0x2110];
	[tilespmem:s21+$0x4290] =	vst v0  }
0x42: {  	v0 =	vsel vm0, v1, v7;
	v7 =	vld [tilespmem:s21+$0x180];
	v1 =	vsub.f32 v5, v2  }
0x43: {  	[tilespmem:s21+$0x4110] =	vst v0;
	v10 =	vld [tilespmem:s21+$0x2190]  }
.Ltmp0:
0x44: {  	v0 =	vsel vm0, v1, v5;
	v1 =	vld [tilespmem:s21+$0x200];
	v2 =	vsub.f32 v4, v8;
	(pc) =	sbr.rel @p1 .LBB2_3-.Ltmp0, $4  }
0x45: {  	[tilespmem:s21+$0x4190] =	vst v0;
	v3 =	vld [tilespmem:s21+$0x2210]  }
0x46: {  	v5 =	vmul.f32 v6, v9;
	v0 =	vsel vm0, v2, v4;
	v2 =	vld [tilespmem:s21+$0x280]  }
0x47: {  	s22 =	sshra.s32 s23, $0x2;
	[tilespmem:s21+$0x4210] =	vst v0;
	v4 =	vld [tilespmem:s21+$0x2290]  }
0x48: {  	s23 =	sadd.s32 $0x800, s23;
	v0 =	vld [tilespmem:s22+$0x2A0];
	[tilespmem:s21+$0x4100] =	vst v5;
	v5 =	vmul.f32 v10, v7  }
0x49: {  	v6 =	vld [tilespmem:s22+$0x22A0]  }
0x4a: {  	v7 =	vld [tilespmem:s22+$0x120];
	[tilespmem:s21+$0x4180] =	vst v5;
	v1 =	vmul.f32 v3, v1  }
0x4b: {  	v48 =	vld [tilespmem:s22+$0x2120]  }
0x4c: {  	v5 =	vld [tilespmem:s22+$0x1A0];
	[tilespmem:s21+$0x4200] =	vst v1;
	v49 =	vmul.f32 v4, v2  }
0x4d: {  	v50 =	vld [tilespmem:s22+$0x21A0]  }
0x4e: {  	v51 =	vld [tilespmem:s22+$0x220];
	[tilespmem:s21+$0x4280] =	vst v49  }
0x4f: {  	v53 =	vld [tilespmem:s22+$0x2220]  }
0x50: {  	v8 =	vld [tilespmem:s22+$0x100]  }
0x51: {  	v54 =	vld [tilespmem:s22+$0x2110]  }
0x52: {  	v56 =	vld [tilespmem:s22+$0x180]  }
0x53: {  	v57 =	vld [tilespmem:s22+$0x2190]  }
0x54: {  	v58 =	vld [tilespmem:s22+$0x200]  }
0x55: {  	v52 =	vsub.f32 v0, v6;
	v59 =	vld [tilespmem:s22+$0x2210]  }
0x56: {  	v60 =	vld [tilespmem:s22+$0x280];
	v3 =	vsub.f32 v7, v48  }
0x57: {  	v61 =	vld [tilespmem:s22+$0x2290];
	v0 =	vsel vm0, v52, v0;
	v2 =	vsub.f32 v5, v50  }
0x58: {  	[tilespmem:s22+$0x4290] =	vst v0;
	v55 =	vsel vm0, v3, v7  }
0x59: {  	[tilespmem:s22+$0x4110] =	vst v55;
	v2 =	vsel vm0, v2, v5;
	v1 =	vmul.f32 v54, v8  }
0x5a: {  	v0 =	vmul.f32 v57, v56;
	[tilespmem:s22+$0x4190] =	vst v2  }
0x5b: {  	v62 =	vmul.f32 v59, v58;
	[tilespmem:s22+$0x4100] =	vst v1  }
0x5c: {  	v6 =	vsub.f32 v51, v53;
	v63 =	vmul.f32 v61, v60;
	[tilespmem:s22+$0x4180] =	vst v0  }
0x5d: {  	s19 =	sadd.s32 $0x1, s19;
	[tilespmem:s22+$0x4200] =	vst v62  }
0x5e: {  	s20 =	sshll.u32 s20, $0xA;
	p1 =	sne.s32 s19, $0x50;
	v4 =	vsel vm0, v6, v51;
	[tilespmem:s22+$0x4280] =	vst v63  }
.Ltmp1:
0x5f: {  	s20 =	sadd.s32 s6, s20;
	[tilespmem:s22+$0x4210] =	vst v4;
	(pc) =	sbr.rel @p1 .LBB2_2-.Ltmp1, $4  }
0x60: {  	[hbm4b:s20+s2] =	stream.linear.scatter [tilespmem:s17], [sflag:$0x3], $0x2000, $0x38;
	[tilespmem:$0x19980] =	vst v63  }
0x61: {  	_ =	swait.ge [sflag:s10], $0x2000  }
0x62: {  	[sflag:s10] =	ssyncset.done $0x0  }
0x63: {  	[sflag:s10] =	ssyncadd.s32 $0xFFFFE000  }
0x64: {  	s18 =	sadd.s32 $0x1, s18  }
0x65: {  	p1 =	sne.s32 s18, s8  }
.Ltmp2:
0x66: {  	_ = 	snop;
	(pc) =	sbr.rel @p1 .LBB2_1-.Ltmp2, $1  }
0x67: {  	_ =	sdelay $0x3  }
0x68: {  	_ =	sfence.sel $0x180000  }
0x69: {  	[bflag:$0x0] =	sbarrier.arrive $0xFFFF  }
0x6a: {  	_ =	strace $0x9000004A  }
0x6b: {  	s0 =	sadd.s32 @!p0 $0x100000, s0;
	[bflag:$0x2] =	sbarrier.arrive $0xFFFF  }
0x6c: {  	[sflag:s0] =	ssyncadd.tile.s32 @!p0 $0x1;
	_ =	shalt  }
.Lfunc_end2:
_tile_overlayer_lowered:
.L_overlay_start_2:
0x6d: {  	(tag) =	ssettag $0x2  }
0x6e: {  	s0 =	rddreg [dreg:$0x0];
	s2 =	stileid.u32  }
0x6f: {  	s1 =	rddreg [dreg:$0x1];
	p0 =	sne.s32 s2, $0x0  }
0x70: {  	s3 =	rddreg [dreg:$0x2];
	[bflag:$0x3] =	sbarrier.arrive $0xFFFF;
	s2 =	simm.s32 @!p0 $0x1C03  }
0x71: {  	[timem:s3], [sflag:s2] =	dma.local @!p0 [hbm:s0], s1  }
0x72: {  	s0 =	simm.s32 @!p0 $0x3  }
0x73: {  	_ =	swait.ge @!p0 [sflag:s0], s1  }
0x74: {  	s1 =	ssub.s32 @!p0 $0x0, s1;
	[sflag:s0] =	ssyncset.done @!p0 $0x0  }
0x75: {  	[sflag:s0] =	ssyncadd.s32 @!p0 s1  }
0x76: {  	[bflag:$0x3] =	sbarrier.arrive $0xFFFF  }
0x77: {  	_ =	shalt  }

// kernel: kernel.15.cloned.1.call-start
scs
__scs_entry_jumppad:
0x0: {  	(pc) =	sbr.rel $0x88, $3  }
0x1: {  	(tag) =	ssettag $0x0;
	lr =	simm.s32 $0x1  }
0x2: {  	[smem:$0x3F7E] =	sst lr;
	_ =	strace $0xD0000000  }
0x3: {  	_ = 	snop  }
0x4: {  	_ = 	snop  }
0x5: {  	_ = 	snop  }
0x6: {  	_ = 	snop  }
0x7: {  	_ = 	snop  }
__scs_overlays_trampoline_lowered:
0x8: {  	[smem:$0x3F8D] =	sst s0  }
0x9: {  	[smem:$0x3F8E] =	sst s1  }
0xa: {  	[smem:$0x3F8F] =	sst s2  }
0xb: {  	[smem:$0x3F90] =	sst s3  }
0xc: {  	[smem:$0x3F91] =	sst s4  }
0xd: {  	[smem:$0x3F92] =	sst s5  }
0xe: {  	[smem:$0x3F93] =	sst s6  }
0xf: {  	[smem:$0x3F94] =	sst s7  }
0x10: {  	[smem:$0x3F95] =	sst s8  }
0x11: {  	[smem:$0x3F96] =	sst s9;
	s0 =	simm.s32 @!p0 $0x0  }
0x12: {  	s1 =	sld [smem:$0x3F7C];
	s0 =	simm.s32 @p0 $0x1  }
0x13: {  	[smem:$0x3F97] =	sst s0;
	s0 =	simm.s32 @!p1 $0x0  }
0x14: {  	s2 =	sld [smem:$0x3F7B];
	s0 =	simm.s32 @p1 $0x1  }
0x15: {  	[smem:$0x3F98] =	sst s0;
	s0 =	simm.s32 @!p2 $0x0  }
0x16: {  	s3 =	sld [smem:$0x3FDB];
	s0 =	simm.s32 @p2 $0x1  }
0x17: {  	s4 =	simm.s32 $0x1BF5;
	[smem:$0x3F9A] =	sst s0  }
0x18: {  	s0 =	sld [smem:$0x3F7D];
	_ =	swait.ge [sflag:s4], $0x0  }
0x19: {  	s7 =	sld [smem:$0x3F7E]  }
0x1a: {  	s8 =	sadd.s32 $0xFFFFE003, lr  }
0x1b: {  	s9 =	sadd.s32 $0xFFFFFEF7, lr;
	s5 =	simm.s32 $0xFFFFFFFF;
	p2 =	slt.u32 s8, $0xFFFFF086  }
0x1c: {  	p1 =	slt.u32 s9, $0xF7A;
	s5 =	simm.s32 @!p2 $0x0  }
0x1d: {  	s5 =	simm.s32 @p1 $0x1;
	p0 =	seq.s32 s7, s2  }
0x1e: {  	s7 =	smul.u32 @!p0 $0xF7A, s2;
	p2 =	seq.s32 @!p0 s5, $0x0  }
0x1f: {  	s9 =	smul.u32 $0xF7A, s1;
	s8 =	simm.s32 @!p0 $0x1BF5;
	p2 =	por !p2, p0  }
0x20: {  	[sflag:s8] =	ssyncset.s32 @!p0 $0xFFFFF086;
	s6 =	sadd.s32 @!p0 s3, s7;
	s7 =	simm.s32 @!p0 $0x108  }
0x21: {  	s3 =	sadd.s32 s3, s9;
	s6 =	sadd.s32 @!p0 $0x88, s6;
	s7 =	simm.s32 @p2 $0x1082  }
0x22: {  	[simem:s7], [sflag:s8] =	dma.local @!p0 [hbm:s6], $0xF7A  }
0x23: {  	s9 =	sor.u32 $0xD0000000, s2;
	s6 =	simm.s32 $0x108;
	_ =	swait.ge @!p0 [sflag:s8], $0x0  }
0x24: {  	s3 =	sadd.s32 $0x88, s3;
	s6 =	simm.s32 @!p1 $0x1082;
	[sflag:s4] =	ssyncset.s32 $0xFFFFF086  }
0x25: {  	[simem:s6], [sflag:s4] =	dma.local [hbm:s3], $0xF7A  }
0x26: {  	[smem:$0x3F7E] =	sst s1;
	(tag) =	ssettag s2;
	_ =	strace s9  }
0x27: {  	s1 =	sld [smem:$0x3F8E]  }
0x28: {  	s2 =	sld [smem:$0x3F8F]  }
0x29: {  	s4 =	sld [smem:$0x3F91]  }
0x2a: {  	p0 =	seq.s32 s5, $0x0;
	s5 =	sld [smem:$0x3F92]  }
0x2b: {  	s6 =	sld [smem:$0x3F93]  }
0x2c: {  	s7 =	sld [smem:$0x3F94]  }
0x2d: {  	s3 =	simm.s32 $0x108;
	s8 =	sld [smem:$0x3F95]  }
0x2e: {  	s3 =	simm.s32 @!p0 $0x1082;
	s9 =	sld [smem:$0x3F96]  }
0x2f: {  	lr =	sadd.s32 s0, s3;
	s0 =	sld [smem:$0x3F8D]  }
0x30: {  	s3 =	sld [smem:$0x3F90]  }
0x31: {  	[smem:$0x3F99] =	sst s10  }
0x32: {  	s10 =	sld [smem:$0x3F97];
	_ =	sdelay $0x3  }
0x33: {  	p0 =	seq.s32 s10, $0x1;
	s10 =	sld [smem:$0x3F99];
	_ =	sdelay $0x3  }
0x34: {  	[smem:$0x3F99] =	sst s10  }
0x35: {  	s10 =	sld [smem:$0x3F98];
	_ =	sdelay $0x3  }
0x36: {  	p1 =	seq.s32 s10, $0x1;
	s10 =	sld [smem:$0x3F99];
	_ =	sdelay $0x3  }
0x37: {  	[smem:$0x3F99] =	sst s10  }
0x38: {  	s10 =	sld [smem:$0x3F9A]  }
0x39: {  	_ = 	snop;
	(pc) =	sbr.ind lr, $3  }
0x3a: {  	_ = 	snop  }
0x3b: {  	_ = 	snop  }
0x3c: {  	p2 =	seq.s32 s10, $0x1;
	s10 =	sld [smem:$0x3F99]  }
0x3d: {  	_ =	shalt  }
0x3e: {  	_ =	shalt  }
0x3f: {  	_ =	shalt  }
0x40: {  	_ =	shalt  }
0x41: {  	_ =	shalt  }
0x42: {  	_ =	shalt  }
0x43: {  	_ =	shalt  }
0x44: {  	_ =	shalt  }
0x45: {  	_ =	shalt  }
0x46: {  	_ =	shalt  }
0x47: {  	_ =	shalt  }
0x48: {  	_ =	shalt  }
0x49: {  	_ =	shalt  }
0x4a: {  	_ =	shalt  }
0x4b: {  	_ =	shalt  }
0x4c: {  	_ =	shalt  }
0x4d: {  	_ =	shalt  }
0x4e: {  	_ =	shalt  }
0x4f: {  	_ =	shalt  }
0x50: {  	_ =	shalt  }
0x51: {  	_ =	shalt  }
0x52: {  	_ =	shalt  }
0x53: {  	_ =	shalt  }
0x54: {  	_ =	shalt  }
0x55: {  	_ =	shalt  }
0x56: {  	_ =	shalt  }
0x57: {  	_ =	shalt  }
0x58: {  	_ =	shalt  }
0x59: {  	_ =	shalt  }
0x5a: {  	_ =	shalt  }
0x5b: {  	_ =	shalt  }
0x5c: {  	_ =	shalt  }
0x5d: {  	_ =	shalt  }
0x5e: {  	_ =	shalt  }
0x5f: {  	_ =	shalt  }
0x60: {  	_ =	shalt  }
0x61: {  	_ =	shalt  }
0x62: {  	_ =	shalt  }
0x63: {  	_ =	shalt  }
0x64: {  	_ =	shalt  }
0x65: {  	_ =	shalt  }
0x66: {  	_ =	shalt  }
0x67: {  	_ =	shalt  }
0x68: {  	_ =	shalt  }
0x69: {  	_ =	shalt  }
0x6a: {  	_ =	shalt  }
0x6b: {  	_ =	shalt  }
0x6c: {  	_ =	shalt  }
0x6d: {  	_ =	shalt  }
0x6e: {  	_ =	shalt  }
0x6f: {  	_ =	shalt  }
0x70: {  	_ =	shalt  }
0x71: {  	_ =	shalt  }
0x72: {  	_ =	shalt  }
0x73: {  	_ =	shalt  }
0x74: {  	_ =	shalt  }
0x75: {  	_ =	shalt  }
0x76: {  	_ =	shalt  }
0x77: {  	_ =	shalt  }
0x78: {  	_ =	shalt  }
0x79: {  	_ =	shalt  }
0x7a: {  	_ =	shalt  }
0x7b: {  	_ =	shalt  }
0x7c: {  	_ =	shalt  }
0x7d: {  	_ =	shalt  }
0x7e: {  	_ =	shalt  }
0x7f: {  	_ =	shalt  }
0x80: {  	_ =	shalt  }
0x81: {  	_ =	shalt  }
0x82: {  	_ =	shalt  }
0x83: {  	_ =	shalt  }
0x84: {  	_ =	shalt  }
0x85: {  	_ =	shalt  }
0x86: {  	_ =	shalt  }
0x87: {  	_ =	shalt  }
.Lfunc_end0:
.L_simem_size_0:
called_computation.2_lowered:
.L_overlay_start_0:
0x88: {  	s2 =	sld [smem:$0x3FD9]  }
0x89: {  	s3 =	sld [smem:$0x3FFE];
	_ =	sdelay $0x1  }
0x8a: {  	s1 =	srdreg.scid  }
0x8b: {  	s0 =	sand.u32 $0x1, s1  }
0x8c: {  	s16 =	sshll.u32 s0, $0xA;
	s2 =	sadd.s32 s3, s2  }
0x8d: {  	s2 =	sadd.s32 s2, s16  }
0x8e: {  	[smem:$0x3FA5] =	sst s2  }
0x8f: {  	_ = 	snop  }
0x90: {  	(tm) =	ssettm $0x1  }
0x91: {  	s17 =	sld [smem:$0x3FFB];
	_ =	sdelay $0x3  }
0x92: {  	_ =	strace s17  }
0x93: {  	s2 =	sld [smem:$0x3FFC];
	_ =	sdelay $0x3  }
0x94: {  	_ =	strace s2  }
0x95: {  	s2 =	sld [smem:$0x3FFD];
	_ =	sdelay $0x3  }
0x96: {  	_ =	strace s2  }
0x97: {  	_ =	strace $0x8FFFFFFF  }
0x98: {  	s18 =	sld [smem:$0x3FDB];
	_ =	sdelay $0x1  }
0x99: {  	s19 =	simm.s32 $_scs_section_size  }
0x9a: {  	s4 =	simm.s32 $_size__tile_overlayer_lowered;
	s5 =	simm.s32 $_tile_overlayer_lowered  }
0x9b: {  	s22 =	simm.s32 $0x1BFF;
	s21 =	sshll.u32 s5, $0x1;
	s2 =	sadd.s32 s19, s18  }
0x9c: {  	s6 =	simm.s32 $0x0;
	s20 =	sshll.u32 s4, $0x1;
	s4 =	sadd.s32 s21, s2  }
0x9d: {  	[timem:s6], [sflag:s22] =	dma.local [hbm:s4], s20  }
0x9e: {  	_ =	swait.ge [sflag:s22], s20  }
0x9f: {  	s3 =	ssub.s32 $0x0, s20;
	[sflag:s22] =	ssyncset.done $0x0  }
0xa0: {  	[sflag:s22] =	ssyncadd.s32 s3;
	_ =	sdelay $0x1  }
0xa1: {  	s23 =	simm.s32 $0x1B8B  }
0xa2: {  	_ =	swait.ge [sflag:s23], $0x1  }
0xa3: {  	[sflag:s23] =	ssyncset.done $0x0  }
0xa4: {  	s25 =	simm.s32 $0x1B8E;
	s24 =	sld [smem:$0x3FFE];
	[sflag:s23] =	ssyncadd.s32 $0xFFFFFFFF  }
0xa5: {  	s26 =	simm.s32 $execute0_lowered;
	[smem:$0x3FD2] =	sst s25  }
0xa6: {  	s4 =	sshll.u32 s26, $0x1;
	_ =	strace $0x8000004C;
	[dreg:$0x1] =	wrdreg $0xFFFFFFFF  }
0xa7: {  	s28 =	simm.s32 $_size_execute0_lowered;
	s2 =	sadd.s32 s2, s4;
	[dreg:$0x0] =	wrdreg $0x0  }
0xa8: {  	s4 =	sshll.u32 s28, $0x1;
	[dreg:$0x2] =	wrdreg s2  }
0xa9: {  	[dreg:$0x3] =	wrdreg s4  }
0xaa: {  	[dreg:$0x4] =	wrdreg $0xC0  }
0xab: {  	_ =	task [dreg:s6], $0x5FFFF  }
0xac: {  	[dreg:$0x1] =	wrdreg $0xFFFFFFFF  }
0xad: {  	[dreg:$0x0] =	wrdreg $0x60  }
0xae: {  	[dreg:$0x2] =	wrdreg s24  }
0xaf: {  	[dreg:$0x3] =	wrdreg $0x9  }
0xb0: {  	_ =	task.clear_ibuf [dreg:s6], $0x4FFFF;
	_ =	strace $0x9000004C  }
0xb1: {  	s29 =	simm.s32 $0x9;
	_ =	strace $0x8000004E  }
0xb2: {  	_ =	swait.ge [sflag:s29], $0x1  }
0xb3: {  	[sflag:s29] =	ssyncadd.s32 $0xFFFFFFFF  }
0xb4: {  	_ =	strace $0x9000004E  }
0xb5: {  	_ =	sfence  }
0xb6: {  	s30 =	sld [smem:$0x0];
	_ =	sdelay $0x2  }
0xb7: {  	s31 =	sshll.u32 s1, $0xD;
	s1 =	sshrl.u32 s1, $0x2  }
0xb8: {  	s3 =	sand.u32 $0x4000, s31;
	s1 =	sadd.s32 s1, s30  }
0xb9: {  	s0 =	sor.u32 s3, s0;
	s1 =	sshll.u32 s1, $0x11  }
0xba: {  	s0 =	sor.u32 s1, s0  }
0xbb: {  	s0 =	sadd.s32 $0x8F2B, s0  }
0xbc: {  	[sflag:s0] =	ssyncadd.remote.s32 $0x1  }
0xbd: {  	_ =	sfence.sel $0xFFFF  }
0xbe: {  	[dreg:$0x0] =	wrdreg $0xFFFFFFFF;
	(pc) =	sbr.abs _section_cstart, $3  }
0xbf: {  	[dreg:$0x1] =	wrdreg $0xFFFFFFFF  }
0xc0: {  	_ =	task.clear_ibuf [dreg:s6], $0x2FFFF;
	_ =	strace $0x9FFFFFFF  }
0xc1: {  	(tm) =	ssettm $0x7FFFFFFF  }
tec
execute0_lowered:
.L_overlay_start_1:
0x0: {  	(tag) =	ssettag $0x1  }
0x1: {  	s4 =	rddreg [dreg:$0x0];
	s1 =	stileid.u32  }
0x2: {  	s0 =	rddreg [dreg:$0x1];
	s15 =	smul.u32 $0x50000, s1  }
0x3: {  	s3 =	srdreg.scid;
	s24 =	sshrl.u32 s1, $0x2;
	s30 =	smul.u32 $0x28000, s1  }
0x4: {  	s2 =	simm.s32 $0x0;
	s8 =	sand.u32 $0x1, s3;
	s11 =	smul.u32 $0x4E400, s24  }
0x5: {  	s17 =	simm.s32 $0x2;
	s23 =	sshll.u32 s1, $0x1;
	s29 =	smul.u32 $0x28000, s8  }
0x6: {  	s18 =	simm.s32 $0x80;
	s5 =	sor.u32 s8, s23;
	s31 =	smul.u32 $0x14000, s8  }
0x7: {  	s19 =	simm.s32 $0x400;
	s20 =	simm.s32 $0x0;
	s3 =	smul.u32 $0x500, s5  }
0x8: {  	v0 =	vlaneseq.u32;
	[smem:$0x7FF] =	sst s2;
	s9 =	sadd.s32 $0x1481C00, s4;
	s6 =	smul.u32 $0x280, s5  }
0x9: {  	s10 =	sadd.s32 $0x10800, s4;
	v0 =	vmul.u32 $0x80, v0;
	_ =	strace $0x8000004D;
	s13 =	smul.u32 $0x28000, s5  }
0xa: {  	s25 =	ssub.s32 $0x2, s8;
	s12 =	sshll.u32 s5, $0x7;
	s14 =	smul.u32 $0x14000, s5  }
0xb: {  	s28 =	sshrl.u32 s25, $0x1;
	v1 =	vor.u32 $0x1, v0;
	v2 =	vor.u32 $0x2, v0;
	s15 =	sadd.s32 s15, s9;
	s12 =	sand.u32 $0x380, s12  }
0xc: {  	v3 =	vor.u32 $0x800, v0;
	v4 =	vor.u32 $0x801, v0;
	v5 =	vor.u32 $0x802, v0;
	s7 =	sadd.s32 s3, s4;
	s6 =	sadd.s32 s6, s4;
	s3 =	sadd.s32 $0x290800, s4  }
0xd: {  	v6 =	vor.u32 $0x1000, v0;
	v7 =	vor.u32 $0x1001, v0;
	v8 =	vor.u32 $0x1002, v0;
	s11 =	sor.u32 s11, s12;
	s5 =	sadd.s32 s9, s13;
	s13 =	sadd.s32 s30, s10  }
0xe: {  	v9 =	vor.u32 $0x1800, v0;
	v10 =	vor.u32 $0x1801, v0;
	v11 =	vor.u32 $0x1802, v0;
	s12 =	simm.s32 $0xA800;
	s26 =	sshrl.u32 s11, $0x3;
	s11 =	ssub.s32 s25, s28  }
0xf: {  	v12 =	vor.u32 $0x2000, v0;
	v13 =	vor.u32 $0x2001, v0;
	v14 =	vor.u32 $0x2002, v0;
	s6 =	sadd.s32 $0x586C00, s6;
	s16 =	sadd.s32 s26, s4;
	s4 =	sadd.s32 $0x6800, s7  }
0x10: {  	v15 =	vor.u32 $0x2800, v0;
	v16 =	vor.u32 $0x2801, v0;
	v17 =	vor.u32 $0x2802, v0;
	s7 =	sadd.s32 s10, s14;
	s9 =	smax.u32 s11, $0x1;
	s10 =	sadd.s32 s29, s15  }
0x11: {  	v18 =	vor.u32 $0x3000, v0;
	v19 =	vor.u32 $0x3001, v0;
	v20 =	vor.u32 $0x3002, v0;
	s11 =	sadd.s32 s31, s13;
	s13 =	simm.s32 $0x3;
	s14 =	simm.s32 $0x2800  }
0x12: {  	v21 =	vor.u32 $0x3800, v0;
	v22 =	vor.u32 $0x3801, v0;
	v23 =	vor.u32 $0x3802, v0;
	s15 =	simm.s32 $0x6800;
	s8 =	sadd.s32 $0x291C00, s16;
	s16 =	simm.s32 $0x1  }
.LBB2_1:
0x13: {  	[tilespmem:s12], [sflag:$0x3] =	stream.linear.gather [hbm4b:s3+s2], $0x9C80, $0x38;
	[tilespmem:$0x14480] =	vst v63  }
0x14: {  	_ =	swait.ge [sflag:s13], $0x9C80  }
0x15: {  	[sflag:s13] =	ssyncset.done $0x0  }
0x16: {  	[sflag:s13] =	ssyncadd.s32 $0xFFFF6380  }
0x17: {  	[tilespmem:s2], [sflag:$0x3] =	stream.linear.gather [hbm4b:s4+s2], $0x2800, $0x38;
	[tilespmem:$0x14480] =	vst v63  }
0x18: {  	_ =	swait.ge [sflag:s13], $0x2800  }
0x19: {  	[sflag:s13] =	ssyncset.done $0x0  }
0x1a: {  	s21 =	simm.s32 $0x80;
	s22 =	simm.s32 $0x0;
	[sflag:s13] =	ssyncadd.s32 $0xFFFFD800  }
0x1b: {  	[tilespmem:s14], [sflag:$0x1] =	stream.linear.gather [hbm4b:s5+s2], $0x4000, $0x38;
	[tilespmem:$0x14480] =	vst v63  }
.LBB2_2:
0x1c: {  	s23 =	sadd.s32 s22, s10  }
0x1d: {  	s23 =	sadd.s32 $0x800, s23  }
0x1e: {  	[tilespmem:s15], [sflag:$0x2] =	stream.linear.gather [hbm4b:s23+s2], $0x4000, $0x38;
	[tilespmem:$0x14480] =	vst v63  }
0x1f: {  	_ =	swait.ge [sflag:s16], $0x4000  }
0x20: {  	[sflag:s16] =	ssyncset.done $0x0  }
0x21: {  	[sflag:s16] =	ssyncadd.s32 $0xFFFFC000  }
0x22: {  	v24 =	vld [tilespmem:s21+$0xFFFFFF80];
	_ =	sdelay $0x4  }
0x23: {  	v25 =	vld.idx.msk [tilespmem:v0+s14+$0x0], $0xffff;
	v24 =	vshll.u32 v24, $0x2;
	_ =	sdelay $0x4  }
0x24: {  	[tilespmem:v24+s12+$0x0] =	vst.idx.add.f32.msk $0xffff, v25  }
0x25: {  	v26 =	vor.u32 $0x1, v24;
	v25 =	vld.idx.msk [tilespmem:v1+s14+$0x0], $0xffff;
	_ =	sdelay $0x4  }
0x26: {  	[tilespmem:v26+s12+$0x0] =	vst.idx.add.f32.msk $0xffff, v25  }
0x27: {  	v24 =	vor.u32 $0x2, v24;
	v25 =	vld.idx.msk [tilespmem:v2+s14+$0x0], $0xffff;
	_ =	sdelay $0x4  }
0x28: {  	[tilespmem:v24+s12+$0x0] =	vst.idx.add.f32.msk $0xffff, v25  }
0x29: {  	v24 =	vld [tilespmem:s21+$0xFFFFFF90];
	_ =	sdelay $0x4  }
0x2a: {  	v25 =	vld.idx.msk [tilespmem:v3+s14+$0x0], $0xffff;
	v24 =	vshll.u32 v24, $0x2;
	_ =	sdelay $0x4  }
0x2b: {  	[tilespmem:v24+s12+$0x0] =	vst.idx.add.f32.msk $0xffff, v25  }
0x2c: {  	v47 =	vor.u32 $0x1, v24;
	v25 =	vld.idx.msk [tilespmem:v4+s14+$0x0], $0xffff;
	_ =	sdelay $0x4  }
0x2d: {  	[tilespmem:v47+s12+$0x0] =	vst.idx.add.f32.msk $0xffff, v25  }
0x2e: {  	v24 =	vor.u32 $0x2, v24;
	v25 =	vld.idx.msk [tilespmem:v5+s14+$0x0], $0xffff;
	_ =	sdelay $0x4  }
0x2f: {  	[tilespmem:v24+s12+$0x0] =	vst.idx.add.f32.msk $0xffff, v25  }
0x30: {  	v24 =	vld [tilespmem:s21+$0xFFFFFFA0];
	_ =	sdelay $0x4  }
0x31: {  	v25 =	vld.idx.msk [tilespmem:v6+s14+$0x0], $0xffff;
	v24 =	vshll.u32 v24, $0x2;
	_ =	sdelay $0x4  }
0x32: {  	[tilespmem:v24+s12+$0x0] =	vst.idx.add.f32.msk $0xffff, v25  }
0x33: {  	v48 =	vor.u32 $0x1, v24;
	v25 =	vld.idx.msk [tilespmem:v7+s14+$0x0], $0xffff;
	_ =	sdelay $0x4  }
0x34: {  	[tilespmem:v48+s12+$0x0] =	vst.idx.add.f32.msk $0xffff, v25  }
0x35: {  	v24 =	vor.u32 $0x2, v24;
	v25 =	vld.idx.msk [tilespmem:v8+s14+$0x0], $0xffff;
	_ =	sdelay $0x4  }
0x36: {  	[tilespmem:v24+s12+$0x0] =	vst.idx.add.f32.msk $0xffff, v25  }
0x37: {  	v24 =	vld [tilespmem:s21+$0xFFFFFFB0];
	_ =	sdelay $0x4  }
0x38: {  	v25 =	vld.idx.msk [tilespmem:v9+s14+$0x0], $0xffff;
	v24 =	vshll.u32 v24, $0x2;
	_ =	sdelay $0x4  }
0x39: {  	[tilespmem:v24+s12+$0x0] =	vst.idx.add.f32.msk $0xffff, v25  }
0x3a: {  	v49 =	vor.u32 $0x1, v24;
	v25 =	vld.idx.msk [tilespmem:v10+s14+$0x0], $0xffff;
	_ =	sdelay $0x4  }
0x3b: {  	[tilespmem:v49+s12+$0x0] =	vst.idx.add.f32.msk $0xffff, v25  }
0x3c: {  	v24 =	vor.u32 $0x2, v24;
	v25 =	vld.idx.msk [tilespmem:v11+s14+$0x0], $0xffff;
	_ =	sdelay $0x4  }
0x3d: {  	[tilespmem:v24+s12+$0x0] =	vst.idx.add.f32.msk $0xffff, v25  }
0x3e: {  	v24 =	vld [tilespmem:s21+$0xFFFFFFC0];
	_ =	sdelay $0x4  }
0x3f: {  	v25 =	vld.idx.msk [tilespmem:v12+s14+$0x0], $0xffff;
	v24 =	vshll.u32 v24, $0x2;
	_ =	sdelay $0x4  }
0x40: {  	[tilespmem:v24+s12+$0x0] =	vst.idx.add.f32.msk $0xffff, v25  }
0x41: {  	v50 =	vor.u32 $0x1, v24;
	v25 =	vld.idx.msk [tilespmem:v13+s14+$0x0], $0xffff;
	_ =	sdelay $0x4  }
0x42: {  	[tilespmem:v50+s12+$0x0] =	vst.idx.add.f32.msk $0xffff, v25  }
0x43: {  	v24 =	vor.u32 $0x2, v24;
	v25 =	vld.idx.msk [tilespmem:v14+s14+$0x0], $0xffff;
	_ =	sdelay $0x4  }
0x44: {  	[tilespmem:v24+s12+$0x0] =	vst.idx.add.f32.msk $0xffff, v25  }
0x45: {  	v24 =	vld [tilespmem:s21+$0xFFFFFFD0];
	_ =	sdelay $0x4  }
0x46: {  	v25 =	vld.idx.msk [tilespmem:v15+s14+$0x0], $0xffff;
	v24 =	vshll.u32 v24, $0x2;
	_ =	sdelay $0x4  }
0x47: {  	[tilespmem:v24+s12+$0x0] =	vst.idx.add.f32.msk $0xffff, v25  }
0x48: {  	v51 =	vor.u32 $0x1, v24;
	v25 =	vld.idx.msk [tilespmem:v16+s14+$0x0], $0xffff;
	_ =	sdelay $0x4  }
0x49: {  	[tilespmem:v51+s12+$0x0] =	vst.idx.add.f32.msk $0xffff, v25  }
0x4a: {  	v24 =	vor.u32 $0x2, v24;
	v25 =	vld.idx.msk [tilespmem:v17+s14+$0x0], $0xffff;
	_ =	sdelay $0x4  }
0x4b: {  	[tilespmem:v24+s12+$0x0] =	vst.idx.add.f32.msk $0xffff, v25  }
0x4c: {  	v24 =	vld [tilespmem:s21+$0xFFFFFFE0];
	_ =	sdelay $0x4  }
0x4d: {  	v25 =	vld.idx.msk [tilespmem:v18+s14+$0x0], $0xffff;
	v24 =	vshll.u32 v24, $0x2;
	_ =	sdelay $0x4  }
0x4e: {  	[tilespmem:v24+s12+$0x0] =	vst.idx.add.f32.msk $0xffff, v25  }
0x4f: {  	v52 =	vor.u32 $0x1, v24;
	v25 =	vld.idx.msk [tilespmem:v19+s14+$0x0], $0xffff;
	_ =	sdelay $0x4  }
0x50: {  	[tilespmem:v52+s12+$0x0] =	vst.idx.add.f32.msk $0xffff, v25  }
0x51: {  	v24 =	vor.u32 $0x2, v24;
	v25 =	vld.idx.msk [tilespmem:v20+s14+$0x0], $0xffff;
	_ =	sdelay $0x4  }
0x52: {  	[tilespmem:v24+s12+$0x0] =	vst.idx.add.f32.msk $0xffff, v25  }
0x53: {  	v24 =	vld [tilespmem:s21+$0xFFFFFFF0];
	_ =	sdelay $0x4  }
0x54: {  	v25 =	vld.idx.msk [tilespmem:v21+s14+$0x0], $0xffff;
	v24 =	vshll.u32 v24, $0x2;
	_ =	sdelay $0x4  }
0x55: {  	[tilespmem:v24+s12+$0x0] =	vst.idx.add.f32.msk $0xffff, v25  }
0x56: {  	v53 =	vor.u32 $0x1, v24;
	v25 =	vld.idx.msk [tilespmem:v22+s14+$0x0], $0xffff;
	_ =	sdelay $0x4  }
0x57: {  	[tilespmem:v53+s12+$0x0] =	vst.idx.add.f32.msk $0xffff, v25  }
0x58: {  	v24 =	vor.u32 $0x2, v24;
	v25 =	vld.idx.msk [tilespmem:v23+s14+$0x0], $0xffff;
	_ =	sdelay $0x2  }
0x59: {  	p0 =	seq.s32 s22, $0x27000  }
0x5a: {  	s23 =	sadd.s32 @!p0 s22, s10  }
0x5b: {  	s24 =	simm.s32 @!p0 $0x0;
	s25 =	simm.s32 @!p0 $0x2800;
	s23 =	sadd.s32 @!p0 $0x1000, s23;
	[tilespmem:v24+s12+$0x0] =	vst.idx.add.f32.msk $0xffff, v25  }
0x5c: {  	[tilespmem:s25], [sflag:$0x1] =	stream.linear.gather @!p0 [hbm4b:s23+s24], $0x4000, $0x38;
	[tilespmem:$0x14480] =	vst v63  }
0x5d: {  	_ =	swait.ge [sflag:s17], $0x4000  }
0x5e: {  	[sflag:s17] =	ssyncset.done $0x0  }
0x5f: {  	[sflag:s17] =	ssyncadd.s32 $0xFFFFC000  }
0x60: {  	v54 =	vld [tilespmem:s21+$0x0];
	_ =	sdelay $0x4  }
0x61: {  	v55 =	vld.idx.msk [tilespmem:v0+s15+$0x0], $0xffff;
	v24 =	vshll.u32 v54, $0x2;
	_ =	sdelay $0x4  }
0x62: {  	[tilespmem:v24+s12+$0x0] =	vst.idx.add.f32.msk $0xffff, v55  }
0x63: {  	v56 =	vor.u32 $0x1, v24;
	v25 =	vld.idx.msk [tilespmem:v1+s15+$0x0], $0xffff;
	_ =	sdelay $0x4  }
0x64: {  	[tilespmem:v56+s12+$0x0] =	vst.idx.add.f32.msk $0xffff, v25  }
0x65: {  	v24 =	vor.u32 $0x2, v24;
	v25 =	vld.idx.msk [tilespmem:v2+s15+$0x0], $0xffff;
	_ =	sdelay $0x4  }
0x66: {  	[tilespmem:v24+s12+$0x0] =	vst.idx.add.f32.msk $0xffff, v25  }
0x67: {  	v24 =	vld [tilespmem:s21+$0x10];
	_ =	sdelay $0x4  }
0x68: {  	v25 =	vld.idx.msk [tilespmem:v3+s15+$0x0], $0xffff;
	v24 =	vshll.u32 v24, $0x2;
	_ =	sdelay $0x4  }
0x69: {  	[tilespmem:v24+s12+$0x0] =	vst.idx.add.f32.msk $0xffff, v25  }
0x6a: {  	v57 =	vor.u32 $0x1, v24;
	v25 =	vld.idx.msk [tilespmem:v4+s15+$0x0], $0xffff;
	_ =	sdelay $0x4  }
0x6b: {  	[tilespmem:v57+s12+$0x0] =	vst.idx.add.f32.msk $0xffff, v25  }
0x6c: {  	v24 =	vor.u32 $0x2, v24;
	v25 =	vld.idx.msk [tilespmem:v5+s15+$0x0], $0xffff;
	_ =	sdelay $0x4  }
0x6d: {  	[tilespmem:v24+s12+$0x0] =	vst.idx.add.f32.msk $0xffff, v25  }
0x6e: {  	v24 =	vld [tilespmem:s21+$0x20];
	_ =	sdelay $0x4  }
0x6f: {  	v25 =	vld.idx.msk [tilespmem:v6+s15+$0x0], $0xffff;
	v24 =	vshll.u32 v24, $0x2;
	_ =	sdelay $0x4  }
0x70: {  	[tilespmem:v24+s12+$0x0] =	vst.idx.add.f32.msk $0xffff, v25  }
0x71: {  	v58 =	vor.u32 $0x1, v24;
	v25 =	vld.idx.msk [tilespmem:v7+s15+$0x0], $0xffff;
	_ =	sdelay $0x4  }
0x72: {  	[tilespmem:v58+s12+$0x0] =	vst.idx.add.f32.msk $0xffff, v25  }
0x73: {  	v24 =	vor.u32 $0x2, v24;
	v25 =	vld.idx.msk [tilespmem:v8+s15+$0x0], $0xffff;
	_ =	sdelay $0x4  }
0x74: {  	[tilespmem:v24+s12+$0x0] =	vst.idx.add.f32.msk $0xffff, v25  }
0x75: {  	v24 =	vld [tilespmem:s21+$0x30];
	_ =	sdelay $0x4  }
0x76: {  	v25 =	vld.idx.msk [tilespmem:v9+s15+$0x0], $0xffff;
	v24 =	vshll.u32 v24, $0x2;
	_ =	sdelay $0x4  }
0x77: {  	[tilespmem:v24+s12+$0x0] =	vst.idx.add.f32.msk $0xffff, v25  }
0x78: {  	v59 =	vor.u32 $0x1, v24;
	v25 =	vld.idx.msk [tilespmem:v10+s15+$0x0], $0xffff;
	_ =	sdelay $0x4  }
0x79: {  	[tilespmem:v59+s12+$0x0] =	vst.idx.add.f32.msk $0xffff, v25  }
0x7a: {  	v24 =	vor.u32 $0x2, v24;
	v25 =	vld.idx.msk [tilespmem:v11+s15+$0x0], $0xffff;
	_ =	sdelay $0x4  }
0x7b: {  	[tilespmem:v24+s12+$0x0] =	vst.idx.add.f32.msk $0xffff, v25  }
0x7c: {  	v24 =	vld [tilespmem:s21+$0x40];
	_ =	sdelay $0x4  }
0x7d: {  	v25 =	vld.idx.msk [tilespmem:v12+s15+$0x0], $0xffff;
	v24 =	vshll.u32 v24, $0x2;
	_ =	sdelay $0x4  }
0x7e: {  	[tilespmem:v24+s12+$0x0] =	vst.idx.add.f32.msk $0xffff, v25  }
0x7f: {  	v60 =	vor.u32 $0x1, v24;
	v25 =	vld.idx.msk [tilespmem:v13+s15+$0x0], $0xffff;
	_ =	sdelay $0x4  }
0x80: {  	[tilespmem:v60+s12+$0x0] =	vst.idx.add.f32.msk $0xffff, v25  }
0x81: {  	v24 =	vor.u32 $0x2, v24;
	v25 =	vld.idx.msk [tilespmem:v14+s15+$0x0], $0xffff;
	_ =	sdelay $0x4  }
0x82: {  	[tilespmem:v24+s12+$0x0] =	vst.idx.add.f32.msk $0xffff, v25  }
0x83: {  	v24 =	vld [tilespmem:s21+$0x50];
	_ =	sdelay $0x4  }
0x84: {  	v25 =	vld.idx.msk [tilespmem:v15+s15+$0x0], $0xffff;
	v24 =	vshll.u32 v24, $0x2;
	_ =	sdelay $0x4  }
0x85: {  	[tilespmem:v24+s12+$0x0] =	vst.idx.add.f32.msk $0xffff, v25  }
0x86: {  	v61 =	vor.u32 $0x1, v24;
	v25 =	vld.idx.msk [tilespmem:v16+s15+$0x0], $0xffff;
	_ =	sdelay $0x4  }
0x87: {  	[tilespmem:v61+s12+$0x0] =	vst.idx.add.f32.msk $0xffff, v25  }
0x88: {  	v24 =	vor.u32 $0x2, v24;
	v25 =	vld.idx.msk [tilespmem:v17+s15+$0x0], $0xffff;
	_ =	sdelay $0x4  }
0x89: {  	[tilespmem:v24+s12+$0x0] =	vst.idx.add.f32.msk $0xffff, v25  }
0x8a: {  	v24 =	vld [tilespmem:s21+$0x60];
	_ =	sdelay $0x4  }
0x8b: {  	v25 =	vld.idx.msk [tilespmem:v18+s15+$0x0], $0xffff;
	v24 =	vshll.u32 v24, $0x2;
	_ =	sdelay $0x4  }
0x8c: {  	[tilespmem:v24+s12+$0x0] =	vst.idx.add.f32.msk $0xffff, v25  }
0x8d: {  	v62 =	vor.u32 $0x1, v24;
	v25 =	vld.idx.msk [tilespmem:v19+s15+$0x0], $0xffff;
	_ =	sdelay $0x4  }
0x8e: {  	[tilespmem:v62+s12+$0x0] =	vst.idx.add.f32.msk $0xffff, v25  }
0x8f: {  	v24 =	vor.u32 $0x2, v24;
	v25 =	vld.idx.msk [tilespmem:v20+s15+$0x0], $0xffff;
	_ =	sdelay $0x4  }
0x90: {  	[tilespmem:v24+s12+$0x0] =	vst.idx.add.f32.msk $0xffff, v25  }
0x91: {  	v24 =	vld [tilespmem:s21+$0x70];
	_ =	sdelay $0x4  }
0x92: {  	v25 =	vld.idx.msk [tilespmem:v21+s15+$0x0], $0xffff;
	v24 =	vshll.u32 v24, $0x2;
	_ =	sdelay $0x4  }
0x93: {  	[tilespmem:v24+s12+$0x0] =	vst.idx.add.f32.msk $0xffff, v25  }
0x94: {  	v63 =	vor.u32 $0x1, v24;
	v25 =	vld.idx.msk [tilespmem:v22+s15+$0x0], $0xffff;
	_ =	sdelay $0x4  }
0x95: {  	s22 =	sadd.s32 $0x1000, s22;
	[tilespmem:v63+s12+$0x0] =	vst.idx.add.f32.msk $0xffff, v25  }
0x96: {  	p0 =	sne.s32 s22, $0x28000;
	v24 =	vor.u32 $0x2, v24;
	v25 =	vld.idx.msk [tilespmem:v23+s15+$0x0], $0xffff  }
.Ltmp0:
0x97: {  	_ = 	snop;
	(pc) =	sbr.rel @p0 .LBB2_2-.Ltmp0, $2  }
0x98: {  	_ =	sdelay $0x2  }
0x99: {  	s21 =	sadd.s32 $0x100, s21;
	[tilespmem:v24+s12+$0x0] =	vst.idx.add.f32.msk $0xffff, v25  }
0x9a: {  	s21 =	simm.s32 $0x0  }
0x9b: {  	[tilespmem:s21], [sflag:$0x3] =	stream.linear.gather [hbm4b:s6+s21], $0x1400, $0x38;
	[tilespmem:$0x14480] =	vst v63  }
0x9c: {  	_ =	swait.ge [sflag:s13], $0x1400  }
0x9d: {  	[sflag:s13] =	ssyncset.done $0x0  }
0x9e: {  	s22 =	simm.s32 $0x80;
	[sflag:s13] =	ssyncadd.s32 $0xFFFFEC00  }
0x9f: {  	[tilespmem:s14], [sflag:$0x1] =	stream.linear.gather [hbm4b:s7+s21], $0x4000, $0x38;
	[tilespmem:$0x14480] =	vst v63  }
.LBB2_4:
0xa0: {  	s23 =	sadd.s32 s21, s11  }
0xa1: {  	s23 =	sadd.s32 $0x800, s23  }
0xa2: {  	[tilespmem:s15], [sflag:$0x2] =	stream.linear.gather [hbm4b:s23+s2], $0x4000, $0x38;
	[tilespmem:$0x14480] =	vst v63  }
0xa3: {  	_ =	swait.ge [sflag:s16], $0x4000  }
0xa4: {  	[sflag:s16] =	ssyncset.done $0x0  }
0xa5: {  	[sflag:s16] =	ssyncadd.s32 $0xFFFFC000  }
0xa6: {  	v24 =	vld [tilespmem:s22+$0xFFFFFF80];
	_ =	sdelay $0x4  }
0xa7: {  	v25 =	vld.idx.msk [tilespmem:v0+s14+$0x0], $0xffff;
	v24 =	vshll.u32 v24, $0x2;
	_ =	sdelay $0x4  }
0xa8: {  	[tilespmem:v24+s12+$0x0] =	vst.idx.add.f32.msk $0xffff, v25  }
0xa9: {  	v26 =	vor.u32 $0x1, v24;
	v25 =	vld.idx.msk [tilespmem:v1+s14+$0x0], $0xffff;
	_ =	sdelay $0x4  }
0xaa: {  	[tilespmem:v26+s12+$0x0] =	vst.idx.add.f32.msk $0xffff, v25  }
0xab: {  	v24 =	vor.u32 $0x2, v24;
	v25 =	vld.idx.msk [tilespmem:v2+s14+$0x0], $0xffff;
	_ =	sdelay $0x4  }
0xac: {  	[tilespmem:v24+s12+$0x0] =	vst.idx.add.f32.msk $0xffff, v25  }
0xad: {  	v24 =	vld [tilespmem:s22+$0xFFFFFF90];
	_ =	sdelay $0x4  }
0xae: {  	v25 =	vld.idx.msk [tilespmem:v3+s14+$0x0], $0xffff;
	v24 =	vshll.u32 v24, $0x2;
	_ =	sdelay $0x4  }
0xaf: {  	[tilespmem:v24+s12+$0x0] =	vst.idx.add.f32.msk $0xffff, v25  }
0xb0: {  	v47 =	vor.u32 $0x1, v24;
	v25 =	vld.idx.msk [tilespmem:v4+s14+$0x0], $0xffff;
	_ =	sdelay $0x4  }
0xb1: {  	[tilespmem:v47+s12+$0x0] =	vst.idx.add.f32.msk $0xffff, v25  }
0xb2: {  	v24 =	vor.u32 $0x2, v24;
	v25 =	vld.idx.msk [tilespmem:v5+s14+$0x0], $0xffff;
	_ =	sdelay $0x4  }
0xb3: {  	[tilespmem:v24+s12+$0x0] =	vst.idx.add.f32.msk $0xffff, v25  }
0xb4: {  	v24 =	vld [tilespmem:s22+$0xFFFFFFA0];
	_ =	sdelay $0x4  }
0xb5: {  	v25 =	vld.idx.msk [tilespmem:v6+s14+$0x0], $0xffff;
	v24 =	vshll.u32 v24, $0x2;
	_ =	sdelay $0x4  }
0xb6: {  	[tilespmem:v24+s12+$0x0] =	vst.idx.add.f32.msk $0xffff, v25  }
0xb7: {  	v48 =	vor.u32 $0x1, v24;
	v25 =	vld.idx.msk [tilespmem:v7+s14+$0x0], $0xffff;
	_ =	sdelay $0x4  }
0xb8: {  	[tilespmem:v48+s12+$0x0] =	vst.idx.add.f32.msk $0xffff, v25  }
0xb9: {  	v24 =	vor.u32 $0x2, v24;
	v25 =	vld.idx.msk [tilespmem:v8+s14+$0x0], $0xffff;
	_ =	sdelay $0x4  }
0xba: {  	[tilespmem:v24+s12+$0x0] =	vst.idx.add.f32.msk $0xffff, v25  }
0xbb: {  	v24 =	vld [tilespmem:s22+$0xFFFFFFB0];
	_ =	sdelay $0x4  }
0xbc: {  	v25 =	vld.idx.msk [tilespmem:v9+s14+$0x0], $0xffff;
	v24 =	vshll.u32 v24, $0x2;
	_ =	sdelay $0x4  }
0xbd: {  	[tilespmem:v24+s12+$0x0] =	vst.idx.add.f32.msk $0xffff, v25  }
0xbe: {  	v49 =	vor.u32 $0x1, v24;
	v25 =	vld.idx.msk [tilespmem:v10+s14+$0x0], $0xffff;
	_ =	sdelay $0x4  }
0xbf: {  	[tilespmem:v49+s12+$0x0] =	vst.idx.add.f32.msk $0xffff, v25  }
0xc0: {  	v24 =	vor.u32 $0x2, v24;
	v25 =	vld.idx.msk [tilespmem:v11+s14+$0x0], $0xffff;
	_ =	sdelay $0x4  }
0xc1: {  	[tilespmem:v24+s12+$0x0] =	vst.idx.add.f32.msk $0xffff, v25  }
0xc2: {  	v24 =	vld [tilespmem:s22+$0xFFFFFFC0];
	_ =	sdelay $0x4  }
0xc3: {  	v25 =	vld.idx.msk [tilespmem:v12+s14+$0x0], $0xffff;
	v24 =	vshll.u32 v24, $0x2;
	_ =	sdelay $0x4  }
0xc4: {  	[tilespmem:v24+s12+$0x0] =	vst.idx.add.f32.msk $0xffff, v25  }
0xc5: {  	v50 =	vor.u32 $0x1, v24;
	v25 =	vld.idx.msk [tilespmem:v13+s14+$0x0], $0xffff;
	_ =	sdelay $0x4  }
0xc6: {  	[tilespmem:v50+s12+$0x0] =	vst.idx.add.f32.msk $0xffff, v25  }
0xc7: {  	v24 =	vor.u32 $0x2, v24;
	v25 =	vld.idx.msk [tilespmem:v14+s14+$0x0], $0xffff;
	_ =	sdelay $0x4  }
0xc8: {  	[tilespmem:v24+s12+$0x0] =	vst.idx.add.f32.msk $0xffff, v25  }
0xc9: {  	v24 =	vld [tilespmem:s22+$0xFFFFFFD0];
	_ =	sdelay $0x4  }
0xca: {  	v25 =	vld.idx.msk [tilespmem:v15+s14+$0x0], $0xffff;
	v24 =	vshll.u32 v24, $0x2;
	_ =	sdelay $0x4  }
0xcb: {  	[tilespmem:v24+s12+$0x0] =	vst.idx.add.f32.msk $0xffff, v25  }
0xcc: {  	v51 =	vor.u32 $0x1, v24;
	v25 =	vld.idx.msk [tilespmem:v16+s14+$0x0], $0xffff;
	_ =	sdelay $0x4  }
0xcd: {  	[tilespmem:v51+s12+$0x0] =	vst.idx.add.f32.msk $0xffff, v25  }
0xce: {  	v24 =	vor.u32 $0x2, v24;
	v25 =	vld.idx.msk [tilespmem:v17+s14+$0x0], $0xffff;
	_ =	sdelay $0x4  }
0xcf: {  	[tilespmem:v24+s12+$0x0] =	vst.idx.add.f32.msk $0xffff, v25  }
0xd0: {  	v24 =	vld [tilespmem:s22+$0xFFFFFFE0];
	_ =	sdelay $0x4  }
0xd1: {  	v25 =	vld.idx.msk [tilespmem:v18+s14+$0x0], $0xffff;
	v24 =	vshll.u32 v24, $0x2;
	_ =	sdelay $0x4  }
0xd2: {  	[tilespmem:v24+s12+$0x0] =	vst.idx.add.f32.msk $0xffff, v25  }
0xd3: {  	v52 =	vor.u32 $0x1, v24;
	v25 =	vld.idx.msk [tilespmem:v19+s14+$0x0], $0xffff;
	_ =	sdelay $0x4  }
0xd4: {  	[tilespmem:v52+s12+$0x0] =	vst.idx.add.f32.msk $0xffff, v25  }
0xd5: {  	v24 =	vor.u32 $0x2, v24;
	v25 =	vld.idx.msk [tilespmem:v20+s14+$0x0], $0xffff;
	_ =	sdelay $0x4  }
0xd6: {  	[tilespmem:v24+s12+$0x0] =	vst.idx.add.f32.msk $0xffff, v25  }
0xd7: {  	v24 =	vld [tilespmem:s22+$0xFFFFFFF0];
	_ =	sdelay $0x4  }
0xd8: {  	v25 =	vld.idx.msk [tilespmem:v21+s14+$0x0], $0xffff;
	v24 =	vshll.u32 v24, $0x2;
	_ =	sdelay $0x4  }
0xd9: {  	[tilespmem:v24+s12+$0x0] =	vst.idx.add.f32.msk $0xffff, v25  }
0xda: {  	v53 =	vor.u32 $0x1, v24;
	v25 =	vld.idx.msk [tilespmem:v22+s14+$0x0], $0xffff;
	_ =	sdelay $0x4  }
0xdb: {  	[tilespmem:v53+s12+$0x0] =	vst.idx.add.f32.msk $0xffff, v25  }
0xdc: {  	v24 =	vor.u32 $0x2, v24;
	v25 =	vld.idx.msk [tilespmem:v23+s14+$0x0], $0xffff;
	_ =	sdelay $0x2  }
0xdd: {  	p0 =	seq.s32 s21, $0x13000  }
0xde: {  	s23 =	sadd.s32 @!p0 s21, s11  }
0xdf: {  	s24 =	simm.s32 @!p0 $0x0;
	s25 =	simm.s32 @!p0 $0x2800;
	s23 =	sadd.s32 @!p0 $0x1000, s23;
	[tilespmem:v24+s12+$0x0] =	vst.idx.add.f32.msk $0xffff, v25  }
0xe0: {  	[tilespmem:s25], [sflag:$0x1] =	stream.linear.gather @!p0 [hbm4b:s23+s24], $0x4000, $0x38;
	[tilespmem:$0x14480] =	vst v63  }
0xe1: {  	_ =	swait.ge [sflag:s17], $0x4000  }
0xe2: {  	[sflag:s17] =	ssyncset.done $0x0  }
0xe3: {  	[sflag:s17] =	ssyncadd.s32 $0xFFFFC000  }
0xe4: {  	v54 =	vld [tilespmem:s22+$0x0];
	_ =	sdelay $0x4  }
0xe5: {  	v55 =	vld.idx.msk [tilespmem:v0+s15+$0x0], $0xffff;
	v24 =	vshll.u32 v54, $0x2;
	_ =	sdelay $0x4  }
0xe6: {  	[tilespmem:v24+s12+$0x0] =	vst.idx.add.f32.msk $0xffff, v55  }
0xe7: {  	v56 =	vor.u32 $0x1, v24;
	v25 =	vld.idx.msk [tilespmem:v1+s15+$0x0], $0xffff;
	_ =	sdelay $0x4  }
0xe8: {  	[tilespmem:v56+s12+$0x0] =	vst.idx.add.f32.msk $0xffff, v25  }
0xe9: {  	v24 =	vor.u32 $0x2, v24;
	v25 =	vld.idx.msk [tilespmem:v2+s15+$0x0], $0xffff;
	_ =	sdelay $0x4  }
0xea: {  	[tilespmem:v24+s12+$0x0] =	vst.idx.add.f32.msk $0xffff, v25  }
0xeb: {  	v24 =	vld [tilespmem:s22+$0x10];
	_ =	sdelay $0x4  }
0xec: {  	v25 =	vld.idx.msk [tilespmem:v3+s15+$0x0], $0xffff;
	v24 =	vshll.u32 v24, $0x2;
	_ =	sdelay $0x4  }
0xed: {  	[tilespmem:v24+s12+$0x0] =	vst.idx.add.f32.msk $0xffff, v25  }
0xee: {  	v57 =	vor.u32 $0x1, v24;
	v25 =	vld.idx.msk [tilespmem:v4+s15+$0x0], $0xffff;
	_ =	sdelay $0x4  }
0xef: {  	[tilespmem:v57+s12+$0x0] =	vst.idx.add.f32.msk $0xffff, v25  }
0xf0: {  	v24 =	vor.u32 $0x2, v24;
	v25 =	vld.idx.msk [tilespmem:v5+s15+$0x0], $0xffff;
	_ =	sdelay $0x4  }
0xf1: {  	[tilespmem:v24+s12+$0x0] =	vst.idx.add.f32.msk $0xffff, v25  }
0xf2: {  	v24 =	vld [tilespmem:s22+$0x20];
	_ =	sdelay $0x4  }
0xf3: {  	v25 =	vld.idx.msk [tilespmem:v6+s15+$0x0], $0xffff;
	v24 =	vshll.u32 v24, $0x2;
	_ =	sdelay $0x4  }
0xf4: {  	[tilespmem:v24+s12+$0x0] =	vst.idx.add.f32.msk $0xffff, v25  }
0xf5: {  	v58 =	vor.u32 $0x1, v24;
	v25 =	vld.idx.msk [tilespmem:v7+s15+$0x0], $0xffff;
	_ =	sdelay $0x4  }
0xf6: {  	[tilespmem:v58+s12+$0x0] =	vst.idx.add.f32.msk $0xffff, v25  }
0xf7: {  	v24 =	vor.u32 $0x2, v24;
	v25 =	vld.idx.msk [tilespmem:v8+s15+$0x0], $0xffff;
	_ =	sdelay $0x4  }
0xf8: {  	[tilespmem:v24+s12+$0x0] =	vst.idx.add.f32.msk $0xffff, v25  }
0xf9: {  	v24 =	vld [tilespmem:s22+$0x30];
	_ =	sdelay $0x4  }
0xfa: {  	v25 =	vld.idx.msk [tilespmem:v9+s15+$0x0], $0xffff;
	v24 =	vshll.u32 v24, $0x2;
	_ =	sdelay $0x4  }
0xfb: {  	[tilespmem:v24+s12+$0x0] =	vst.idx.add.f32.msk $0xffff, v25  }
0xfc: {  	v59 =	vor.u32 $0x1, v24;
	v25 =	vld.idx.msk [tilespmem:v10+s15+$0x0], $0xffff;
	_ =	sdelay $0x4  }
0xfd: {  	[tilespmem:v59+s12+$0x0] =	vst.idx.add.f32.msk $0xffff, v25  }
0xfe: {  	v24 =	vor.u32 $0x2, v24;
	v25 =	vld.idx.msk [tilespmem:v11+s15+$0x0], $0xffff;
	_ =	sdelay $0x4  }
0xff: {  	[tilespmem:v24+s12+$0x0] =	vst.idx.add.f32.msk $0xffff, v25  }
0x100: {  	v24 =	vld [tilespmem:s22+$0x40];
	_ =	sdelay $0x4  }
0x101: {  	v25 =	vld.idx.msk [tilespmem:v12+s15+$0x0], $0xffff;
	v24 =	vshll.u32 v24, $0x2;
	_ =	sdelay $0x4  }
0x102: {  	[tilespmem:v24+s12+$0x0] =	vst.idx.add.f32.msk $0xffff, v25  }
0x103: {  	v60 =	vor.u32 $0x1, v24;
	v25 =	vld.idx.msk [tilespmem:v13+s15+$0x0], $0xffff;
	_ =	sdelay $0x4  }
0x104: {  	[tilespmem:v60+s12+$0x0] =	vst.idx.add.f32.msk $0xffff, v25  }
0x105: {  	v24 =	vor.u32 $0x2, v24;
	v25 =	vld.idx.msk [tilespmem:v14+s15+$0x0], $0xffff;
	_ =	sdelay $0x4  }
0x106: {  	[tilespmem:v24+s12+$0x0] =	vst.idx.add.f32.msk $0xffff, v25  }
0x107: {  	v24 =	vld [tilespmem:s22+$0x50];
	_ =	sdelay $0x4  }
0x108: {  	v25 =	vld.idx.msk [tilespmem:v15+s15+$0x0], $0xffff;
	v24 =	vshll.u32 v24, $0x2;
	_ =	sdelay $0x4  }
0x109: {  	[tilespmem:v24+s12+$0x0] =	vst.idx.add.f32.msk $0xffff, v25  }
0x10a: {  	v61 =	vor.u32 $0x1, v24;
	v25 =	vld.idx.msk [tilespmem:v16+s15+$0x0], $0xffff;
	_ =	sdelay $0x4  }
0x10b: {  	[tilespmem:v61+s12+$0x0] =	vst.idx.add.f32.msk $0xffff, v25  }
0x10c: {  	v24 =	vor.u32 $0x2, v24;
	v25 =	vld.idx.msk [tilespmem:v17+s15+$0x0], $0xffff;
	_ =	sdelay $0x4  }
0x10d: {  	[tilespmem:v24+s12+$0x0] =	vst.idx.add.f32.msk $0xffff, v25  }
0x10e: {  	v24 =	vld [tilespmem:s22+$0x60];
	_ =	sdelay $0x4  }
0x10f: {  	v25 =	vld.idx.msk [tilespmem:v18+s15+$0x0], $0xffff;
	v24 =	vshll.u32 v24, $0x2;
	_ =	sdelay $0x4  }
0x110: {  	[tilespmem:v24+s12+$0x0] =	vst.idx.add.f32.msk $0xffff, v25  }
0x111: {  	v62 =	vor.u32 $0x1, v24;
	v25 =	vld.idx.msk [tilespmem:v19+s15+$0x0], $0xffff;
	_ =	sdelay $0x4  }
0x112: {  	[tilespmem:v62+s12+$0x0] =	vst.idx.add.f32.msk $0xffff, v25  }
0x113: {  	v24 =	vor.u32 $0x2, v24;
	v25 =	vld.idx.msk [tilespmem:v20+s15+$0x0], $0xffff;
	_ =	sdelay $0x4  }
0x114: {  	[tilespmem:v24+s12+$0x0] =	vst.idx.add.f32.msk $0xffff, v25  }
0x115: {  	v24 =	vld [tilespmem:s22+$0x70];
	_ =	sdelay $0x4  }
0x116: {  	v25 =	vld.idx.msk [tilespmem:v21+s15+$0x0], $0xffff;
	v24 =	vshll.u32 v24, $0x2;
	_ =	sdelay $0x4  }
0x117: {  	[tilespmem:v24+s12+$0x0] =	vst.idx.add.f32.msk $0xffff, v25  }
0x118: {  	v63 =	vor.u32 $0x1, v24;
	v25 =	vld.idx.msk [tilespmem:v22+s15+$0x0], $0xffff;
	_ =	sdelay $0x4  }
0x119: {  	s21 =	sadd.s32 $0x1000, s21;
	[tilespmem:v63+s12+$0x0] =	vst.idx.add.f32.msk $0xffff, v25  }
0x11a: {  	p0 =	sne.s32 s21, $0x14000;
	v24 =	vor.u32 $0x2, v24;
	v25 =	vld.idx.msk [tilespmem:v23+s15+$0x0], $0xffff  }
.Ltmp1:
0x11b: {  	_ = 	snop;
	(pc) =	sbr.rel @p0 .LBB2_4-.Ltmp1, $2  }
0x11c: {  	_ =	sdelay $0x2  }
0x11d: {  	s22 =	sadd.s32 $0x100, s22;
	[tilespmem:v24+s12+$0x0] =	vst.idx.add.f32.msk $0xffff, v25  }
0x11e: {  	s20 =	sadd.s32 $0x1, s20  }
0x11f: {  	p0 =	sne.s32 s20, s9  }
.Ltmp2:
0x120: {  	_ = 	snop;
	(pc) =	sbr.rel @p0 .LBB2_1-.Ltmp2, $4  }
0x121: {  	[hbm4b:s8+s18] =	stream.strided.scatter [tilespmem:s12], [sflag:$0x3], $0x9C80, s19, s18, $0x38;
	[tilespmem:$0x14480] =	vst v63  }
0x122: {  	_ =	swait.ge [sflag:s13], $0x9C80  }
0x123: {  	[sflag:s13] =	ssyncset.done $0x0  }
0x124: {  	[sflag:s13] =	ssyncadd.s32 $0xFFFF6380  }
0x125: {  	_ =	sfence.sel $0x180000  }
0x126: {  	[bflag:$0x0] =	sbarrier.arrive $0xFFFF  }
0x127: {  	p0 =	sne.s32 s1, $0x0;
	_ =	strace $0x9000004D  }
0x128: {  	s0 =	sadd.s32 @!p0 $0x100000, s0;
	[bflag:$0x2] =	sbarrier.arrive $0xFFFF  }
0x129: {  	[sflag:s0] =	ssyncadd.tile.s32 @!p0 $0x1;
	_ =	shalt  }
.Lfunc_end2:
_tile_overlayer_lowered:
.L_overlay_start_2:
0x12a: {  	(tag) =	ssettag $0x2  }
0x12b: {  	s0 =	rddreg [dreg:$0x0];
	s2 =	stileid.u32  }
0x12c: {  	s1 =	rddreg [dreg:$0x1];
	p0 =	sne.s32 s2, $0x0  }
0x12d: {  	s3 =	rddreg [dreg:$0x2];
	[bflag:$0x3] =	sbarrier.arrive $0xFFFF;
	s2 =	simm.s32 @!p0 $0x1C03  }
0x12e: {  	[timem:s3], [sflag:s2] =	dma.local @!p0 [hbm:s0], s1  }
0x12f: {  	s0 =	simm.s32 @!p0 $0x3  }
0x130: {  	_ =	swait.ge @!p0 [sflag:s0], s1  }
0x131: {  	s1 =	ssub.s32 @!p0 $0x0, s1;
	[sflag:s0] =	ssyncset.done @!p0 $0x0  }
0x132: {  	[sflag:s0] =	ssyncadd.s32 @!p0 s1  }
0x133: {  	[bflag:$0x3] =	sbarrier.arrive $0xFFFF  }
0x134: {  	_ =	shalt  }

// kernel: kernel.9.cloned.1.call-start
scs
__scs_entry_jumppad:
0x0: {  	(pc) =	sbr.rel $0x88, $3  }
0x1: {  	(tag) =	ssettag $0x0;
	lr =	simm.s32 $0x1  }
0x2: {  	[smem:$0x3F7E] =	sst lr;
	_ =	strace $0xD0000000  }
0x3: {  	_ = 	snop  }
0x4: {  	_ = 	snop  }
0x5: {  	_ = 	snop  }
0x6: {  	_ = 	snop  }
0x7: {  	_ = 	snop  }
__scs_overlays_trampoline_lowered:
0x8: {  	[smem:$0x3F8D] =	sst s0  }
0x9: {  	[smem:$0x3F8E] =	sst s1  }
0xa: {  	[smem:$0x3F8F] =	sst s2  }
0xb: {  	[smem:$0x3F90] =	sst s3  }
0xc: {  	[smem:$0x3F91] =	sst s4  }
0xd: {  	[smem:$0x3F92] =	sst s5  }
0xe: {  	[smem:$0x3F93] =	sst s6  }
0xf: {  	[smem:$0x3F94] =	sst s7  }
0x10: {  	[smem:$0x3F95] =	sst s8  }
0x11: {  	[smem:$0x3F96] =	sst s9;
	s0 =	simm.s32 @!p0 $0x0  }
0x12: {  	s1 =	sld [smem:$0x3F7C];
	s0 =	simm.s32 @p0 $0x1  }
0x13: {  	[smem:$0x3F97] =	sst s0;
	s0 =	simm.s32 @!p1 $0x0  }
0x14: {  	s2 =	sld [smem:$0x3F7B];
	s0 =	simm.s32 @p1 $0x1  }
0x15: {  	[smem:$0x3F98] =	sst s0;
	s0 =	simm.s32 @!p2 $0x0  }
0x16: {  	s3 =	sld [smem:$0x3FDB];
	s0 =	simm.s32 @p2 $0x1  }
0x17: {  	s4 =	simm.s32 $0x1BF5;
	[smem:$0x3F9A] =	sst s0  }
0x18: {  	s0 =	sld [smem:$0x3F7D];
	_ =	swait.ge [sflag:s4], $0x0  }
0x19: {  	s7 =	sld [smem:$0x3F7E]  }
0x1a: {  	s8 =	sadd.s32 $0xFFFFE003, lr  }
0x1b: {  	s9 =	sadd.s32 $0xFFFFFEF7, lr;
	s5 =	simm.s32 $0xFFFFFFFF;
	p2 =	slt.u32 s8, $0xFFFFF086  }
0x1c: {  	p1 =	slt.u32 s9, $0xF7A;
	s5 =	simm.s32 @!p2 $0x0  }
0x1d: {  	s5 =	simm.s32 @p1 $0x1;
	p0 =	seq.s32 s7, s2  }
0x1e: {  	s7 =	smul.u32 @!p0 $0xF7A, s2;
	p2 =	seq.s32 @!p0 s5, $0x0  }
0x1f: {  	s9 =	smul.u32 $0xF7A, s1;
	s8 =	simm.s32 @!p0 $0x1BF5;
	p2 =	por !p2, p0  }
0x20: {  	[sflag:s8] =	ssyncset.s32 @!p0 $0xFFFFF086;
	s6 =	sadd.s32 @!p0 s3, s7;
	s7 =	simm.s32 @!p0 $0x108  }
0x21: {  	s3 =	sadd.s32 s3, s9;
	s6 =	sadd.s32 @!p0 $0x88, s6;
	s7 =	simm.s32 @p2 $0x1082  }
0x22: {  	[simem:s7], [sflag:s8] =	dma.local @!p0 [hbm:s6], $0xF7A  }
0x23: {  	s9 =	sor.u32 $0xD0000000, s2;
	s6 =	simm.s32 $0x108;
	_ =	swait.ge @!p0 [sflag:s8], $0x0  }
0x24: {  	s3 =	sadd.s32 $0x88, s3;
	s6 =	simm.s32 @!p1 $0x1082;
	[sflag:s4] =	ssyncset.s32 $0xFFFFF086  }
0x25: {  	[simem:s6], [sflag:s4] =	dma.local [hbm:s3], $0xF7A  }
0x26: {  	[smem:$0x3F7E] =	sst s1;
	(tag) =	ssettag s2;
	_ =	strace s9  }
0x27: {  	s1 =	sld [smem:$0x3F8E]  }
0x28: {  	s2 =	sld [smem:$0x3F8F]  }
0x29: {  	s4 =	sld [smem:$0x3F91]  }
0x2a: {  	p0 =	seq.s32 s5, $0x0;
	s5 =	sld [smem:$0x3F92]  }
0x2b: {  	s6 =	sld [smem:$0x3F93]  }
0x2c: {  	s7 =	sld [smem:$0x3F94]  }
0x2d: {  	s3 =	simm.s32 $0x108;
	s8 =	sld [smem:$0x3F95]  }
0x2e: {  	s3 =	simm.s32 @!p0 $0x1082;
	s9 =	sld [smem:$0x3F96]  }
0x2f: {  	lr =	sadd.s32 s0, s3;
	s0 =	sld [smem:$0x3F8D]  }
0x30: {  	s3 =	sld [smem:$0x3F90]  }
0x31: {  	[smem:$0x3F99] =	sst s10  }
0x32: {  	s10 =	sld [smem:$0x3F97];
	_ =	sdelay $0x3  }
0x33: {  	p0 =	seq.s32 s10, $0x1;
	s10 =	sld [smem:$0x3F99];
	_ =	sdelay $0x3  }
0x34: {  	[smem:$0x3F99] =	sst s10  }
0x35: {  	s10 =	sld [smem:$0x3F98];
	_ =	sdelay $0x3  }
0x36: {  	p1 =	seq.s32 s10, $0x1;
	s10 =	sld [smem:$0x3F99];
	_ =	sdelay $0x3  }
0x37: {  	[smem:$0x3F99] =	sst s10  }
0x38: {  	s10 =	sld [smem:$0x3F9A]  }
0x39: {  	_ = 	snop;
	(pc) =	sbr.ind lr, $3  }
0x3a: {  	_ = 	snop  }
0x3b: {  	_ = 	snop  }
0x3c: {  	p2 =	seq.s32 s10, $0x1;
	s10 =	sld [smem:$0x3F99]  }
0x3d: {  	_ =	shalt  }
0x3e: {  	_ =	shalt  }
0x3f: {  	_ =	shalt  }
0x40: {  	_ =	shalt  }
0x41: {  	_ =	shalt  }
0x42: {  	_ =	shalt  }
0x43: {  	_ =	shalt  }
0x44: {  	_ =	shalt  }
0x45: {  	_ =	shalt  }
0x46: {  	_ =	shalt  }
0x47: {  	_ =	shalt  }
0x48: {  	_ =	shalt  }
0x49: {  	_ =	shalt  }
0x4a: {  	_ =	shalt  }
0x4b: {  	_ =	shalt  }
0x4c: {  	_ =	shalt  }
0x4d: {  	_ =	shalt  }
0x4e: {  	_ =	shalt  }
0x4f: {  	_ =	shalt  }
0x50: {  	_ =	shalt  }
0x51: {  	_ =	shalt  }
0x52: {  	_ =	shalt  }
0x53: {  	_ =	shalt  }
0x54: {  	_ =	shalt  }
0x55: {  	_ =	shalt  }
0x56: {  	_ =	shalt  }
0x57: {  	_ =	shalt  }
0x58: {  	_ =	shalt  }
0x59: {  	_ =	shalt  }
0x5a: {  	_ =	shalt  }
0x5b: {  	_ =	shalt  }
0x5c: {  	_ =	shalt  }
0x5d: {  	_ =	shalt  }
0x5e: {  	_ =	shalt  }
0x5f: {  	_ =	shalt  }
0x60: {  	_ =	shalt  }
0x61: {  	_ =	shalt  }
0x62: {  	_ =	shalt  }
0x63: {  	_ =	shalt  }
0x64: {  	_ =	shalt  }
0x65: {  	_ =	shalt  }
0x66: {  	_ =	shalt  }
0x67: {  	_ =	shalt  }
0x68: {  	_ =	shalt  }
0x69: {  	_ =	shalt  }
0x6a: {  	_ =	shalt  }
0x6b: {  	_ =	shalt  }
0x6c: {  	_ =	shalt  }
0x6d: {  	_ =	shalt  }
0x6e: {  	_ =	shalt  }
0x6f: {  	_ =	shalt  }
0x70: {  	_ =	shalt  }
0x71: {  	_ =	shalt  }
0x72: {  	_ =	shalt  }
0x73: {  	_ =	shalt  }
0x74: {  	_ =	shalt  }
0x75: {  	_ =	shalt  }
0x76: {  	_ =	shalt  }
0x77: {  	_ =	shalt  }
0x78: {  	_ =	shalt  }
0x79: {  	_ =	shalt  }
0x7a: {  	_ =	shalt  }
0x7b: {  	_ =	shalt  }
0x7c: {  	_ =	shalt  }
0x7d: {  	_ =	shalt  }
0x7e: {  	_ =	shalt  }
0x7f: {  	_ =	shalt  }
0x80: {  	_ =	shalt  }
0x81: {  	_ =	shalt  }
0x82: {  	_ =	shalt  }
0x83: {  	_ =	shalt  }
0x84: {  	_ =	shalt  }
0x85: {  	_ =	shalt  }
0x86: {  	_ =	shalt  }
0x87: {  	_ =	shalt  }
.Lfunc_end0:
.L_simem_size_0:
called_computation_lowered:
.L_overlay_start_0:
0x88: {  	s2 =	sld [smem:$0x3FD9]  }
0x89: {  	s3 =	sld [smem:$0x3FFE];
	_ =	sdelay $0x1  }
0x8a: {  	s1 =	srdreg.scid  }
0x8b: {  	s0 =	sand.u32 $0x1, s1  }
0x8c: {  	s16 =	sshll.u32 s0, $0xA;
	s2 =	sadd.s32 s3, s2  }
0x8d: {  	s2 =	sadd.s32 s2, s16  }
0x8e: {  	[smem:$0x3FA5] =	sst s2  }
0x8f: {  	_ = 	snop  }
0x90: {  	(tm) =	ssettm $0x1  }
0x91: {  	s17 =	sld [smem:$0x3FFB];
	_ =	sdelay $0x3  }
0x92: {  	_ =	strace s17  }
0x93: {  	s2 =	sld [smem:$0x3FFC];
	_ =	sdelay $0x3  }
0x94: {  	_ =	strace s2  }
0x95: {  	s2 =	sld [smem:$0x3FFD];
	_ =	sdelay $0x3  }
0x96: {  	_ =	strace s2  }
0x97: {  	_ =	strace $0x8FFFFFFF  }
0x98: {  	s18 =	sld [smem:$0x3FDB];
	_ =	sdelay $0x1  }
0x99: {  	s19 =	simm.s32 $_scs_section_size  }
0x9a: {  	s4 =	simm.s32 $_size__tile_overlayer_lowered;
	s5 =	simm.s32 $_tile_overlayer_lowered  }
0x9b: {  	s22 =	simm.s32 $0x1BFF;
	s21 =	sshll.u32 s5, $0x1;
	s2 =	sadd.s32 s19, s18  }
0x9c: {  	s6 =	simm.s32 $0x0;
	s20 =	sshll.u32 s4, $0x1;
	s4 =	sadd.s32 s21, s2  }
0x9d: {  	[timem:s6], [sflag:s22] =	dma.local [hbm:s4], s20  }
0x9e: {  	_ =	swait.ge [sflag:s22], s20  }
0x9f: {  	s3 =	ssub.s32 $0x0, s20;
	[sflag:s22] =	ssyncset.done $0x0  }
0xa0: {  	[sflag:s22] =	ssyncadd.s32 s3;
	_ =	sdelay $0x1  }
0xa1: {  	s23 =	simm.s32 $0x1B8B  }
0xa2: {  	_ =	swait.ge [sflag:s23], $0x1  }
0xa3: {  	[sflag:s23] =	ssyncset.done $0x0  }
0xa4: {  	s25 =	simm.s32 $0x1B8E;
	s24 =	sld [smem:$0x3FFE];
	[sflag:s23] =	ssyncadd.s32 $0xFFFFFFFF  }
0xa5: {  	s26 =	simm.s32 $execute0_lowered;
	[smem:$0x3FD2] =	sst s25  }
0xa6: {  	s4 =	sshll.u32 s26, $0x1;
	_ =	strace $0x80000046;
	[dreg:$0x1] =	wrdreg $0xFFFFFFFF  }
0xa7: {  	s28 =	simm.s32 $_size_execute0_lowered;
	s2 =	sadd.s32 s2, s4;
	[dreg:$0x0] =	wrdreg $0x0  }
0xa8: {  	s4 =	sshll.u32 s28, $0x1;
	[dreg:$0x2] =	wrdreg s2  }
0xa9: {  	[dreg:$0x3] =	wrdreg s4  }
0xaa: {  	[dreg:$0x4] =	wrdreg $0xC0  }
0xab: {  	_ =	task [dreg:s6], $0x5FFFF  }
0xac: {  	[dreg:$0x1] =	wrdreg $0xFFFFFFFF  }
0xad: {  	[dreg:$0x0] =	wrdreg $0x60  }
0xae: {  	[dreg:$0x2] =	wrdreg s24  }
0xaf: {  	[dreg:$0x3] =	wrdreg $0x61000  }
0xb0: {  	[dreg:$0x4] =	wrdreg $0x9  }
0xb1: {  	_ =	task.clear_ibuf [dreg:s6], $0x5FFFF;
	_ =	strace $0x90000046  }
0xb2: {  	s29 =	simm.s32 $0x9;
	_ =	strace $0x80000048  }
0xb3: {  	_ =	swait.ge [sflag:s29], $0x1  }
0xb4: {  	[sflag:s29] =	ssyncadd.s32 $0xFFFFFFFF  }
0xb5: {  	_ =	strace $0x90000048  }
0xb6: {  	_ =	sfence  }
0xb7: {  	s30 =	sld [smem:$0x0];
	_ =	sdelay $0x2  }
0xb8: {  	s31 =	sshll.u32 s1, $0xD;
	s1 =	sshrl.u32 s1, $0x2  }
0xb9: {  	s3 =	sand.u32 $0x4000, s31;
	s1 =	sadd.s32 s1, s30  }
0xba: {  	s0 =	sor.u32 s3, s0;
	s1 =	sshll.u32 s1, $0x11  }
0xbb: {  	s0 =	sor.u32 s1, s0  }
0xbc: {  	s0 =	sadd.s32 $0x8F2B, s0  }
0xbd: {  	[sflag:s0] =	ssyncadd.remote.s32 $0x1  }
0xbe: {  	_ =	sfence.sel $0xFFFF  }
0xbf: {  	[dreg:$0x0] =	wrdreg $0xFFFFFFFF;
	(pc) =	sbr.abs _section_cstart, $3  }
0xc0: {  	[dreg:$0x1] =	wrdreg $0xFFFFFFFF  }
0xc1: {  	_ =	task.clear_ibuf [dreg:s6], $0x2FFFF;
	_ =	strace $0x9FFFFFFF  }
0xc2: {  	(tm) =	ssettm $0x7FFFFFFF  }
0xc3: {  	_ =	shalt  }
tec
execute0_lowered:
.L_overlay_start_1:
0x0: {  	(tag) =	ssettag $0x1  }
0x1: {  	s6 =	rddreg [dreg:$0x0]  }
0x2: {  	s1 =	rddreg [dreg:$0x1]  }
0x3: {  	s0 =	rddreg [dreg:$0x2];
	s2 =	simm.s32 $0x0  }
0x4: {  	s5 =	srdreg.scid;
	s8 =	stileid.u32;
	s12 =	simm.s32 $0x40  }
0x5: {  	s13 =	simm.s32 $0x100;
	s14 =	simm.s32 $0x2100;
	s15 =	simm.s32 $0x1  }
0x6: {  	s16 =	simm.s32 $0x2;
	s17 =	simm.s32 $0x4100;
	s18 =	simm.s32 $0x0  }
0x7: {  	[smem:$0x7FF] =	sst s2;
	s3 =	sadd.s32 $0x38800, s6;
	s4 =	sadd.s32 $0x10800, s6  }
0x8: {  	s7 =	sand.u32 $0x1, s5;
	s5 =	sadd.s32 $0x24800, s6;
	s6 =	sadd.s32 $0x86C00, s6  }
0x9: {  	s11 =	sshll.u32 s8, $0x1;
	p0 =	sne.s32 s8, $0x0;
	s9 =	ssub.s32 $0x2, s7  }
0xa: {  	_ =	strace $0x80000047;
	s7 =	sor.u32 s7, s11;
	s10 =	sshrl.u32 s9, $0x1  }
0xb: {  	s11 =	simm.s32 $0x80;
	s7 =	smul.u32 $0xA0, s7;
	s9 =	ssub.s32 s9, s10  }
0xc: {  	vm0 =	vcmask $0xB10;
	s10 =	simm.s32 $0x3;
	s8 =	smax.u32 s9, $0x1;
	s9 =	sshrl.u32 @!p0 s1, $0x3  }
.LBB2_1:
0xd: {  	s19 =	simm.s32 @!p0 $0x1C03  }
0xe: {  	[spmem:s9], [sflag:s19] =	dma.local @!p0 [hbm:s3], $0x27100  }
0xf: {  	s19 =	simm.s32 @!p0 $0x3  }
0x10: {  	_ =	swait.ge @!p0 [sflag:s19], $0x27100  }
0x11: {  	[sflag:s19] =	ssyncset.done @!p0 $0x0  }
0x12: {  	[sflag:s19] =	ssyncadd.s32 @!p0 $0xFFFD8F00  }
0x13: {  	s19 =	simm.s32 $0x0;
	[bflag:$0x0] =	sbarrier.arrive $0xFFFF  }
.LBB2_2:
0x14: {  	s20 =	sadd.s32 s7, s19  }
0x15: {  	s21 =	sshll.u32 s20, $0x4  }
0x16: {  	s23 =	simm.s32 $0x0;
	s22 =	sadd.s32 s4, s21  }
0x17: {  	[tilespmem:s23], [sflag:$0x3] =	stream.linear.gather [hbm4b:s22+s23], $0x80, $0x38;
	[tilespmem:$0x19980] =	vst v63  }
0x18: {  	_ =	swait.ge [sflag:s10], $0x80  }
0x19: {  	[sflag:s10] =	ssyncset.done $0x0  }
0x1a: {  	s21 =	sadd.s32 s5, s21;
	[sflag:s10] =	ssyncadd.s32 $0xFFFFFF80  }
0x1b: {  	[tilespmem:s11], [sflag:$0x3] =	stream.linear.gather [hbm4b:s21+s23], $0x80, $0x38;
	[tilespmem:$0x19980] =	vst v63  }
0x1c: {  	_ =	swait.ge [sflag:s10], $0x80  }
0x1d: {  	[sflag:s10] =	ssyncset.done $0x0  }
0x1e: {  	[sflag:s10] =	ssyncadd.s32 $0xFFFFFF80  }
0x1f: {  	[tilespmem:s13], [sflag:$0x1] =	stream.indirect.gather [spmem:s1], $0x80, s23, s12, $0xb8;
	[tilespmem:$0x19980] =	vst v63  }
0x20: {  	_ = 	snop  }
0x21: {  	[tilespmem:s14], [sflag:$0x2] =	stream.indirect.gather [spmem:s1], $0x80, s11, s12, $0xb8;
	[tilespmem:$0x19980] =	vst v63  }
0x22: {  	_ =	swait.ge [sflag:s15], $0x2000  }
0x23: {  	[sflag:s15] =	ssyncset.done $0x0  }
0x24: {  	[sflag:s15] =	ssyncadd.s32 $0xFFFFE000  }
0x25: {  	_ =	swait.ge [sflag:s16], $0x2000  }
0x26: {  	[sflag:s16] =	ssyncset.done $0x0  }
0x27: {  	s21 =	simm.s32 $0x0;
	[sflag:s16] =	ssyncadd.s32 $0xFFFFE000  }
0x28: {  	v0 =	vld [tilespmem:s21+$0x2A0]  }
0x29: {  	v1 =	vld [tilespmem:s21+$0x22A0]  }
0x2a: {  	v2 =	vld [tilespmem:s21+$0x120]  }
0x2b: {  	v3 =	vld [tilespmem:s21+$0x2120]  }
0x2c: {  	v4 =	vld [tilespmem:s21+$0x1A0]  }
0x2d: {  	v5 =	vld [tilespmem:s21+$0x21A0]  }
0x2e: {  	v6 =	vld [tilespmem:s21+$0x220]  }
0x2f: {  	v7 =	vld [tilespmem:s21+$0x2220]  }
0x30: {  	v8 =	vld [tilespmem:s21+$0x100]  }
0x31: {  	v9 =	vld [tilespmem:s21+$0x2110];
	v1 =	vsub.f32 v0, v1  }
0x32: {  	v10 =	vld [tilespmem:s21+$0x180];
	v3 =	vsub.f32 v2, v3  }
0x33: {  	v0 =	vsel vm0, v1, v0;
	v1 =	vsub.f32 v4, v5;
	v5 =	vld [tilespmem:s21+$0x2190]  }
0x34: {  	[tilespmem:s21+$0x4290] =	vst v0;
	v0 =	vsel vm0, v3, v2;
	v2 =	vsub.f32 v6, v7;
	v3 =	vld [tilespmem:s21+$0x2210]  }
0x35: {  	[tilespmem:s21+$0x4110] =	vst v0;
	v0 =	vsel vm0, v1, v4;
	v1 =	vld [tilespmem:s21+$0x200]  }
0x36: {  	v4 =	vld [tilespmem:s21+$0x2290];
	[tilespmem:s21+$0x4190] =	vst v0;
	v0 =	vsel vm0, v2, v6;
	v6 =	vmul.f32 v9, v8  }
0x37: {  	s22 =	simm.s32 $0x200;
	v2 =	vld [tilespmem:s21+$0x280];
	[tilespmem:s21+$0x4210] =	vst v0  }
0x38: {  	s23 =	simm.s32 $0x1000;
	v0 =	vld [tilespmem:s22+$0x2A0];
	[tilespmem:s21+$0x4100] =	vst v6;
	v5 =	vmul.f32 v5, v10  }
.LBB2_3:
0x39: {  	p1 =	sne.s32 s23, $0x7800;
	v6 =	vld [tilespmem:s22+$0x22A0]  }
0x3a: {  	v7 =	vld [tilespmem:s22+$0x120];
	[tilespmem:s21+$0x4180] =	vst v5;
	v1 =	vmul.f32 v3, v1  }
0x3b: {  	v3 =	vld [tilespmem:s22+$0x2120]  }
0x3c: {  	v5 =	vld [tilespmem:s22+$0x1A0];
	[tilespmem:s21+$0x4200] =	vst v1;
	v1 =	vmul.f32 v4, v2  }
0x3d: {  	v2 =	vld [tilespmem:s22+$0x21A0]  }
0x3e: {  	v4 =	vld [tilespmem:s22+$0x220];
	v6 =	vsub.f32 v0, v6;
	[tilespmem:s21+$0x4280] =	vst v1;
	s21 =	smov.u32 s22  }
0x3f: {  	v8 =	vld [tilespmem:s21+$0x2220]  }
0x40: {  	v9 =	vld [tilespmem:s21+$0x100];
	v1 =	vsub.f32 v7, v3;
	v0 =	vsel vm0, v6, v0  }
0x41: {  	v6 =	vld [tilespmem:s21+$0x2110];
	[tilespmem:s21+$0x4290] =	vst v0  }
0x42: {  	v0 =	vsel vm0, v1, v7;
	v7 =	vld [tilespmem:s21+$0x180];
	v1 =	vsub.f32 v5, v2  }
0x43: {  	[tilespmem:s21+$0x4110] =	vst v0;
	v10 =	vld [tilespmem:s21+$0x2190]  }
.Ltmp0:
0x44: {  	v0 =	vsel vm0, v1, v5;
	v1 =	vld [tilespmem:s21+$0x200];
	v2 =	vsub.f32 v4, v8;
	(pc) =	sbr.rel @p1 .LBB2_3-.Ltmp0, $4  }
0x45: {  	[tilespmem:s21+$0x4190] =	vst v0;
	v3 =	vld [tilespmem:s21+$0x2210]  }
0x46: {  	v5 =	vmul.f32 v6, v9;
	v0 =	vsel vm0, v2, v4;
	v2 =	vld [tilespmem:s21+$0x280]  }
0x47: {  	s22 =	sshra.s32 s23, $0x2;
	[tilespmem:s21+$0x4210] =	vst v0;
	v4 =	vld [tilespmem:s21+$0x2290]  }
0x48: {  	s23 =	sadd.s32 $0x800, s23;
	v0 =	vld [tilespmem:s22+$0x2A0];
	[tilespmem:s21+$0x4100] =	vst v5;
	v5 =	vmul.f32 v10, v7  }
0x49: {  	v6 =	vld [tilespmem:s22+$0x22A0]  }
0x4a: {  	v7 =	vld [tilespmem:s22+$0x120];
	[tilespmem:s21+$0x4180] =	vst v5;
	v1 =	vmul.f32 v3, v1  }
0x4b: {  	v48 =	vld [tilespmem:s22+$0x2120]  }
0x4c: {  	v5 =	vld [tilespmem:s22+$0x1A0];
	[tilespmem:s21+$0x4200] =	vst v1;
	v49 =	vmul.f32 v4, v2  }
0x4d: {  	v50 =	vld [tilespmem:s22+$0x21A0]  }
0x4e: {  	v51 =	vld [tilespmem:s22+$0x220];
	[tilespmem:s21+$0x4280] =	vst v49  }
0x4f: {  	v53 =	vld [tilespmem:s22+$0x2220]  }
0x50: {  	v8 =	vld [tilespmem:s22+$0x100]  }
0x51: {  	v54 =	vld [tilespmem:s22+$0x2110]  }
0x52: {  	v56 =	vld [tilespmem:s22+$0x180]  }
0x53: {  	v57 =	vld [tilespmem:s22+$0x2190]  }
0x54: {  	v58 =	vld [tilespmem:s22+$0x200]  }
0x55: {  	v52 =	vsub.f32 v0, v6;
	v59 =	vld [tilespmem:s22+$0x2210]  }
0x56: {  	v60 =	vld [tilespmem:s22+$0x280];
	v3 =	vsub.f32 v7, v48  }
0x57: {  	v61 =	vld [tilespmem:s22+$0x2290];
	v0 =	vsel vm0, v52, v0;
	v2 =	vsub.f32 v5, v50  }
0x58: {  	[tilespmem:s22+$0x4290] =	vst v0;
	v55 =	vsel vm0, v3, v7  }
0x59: {  	[tilespmem:s22+$0x4110] =	vst v55;
	v2 =	vsel vm0, v2, v5;
	v1 =	vmul.f32 v54, v8  }
0x5a: {  	v0 =	vmul.f32 v57, v56;
	[tilespmem:s22+$0x4190] =	vst v2  }
0x5b: {  	v62 =	vmul.f32 v59, v58;
	[tilespmem:s22+$0x4100] =	vst v1  }
0x5c: {  	v6 =	vsub.f32 v51, v53;
	v63 =	vmul.f32 v61, v60;
	[tilespmem:s22+$0x4180] =	vst v0  }
0x5d: {  	s19 =	sadd.s32 $0x1, s19;
	[tilespmem:s22+$0x4200] =	vst v62  }
0x5e: {  	s20 =	sshll.u32 s20, $0xA;
	p1 =	sne.s32 s19, $0xA0;
	v4 =	vsel vm0, v6, v51;
	[tilespmem:s22+$0x4280] =	vst v63  }
.Ltmp1:
0x5f: {  	s20 =	sadd.s32 s6, s20;
	[tilespmem:s22+$0x4210] =	vst v4;
	(pc) =	sbr.rel @p1 .LBB2_2-.Ltmp1, $4  }
0x60: {  	[hbm4b:s20+s2] =	stream.linear.scatter [tilespmem:s17], [sflag:$0x3], $0x2000, $0x38;
	[tilespmem:$0x19980] =	vst v63  }
0x61: {  	_ =	swait.ge [sflag:s10], $0x2000  }
0x62: {  	[sflag:s10] =	ssyncset.done $0x0  }
0x63: {  	[sflag:s10] =	ssyncadd.s32 $0xFFFFE000  }
0x64: {  	s18 =	sadd.s32 $0x1, s18  }
0x65: {  	p1 =	sne.s32 s18, s8  }
.Ltmp2:
0x66: {  	_ = 	snop;
	(pc) =	sbr.rel @p1 .LBB2_1-.Ltmp2, $1  }
0x67: {  	_ =	sdelay $0x3  }
0x68: {  	_ =	sfence.sel $0x180000  }
0x69: {  	[bflag:$0x0] =	sbarrier.arrive $0xFFFF  }
0x6a: {  	_ =	strace $0x90000047  }
0x6b: {  	s0 =	sadd.s32 @!p0 $0x100000, s0;
	[bflag:$0x2] =	sbarrier.arrive $0xFFFF  }
0x6c: {  	[sflag:s0] =	ssyncadd.tile.s32 @!p0 $0x1;
	_ =	shalt  }
.Lfunc_end2:
_tile_overlayer_lowered:
.L_overlay_start_2:
0x6d: {  	(tag) =	ssettag $0x2  }
0x6e: {  	s0 =	rddreg [dreg:$0x0];
	s2 =	stileid.u32  }
0x6f: {  	s1 =	rddreg [dreg:$0x1];
	p0 =	sne.s32 s2, $0x0  }
0x70: {  	s3 =	rddreg [dreg:$0x2];
	[bflag:$0x3] =	sbarrier.arrive $0xFFFF;
	s2 =	simm.s32 @!p0 $0x1C03  }
0x71: {  	[timem:s3], [sflag:s2] =	dma.local @!p0 [hbm:s0], s1  }
0x72: {  	s0 =	simm.s32 @!p0 $0x3  }
0x73: {  	_ =	swait.ge @!p0 [sflag:s0], s1  }
0x74: {  	s1 =	ssub.s32 @!p0 $0x0, s1;
	[sflag:s0] =	ssyncset.done @!p0 $0x0  }
0x75: {  	[sflag:s0] =	ssyncadd.s32 @!p0 s1  }
0x76: {  	[bflag:$0x3] =	sbarrier.arrive $0xFFFF  }
0x77: {  	_ =	shalt  }

</sc_bundles>
